<compile_context>
chip_gen: v7x
topology: tpu7x:2x2x1
jax: 0.10.2.dev20260603
libtpu: 0.0.44.dev20260713+nightly
codegen_flags: <defaults>
</compile_context>

<pallas_src>
import functools

import jax
import jax.numpy as jnp
from jax import lax
from jax.experimental import pallas as pl
from jax.experimental.pallas import tpu as pltpu
from jax.experimental.pallas import tpu_sc as plsc

N = 10000
NP = 10240
D = 128
DH = 64
DO = 64
E = 320000
G = 16
DUMP = 10000

CK = 128
CHA = 80
CHD = 80
EP = 32 * CHA * CK
STRIPE = NP // 16



def _deg_body(dstr, vals, zeros, out, dst_v, vals_v, zbuf, deg_sh):
  c = lax.axis_index("c")
  s = lax.axis_index("s")
  wid = c * 16 + s
  pltpu.sync_copy(zeros, zbuf)
  for k in range(STRIPE // 64):
    pltpu.sync_copy(zbuf, deg_sh.at[pl.ds(s * STRIPE + k * 64, 64)])
  plsc.subcore_barrier()
  pltpu.sync_copy(dstr.at[wid], dst_v)
  pltpu.sync_copy(vals, vals_v)

  def body(j, carry):
    pltpu.sync_copy(vals_v, deg_sh.at[dst_v.at[j]], add=True)
    return carry

  lax.fori_loop(0, CHD, body, 0)
  plsc.subcore_barrier()
  pltpu.sync_copy(deg_sh.at[pl.ds(s * STRIPE, STRIPE)],
                  out.at[c, pl.ds(s * STRIPE, STRIPE)])


@functools.lru_cache(maxsize=None)
def _deg_call():
  mesh = plsc.VectorSubcoreMesh(core_axis_name="c", subcore_axis_name="s")
  return pl.kernel(
      _deg_body,
      out_type=jax.ShapeDtypeStruct((2, NP, 16), jnp.float32),
      mesh=mesh,
      scratch_types=[
          pltpu.VMEM((CHD, CK), jnp.int32),
          pltpu.VMEM((CK, 16), jnp.float32),
          pltpu.VMEM((64, 16), jnp.float32),
          pltpu.VMEM_SHARED((NP, 16), jnp.float32),
      ],
      compiler_params=pltpu.CompilerParams(use_tc_tiling_on_sc=False),
  )


NB = 4
LA = 2


def _agg_body(z2_hbm, srcr, dstr, zeros, out, src_v, dst_v, rows, zbuf,
              agg_sh, gsem, ssem):
  c = lax.axis_index("c")
  s = lax.axis_index("s")
  wid = c * 16 + s
  pltpu.sync_copy(zeros, zbuf)
  for k in range(STRIPE // 64):
    pltpu.sync_copy(zbuf, agg_sh.at[pl.ds(s * STRIPE + k * 64, 64)])
  pltpu.sync_copy(srcr.at[wid], src_v)
  pltpu.sync_copy(dstr.at[wid], dst_v)
  plsc.subcore_barrier()

  def gather(j, b):
    pltpu.async_copy(z2_hbm.at[src_v.at[j]], rows[b], gsem[b])

  def scatter(j, b):
    pltpu.async_copy(rows[b], agg_sh.at[dst_v.at[j]], ssem[b], add=True)

  def wait_gather(j, b):
    pltpu.make_async_copy(z2_hbm.at[src_v.at[j]], rows[b], gsem[b]).wait()

  def wait_scatter(j, b):
    pltpu.make_async_copy(rows[b], agg_sh.at[dst_v.at[j]], ssem[b]).wait()

  for b in range(LA):
    gather(b, b)

  def body(t, carry):
    for b in range(NB):
      j = t * NB + b
      wait_gather(j, b)
      scatter(j, b)
      bg = (b + LA) % NB
      jn = j + LA

      @pl.when(jn < CHA)
      def _next():
        @pl.when(jn >= NB)
        def _drain():
          wait_scatter(jn - NB, bg)
        gather(jn, bg)

    return carry

  lax.fori_loop(0, CHA // NB, body, 0)
  for b in range(NB):
    wait_scatter(CHA - NB + b, (CHA - NB + b) % NB)
  plsc.subcore_barrier()
  pltpu.sync_copy(agg_sh.at[pl.ds(s * STRIPE, STRIPE)],
                  out.at[c, pl.ds(s * STRIPE, STRIPE)])


@functools.lru_cache(maxsize=None)
def _agg_call():
  mesh = plsc.VectorSubcoreMesh(core_axis_name="c", subcore_axis_name="s")
  return pl.kernel(
      _agg_body,
      out_type=jax.ShapeDtypeStruct((2, NP, D), jnp.bfloat16),
      mesh=mesh,
      scratch_types=[
          pltpu.VMEM((CHA, CK), jnp.int32),
          pltpu.VMEM((CHA, CK), jnp.int32),
          [pltpu.VMEM((CK, D), jnp.bfloat16)] * NB,
          pltpu.VMEM((64, D), jnp.bfloat16),
          pltpu.VMEM_SHARED((NP, D), jnp.bfloat16),
          [pltpu.SemaphoreType.DMA] * NB,
          [pltpu.SemaphoreType.DMA] * NB,
      ],
      compiler_params=pltpu.CompilerParams(use_tc_tiling_on_sc=False),
  )



def _dinv_of(degp):
  deg = degp[0, :, 0:1] + degp[1, :, 0:1] + 1.0
  return lax.rsqrt(jnp.maximum(deg, 1.0))


def _tc1_body(x_ref, w_ref, degp_ref, z_ref):
  dinv = _dinv_of(degp_ref[...])
  z_ref[...] = (jnp.dot(x_ref[...], w_ref[...],
                        preferred_element_type=jnp.float32)
                * dinv).astype(jnp.bfloat16)


_tc1_call = pl.pallas_call(
    _tc1_body,
    grid=(NP // 1024,),
    in_specs=[
        pl.BlockSpec((1024, D), lambda i: (i, 0)),
        pl.BlockSpec((D, D), lambda i: (0, 0)),
        pl.BlockSpec((2, 1024, 16), lambda i: (0, i, 0)),
    ],
    out_specs=pl.BlockSpec((1024, D), lambda i: (i, 0)),
    out_shape=jax.ShapeDtypeStruct((NP, D), jnp.bfloat16),
)


def _tc2_body(s_ref, z_ref, degp_ref, b_ref, w_ref, z2_ref):
  dinv = _dinv_of(degp_ref[...])
  sp = s_ref[...].astype(jnp.float32)
  zp = z_ref[...].astype(jnp.float32)
  sz = sp[0] + sp[1] + zp
  h = jax.nn.relu(dinv * sz + b_ref[...])
  z2_ref[...] = (jnp.dot(h, w_ref[...],
                         preferred_element_type=jnp.float32)
                 * dinv).astype(jnp.bfloat16)


_tc2_call = pl.pallas_call(
    _tc2_body,
    grid=(NP // 1024,),
    in_specs=[
        pl.BlockSpec((2, 1024, D), lambda i: (0, i, 0)),
        pl.BlockSpec((1024, D), lambda i: (i, 0)),
        pl.BlockSpec((2, 1024, 16), lambda i: (0, i, 0)),
        pl.BlockSpec((1, D), lambda i: (0, 0)),
        pl.BlockSpec((D, D), lambda i: (0, 0)),
    ],
    out_specs=pl.BlockSpec((1024, D), lambda i: (i, 0)),
    out_shape=jax.ShapeDtypeStruct((NP, D), jnp.bfloat16),
)


def _tc3_body(s_ref, z_ref, degp_ref, b_ref, batch_ref, wmu_ref, bmu_ref,
              wlv_ref, blv_ref, sums_ref, counts_ref, mu_ref, lv_ref):
  i = pl.program_id(0)
  dinv = _dinv_of(degp_ref[...])
  sp = s_ref[...].astype(jnp.float32)
  zp = z_ref[...].astype(jnp.float32)
  sz = sp[0] + sp[1] + zp
  h = jax.nn.relu(dinv * sz + b_ref[...])
  onehot = (batch_ref[...] == lax.broadcasted_iota(jnp.int32, (1, G), 1)
            ).astype(jnp.float32)

  @pl.when(i == 0)
  def _init():
    sums_ref[...] = jnp.zeros_like(sums_ref)
    counts_ref[...] = jnp.zeros_like(counts_ref)

  sums_ref[...] += lax.dot_general(onehot, h, (((0,), (0,)), ((), ())),
                                   preferred_element_type=jnp.float32)
  counts_ref[...] += lax.dot_general(
      onehot, jnp.ones((1024, 1), jnp.float32), (((0,), (0,)), ((), ())),
      preferred_element_type=jnp.float32)

  @pl.when(i == pl.num_programs(0) - 1)
  def _fini():
    pooled = sums_ref[...] / jnp.maximum(counts_ref[...], 1.0)
    mu_ref[...] = jnp.dot(pooled, wmu_ref[...],
                          preferred_element_type=jnp.float32) + bmu_ref[...]
    lv_ref[...] = jnp.dot(pooled, wlv_ref[...],
                          preferred_element_type=jnp.float32) + blv_ref[...]


_tc3_call = pl.pallas_call(
    _tc3_body,
    grid=(NP // 1024,),
    in_specs=[
        pl.BlockSpec((2, 1024, D), lambda i: (0, i, 0)),
        pl.BlockSpec((1024, D), lambda i: (i, 0)),
        pl.BlockSpec((2, 1024, 16), lambda i: (0, i, 0)),
        pl.BlockSpec((1, D), lambda i: (0, 0)),
        pl.BlockSpec((1024, 1), lambda i: (i, 0)),
        pl.BlockSpec((D, DO), lambda i: (0, 0)),
        pl.BlockSpec((1, DO), lambda i: (0, 0)),
        pl.BlockSpec((D, DO), lambda i: (0, 0)),
        pl.BlockSpec((1, DO), lambda i: (0, 0)),
    ],
    out_specs=[
        pl.BlockSpec((G, D), lambda i: (0, 0)),
        pl.BlockSpec((G, 1), lambda i: (0, 0)),
        pl.BlockSpec((G, DO), lambda i: (0, 0)),
        pl.BlockSpec((G, DO), lambda i: (0, 0)),
    ],
    out_shape=[
        jax.ShapeDtypeStruct((G, D), jnp.float32),
        jax.ShapeDtypeStruct((G, 1), jnp.float32),
        jax.ShapeDtypeStruct((G, DO), jnp.float32),
        jax.ShapeDtypeStruct((G, DO), jnp.float32),
    ],
)



@jax.jit
def _run(x, edge_index, batch, W1, b1, W2, b2, Wmu, bmu, Wlv, blv):
  src = edge_index[0]
  dst = edge_index[1]
  pad = jnp.full((EP - E,), DUMP, dtype=jnp.int32)
  src_p = jnp.concatenate([src, pad])
  dst_p = jnp.concatenate([dst, pad])
  srca = src_p.reshape(32, CHA, CK)
  dsta = dst_p.reshape(32, CHA, CK)
  dstd = dst_p.reshape(32, CHD, CK)

  x_p = jnp.pad(x, ((0, NP - N), (0, 0)))
  batch_p = jnp.pad(batch, (0, NP - N), constant_values=G).reshape(NP, 1)

  zeros_h = jnp.zeros((64, D), jnp.bfloat16)
  zeros16 = jnp.zeros((64, 16), jnp.float32)
  ones16 = jnp.zeros((CK, 16), jnp.float32).at[:, 0].set(1.0)

  degp = _deg_call()(dstd, ones16, zeros16)
  z1 = _tc1_call(x_p, W1, degp)
  s1 = _agg_call()(z1, srca, dsta, zeros_h)
  z2 = _tc2_call(s1, z1, degp, b1.reshape(1, D), W2)
  s2 = _agg_call()(z2, srca, dsta, zeros_h)
  _, _, mu, logvar = _tc3_call(s2, z2, degp, b2.reshape(1, D), batch_p,
                               Wmu, bmu.reshape(1, DO), Wlv, blv.reshape(1, DO))
  return mu, logvar


def kernel(x, edge_index, batch, W1, b1, W2, b2, Wmu, bmu, Wlv, blv):
  return _run(x, edge_index, batch, W1, b1, W2, b2, Wmu, bmu, Wlv, blv)

# --- scband reference (transcript-rebuilt; emitter-appended) ---
"""Pipeline reference for scband-encoder-70935679861344 (READ-ONLY COPY).

The authoritative reference and input builder live on the scoring server;
editing this copy changes nothing except your own understanding.
"""

import jax, jax.numpy as jnp
import numpy as np

N = 10000
E = 320000
D_IN = 128
D_HID = 128
D_OUT = 64
NUM_GRAPHS = 16


def setup_inputs(seed: int = 0) -> dict:
    key = jax.random.key(seed)
    ks = jax.random.split(key, 12)
    x = jax.random.normal(ks[0], (N, D_IN), dtype=jnp.float32)
    edge_index = jax.random.randint(ks[1], (2, E), 0, N, dtype=jnp.int32)
    batch = jnp.sort(jax.random.randint(ks[2], (N,), 0, NUM_GRAPHS, dtype=jnp.int32))
    W1 = jax.random.normal(ks[3], (D_IN, D_HID), dtype=jnp.float32) * (1.0 / np.sqrt(D_IN))
    b1 = jnp.zeros((D_HID,), dtype=jnp.float32)
    W2 = jax.random.normal(ks[4], (D_HID, D_HID), dtype=jnp.float32) * (1.0 / np.sqrt(D_HID))
    b2 = jnp.zeros((D_HID,), dtype=jnp.float32)
    Wmu = jax.random.normal(ks[5], (D_HID, D_OUT), dtype=jnp.float32) * (1.0 / np.sqrt(D_HID))
    bmu = jnp.zeros((D_OUT,), dtype=jnp.float32)
    Wlv = jax.random.normal(ks[6], (D_HID, D_OUT), dtype=jnp.float32) * (1.0 / np.sqrt(D_HID))
    blv = jnp.zeros((D_OUT,), dtype=jnp.float32)
    return {"x": x, "edge_index": edge_index, "batch": batch,
            "W1": W1, "b1": b1, "W2": W2, "b2": b2,
            "Wmu": Wmu, "bmu": bmu, "Wlv": Wlv, "blv": blv}


def gcn_conv(x, edge_index, W, b):
    # GCNConv: x' = D^{-1/2} (A + I) D^{-1/2} X W + b
    n = x.shape[0]
    src = edge_index[0]
    dst = edge_index[1]
    loop = jnp.arange(n, dtype=src.dtype)
    src = jnp.concatenate([src, loop])
    dst = jnp.concatenate([dst, loop])
    deg = jnp.zeros((n,), dtype=x.dtype).at[dst].add(1.0)
    dinv = jax.lax.rsqrt(jnp.maximum(deg, 1.0))
    norm = dinv[src] * dinv[dst]
    h = x @ W
    msg = h[src] * norm[:, None]
    out = jnp.zeros_like(h).at[dst].add(msg)
    return out + b


def reference(x, edge_index, batch, W1, b1, W2, b2, Wmu, bmu, Wlv, blv):
    h = jax.nn.relu(gcn_conv(x, edge_index, W1, b1))
    h = jax.nn.relu(gcn_conv(h, edge_index, W2, b2))
    sums = jax.ops.segment_sum(h, batch, num_segments=NUM_GRAPHS)
    counts = jax.ops.segment_sum(jnp.ones((h.shape[0], 1), dtype=h.dtype), batch, num_segments=NUM_GRAPHS)
    pooled = sums / jnp.maximum(counts, 1.0)
    mu = pooled @ Wmu + bmu
    logvar = pooled @ Wlv + blv
    return (mu, logvar)

if __name__ == "__main__":
    import jax
    _d = setup_inputs()
    print(jax.jit(kernel)(*tuple(_d.values())))

</pallas_src>

<mosaic_0001>
#map = affine_map<(d0, d1) -> (0, 0)>
#map1 = affine_map<(d0, d1) -> (0, 0, 0)>
module attributes {stable_mosaic.version = 14 : i64} {
  func.func @_agg_body(%arg0: i32, %arg1: i32, %arg2: memref<10240x128xbf16, #tpu.memory_space<hbm>>, %arg3: memref<32x80x128xi32, #tpu.memory_space<hbm>>, %arg4: memref<32x80x128xi32, #tpu.memory_space<hbm>>, %arg5: memref<64x128xbf16, #tpu.memory_space<hbm>>, %arg6: memref<2x10240x128xbf16, #tpu.memory_space<hbm>>, %arg7: memref<80x128xi32, #tpu.memory_space<vmem>>, %arg8: memref<80x128xi32, #tpu.memory_space<vmem>>, %arg9: memref<128x128xbf16, #tpu.memory_space<vmem>>, %arg10: memref<128x128xbf16, #tpu.memory_space<vmem>>, %arg11: memref<128x128xbf16, #tpu.memory_space<vmem>>, %arg12: memref<128x128xbf16, #tpu.memory_space<vmem>>, %arg13: memref<64x128xbf16, #tpu.memory_space<vmem>>, %arg14: memref<10240x128xbf16, #tpu.memory_space<vmem_shared>>, %arg15: memref<!tpu.dma_semaphore, #tpu.memory_space<semaphore_mem>>, %arg16: memref<!tpu.dma_semaphore, #tpu.memory_space<semaphore_mem>>, %arg17: memref<!tpu.dma_semaphore, #tpu.memory_space<semaphore_mem>>, %arg18: memref<!tpu.dma_semaphore, #tpu.memory_space<semaphore_mem>>, %arg19: memref<!tpu.dma_semaphore, #tpu.memory_space<semaphore_mem>>, %arg20: memref<!tpu.dma_semaphore, #tpu.memory_space<semaphore_mem>>, %arg21: memref<!tpu.dma_semaphore, #tpu.memory_space<semaphore_mem>>, %arg22: memref<!tpu.dma_semaphore, #tpu.memory_space<semaphore_mem>>) attributes {dimension_semantics = [#tpu.dimension_semantics<core_parallel>, #tpu.dimension_semantics<subcore_parallel>], iteration_bounds = array<i64: 2, 16>, scalar_prefetch = 0 : i64, scratch_operands = 16 : i64, tpu.core_type = #tpu.core_type<sc_vector_subcore>, window_params = [{transform_indices = #map}, {transform_indices = #map1}, {transform_indices = #map1}, {transform_indices = #map}, {transform_indices = #map1}]} {
    %mul3A = arith.constant 16 : i32
    %mul3A_0 = arith.muli %arg0, %mul3A : i32
    %add3A = arith.addi %mul3A_0, %arg1 : i32
    "tpu.region"() ({
      %run_scoped3A = tpu.sem_alloc : memref<!tpu.dma_semaphore, #tpu.memory_space<semaphore_mem>>
      tpu.enqueue_dma source(%arg5 : memref<64x128xbf16, #tpu.memory_space<hbm>>) target(%arg13 : memref<64x128xbf16, #tpu.memory_space<vmem>>) target_semaphore(%run_scoped3A : memref<!tpu.dma_semaphore, #tpu.memory_space<semaphore_mem>>)
      tpu.wait_dma2 semaphore(%run_scoped3A : memref<!tpu.dma_semaphore, #tpu.memory_space<semaphore_mem>>) src(%arg5 : memref<64x128xbf16, #tpu.memory_space<hbm>>) dst(%arg13 : memref<64x128xbf16, #tpu.memory_space<vmem>>)
      tpu.yield
    }) : () -> ()
    %mul3A_1 = arith.constant 640 : i32
    %mul3A_2 = arith.muli %arg1, %mul3A_1 : i32
    %add3A_3 = arith.constant 0 : i32
    %add3A_4 = arith.addi %mul3A_2, %add3A_3 : i32
    "tpu.region"() ({
      %run_scoped3A = tpu.sem_alloc : memref<!tpu.dma_semaphore, #tpu.memory_space<semaphore_mem>>
      %dma_start3A_91 = arith.constant 0 : i32
      %dma_start3A_92 = tpu.memref_slice %arg14[%add3A_4, %dma_start3A_91] : memref<10240x128xbf16, #tpu.memory_space<vmem_shared>> -> memref<64x128xbf16, #tpu.memory_space<vmem_shared>>
      %dma_start3A_93 = arith.constant 0 : i32
      %dma_start3A_94 = tpu.memref_slice %arg14[%add3A_4, %dma_start3A_93] : memref<10240x128xbf16, #tpu.memory_space<vmem_shared>> -> memref<64x128xbf16, #tpu.memory_space<vmem_shared>>
      tpu.enqueue_dma source(%arg13 : memref<64x128xbf16, #tpu.memory_space<vmem>>) target(%dma_start3A_94 : memref<64x128xbf16, #tpu.memory_space<vmem_shared>>) target_semaphore(%run_scoped3A : memref<!tpu.dma_semaphore, #tpu.memory_space<semaphore_mem>>)
      %dma_wait3A_95 = arith.constant 0 : i32
      %dma_wait3A_96 = tpu.memref_slice %arg14[%add3A_4, %dma_wait3A_95] : memref<10240x128xbf16, #tpu.memory_space<vmem_shared>> -> memref<64x128xbf16, #tpu.memory_space<vmem_shared>>
      %dma_wait3A_97 = arith.constant 0 : i32
      %dma_wait3A_98 = tpu.memref_slice %arg14[%add3A_4, %dma_wait3A_97] : memref<10240x128xbf16, #tpu.memory_space<vmem_shared>> -> memref<64x128xbf16, #tpu.memory_space<vmem_shared>>
      tpu.wait_dma2 semaphore(%run_scoped3A : memref<!tpu.dma_semaphore, #tpu.memory_space<semaphore_mem>>) src(%arg13 : memref<64x128xbf16, #tpu.memory_space<vmem>>) dst(%dma_wait3A_98 : memref<64x128xbf16, #tpu.memory_space<vmem_shared>>)
      tpu.yield
    }) : () -> ()
    %mul3A_5 = arith.constant 640 : i32
    %mul3A_6 = arith.muli %arg1, %mul3A_5 : i32
    %add3A_7 = arith.constant 64 : i32
    %add3A_8 = arith.addi %mul3A_6, %add3A_7 : i32
    "tpu.region"() ({
      %run_scoped3A = tpu.sem_alloc : memref<!tpu.dma_semaphore, #tpu.memory_space<semaphore_mem>>
      %dma_start3A_91 = arith.constant 0 : i32
      %dma_start3A_92 = tpu.memref_slice %arg14[%add3A_8, %dma_start3A_91] : memref<10240x128xbf16, #tpu.memory_space<vmem_shared>> -> memref<64x128xbf16, #tpu.memory_space<vmem_shared>>
      %dma_start3A_93 = arith.constant 0 : i32
      %dma_start3A_94 = tpu.memref_slice %arg14[%add3A_8, %dma_start3A_93] : memref<10240x128xbf16, #tpu.memory_space<vmem_shared>> -> memref<64x128xbf16, #tpu.memory_space<vmem_shared>>
      tpu.enqueue_dma source(%arg13 : memref<64x128xbf16, #tpu.memory_space<vmem>>) target(%dma_start3A_94 : memref<64x128xbf16, #tpu.memory_space<vmem_shared>>) target_semaphore(%run_scoped3A : memref<!tpu.dma_semaphore, #tpu.memory_space<semaphore_mem>>)
      %dma_wait3A_95 = arith.constant 0 : i32
      %dma_wait3A_96 = tpu.memref_slice %arg14[%add3A_8, %dma_wait3A_95] : memref<10240x128xbf16, #tpu.memory_space<vmem_shared>> -> memref<64x128xbf16, #tpu.memory_space<vmem_shared>>
      %dma_wait3A_97 = arith.constant 0 : i32
      %dma_wait3A_98 = tpu.memref_slice %arg14[%add3A_8, %dma_wait3A_97] : memref<10240x128xbf16, #tpu.memory_space<vmem_shared>> -> memref<64x128xbf16, #tpu.memory_space<vmem_shared>>
      tpu.wait_dma2 semaphore(%run_scoped3A : memref<!tpu.dma_semaphore, #tpu.memory_space<semaphore_mem>>) src(%arg13 : memref<64x128xbf16, #tpu.memory_space<vmem>>) dst(%dma_wait3A_98 : memref<64x128xbf16, #tpu.memory_space<vmem_shared>>)
      tpu.yield
    }) : () -> ()
    %mul3A_9 = arith.constant 640 : i32
    %mul3A_10 = arith.muli %arg1, %mul3A_9 : i32
    %add3A_11 = arith.constant 128 : i32
    %add3A_12 = arith.addi %mul3A_10, %add3A_11 : i32
    "tpu.region"() ({
      %run_scoped3A = tpu.sem_alloc : memref<!tpu.dma_semaphore, #tpu.memory_space<semaphore_mem>>
      %dma_start3A_91 = arith.constant 0 : i32
      %dma_start3A_92 = tpu.memref_slice %arg14[%add3A_12, %dma_start3A_91] : memref<10240x128xbf16, #tpu.memory_space<vmem_shared>> -> memref<64x128xbf16, #tpu.memory_space<vmem_shared>>
      %dma_start3A_93 = arith.constant 0 : i32
      %dma_start3A_94 = tpu.memref_slice %arg14[%add3A_12, %dma_start3A_93] : memref<10240x128xbf16, #tpu.memory_space<vmem_shared>> -> memref<64x128xbf16, #tpu.memory_space<vmem_shared>>
      tpu.enqueue_dma source(%arg13 : memref<64x128xbf16, #tpu.memory_space<vmem>>) target(%dma_start3A_94 : memref<64x128xbf16, #tpu.memory_space<vmem_shared>>) target_semaphore(%run_scoped3A : memref<!tpu.dma_semaphore, #tpu.memory_space<semaphore_mem>>)
      %dma_wait3A_95 = arith.constant 0 : i32
      %dma_wait3A_96 = tpu.memref_slice %arg14[%add3A_12, %dma_wait3A_95] : memref<10240x128xbf16, #tpu.memory_space<vmem_shared>> -> memref<64x128xbf16, #tpu.memory_space<vmem_shared>>
      %dma_wait3A_97 = arith.constant 0 : i32
      %dma_wait3A_98 = tpu.memref_slice %arg14[%add3A_12, %dma_wait3A_97] : memref<10240x128xbf16, #tpu.memory_space<vmem_shared>> -> memref<64x128xbf16, #tpu.memory_space<vmem_shared>>
      tpu.wait_dma2 semaphore(%run_scoped3A : memref<!tpu.dma_semaphore, #tpu.memory_space<semaphore_mem>>) src(%arg13 : memref<64x128xbf16, #tpu.memory_space<vmem>>) dst(%dma_wait3A_98 : memref<64x128xbf16, #tpu.memory_space<vmem_shared>>)
      tpu.yield
    }) : () -> ()
    %mul3A_13 = arith.constant 640 : i32
    %mul3A_14 = arith.muli %arg1, %mul3A_13 : i32
    %add3A_15 = arith.constant 192 : i32
    %add3A_16 = arith.addi %mul3A_14, %add3A_15 : i32
    "tpu.region"() ({
      %run_scoped3A = tpu.sem_alloc : memref<!tpu.dma_semaphore, #tpu.memory_space<semaphore_mem>>
      %dma_start3A_91 = arith.constant 0 : i32
      %dma_start3A_92 = tpu.memref_slice %arg14[%add3A_16, %dma_start3A_91] : memref<10240x128xbf16, #tpu.memory_space<vmem_shared>> -> memref<64x128xbf16, #tpu.memory_space<vmem_shared>>
      %dma_start3A_93 = arith.constant 0 : i32
      %dma_start3A_94 = tpu.memref_slice %arg14[%add3A_16, %dma_start3A_93] : memref<10240x128xbf16, #tpu.memory_space<vmem_shared>> -> memref<64x128xbf16, #tpu.memory_space<vmem_shared>>
      tpu.enqueue_dma source(%arg13 : memref<64x128xbf16, #tpu.memory_space<vmem>>) target(%dma_start3A_94 : memref<64x128xbf16, #tpu.memory_space<vmem_shared>>) target_semaphore(%run_scoped3A : memref<!tpu.dma_semaphore, #tpu.memory_space<semaphore_mem>>)
      %dma_wait3A_95 = arith.constant 0 : i32
      %dma_wait3A_96 = tpu.memref_slice %arg14[%add3A_16, %dma_wait3A_95] : memref<10240x128xbf16, #tpu.memory_space<vmem_shared>> -> memref<64x128xbf16, #tpu.memory_space<vmem_shared>>
      %dma_wait3A_97 = arith.constant 0 : i32
      %dma_wait3A_98 = tpu.memref_slice %arg14[%add3A_16, %dma_wait3A_97] : memref<10240x128xbf16, #tpu.memory_space<vmem_shared>> -> memref<64x128xbf16, #tpu.memory_space<vmem_shared>>
      tpu.wait_dma2 semaphore(%run_scoped3A : memref<!tpu.dma_semaphore, #tpu.memory_space<semaphore_mem>>) src(%arg13 : memref<64x128xbf16, #tpu.memory_space<vmem>>) dst(%dma_wait3A_98 : memref<64x128xbf16, #tpu.memory_space<vmem_shared>>)
      tpu.yield
    }) : () -> ()
    %mul3A_17 = arith.constant 640 : i32
    %mul3A_18 = arith.muli %arg1, %mul3A_17 : i32
    %add3A_19 = arith.constant 256 : i32
    %add3A_20 = arith.addi %mul3A_18, %add3A_19 : i32
    "tpu.region"() ({
      %run_scoped3A = tpu.sem_alloc : memref<!tpu.dma_semaphore, #tpu.memory_space<semaphore_mem>>
      %dma_start3A_91 = arith.constant 0 : i32
      %dma_start3A_92 = tpu.memref_slice %arg14[%add3A_20, %dma_start3A_91] : memref<10240x128xbf16, #tpu.memory_space<vmem_shared>> -> memref<64x128xbf16, #tpu.memory_space<vmem_shared>>
      %dma_start3A_93 = arith.constant 0 : i32
      %dma_start3A_94 = tpu.memref_slice %arg14[%add3A_20, %dma_start3A_93] : memref<10240x128xbf16, #tpu.memory_space<vmem_shared>> -> memref<64x128xbf16, #tpu.memory_space<vmem_shared>>
      tpu.enqueue_dma source(%arg13 : memref<64x128xbf16, #tpu.memory_space<vmem>>) target(%dma_start3A_94 : memref<64x128xbf16, #tpu.memory_space<vmem_shared>>) target_semaphore(%run_scoped3A : memref<!tpu.dma_semaphore, #tpu.memory_space<semaphore_mem>>)
      %dma_wait3A_95 = arith.constant 0 : i32
      %dma_wait3A_96 = tpu.memref_slice %arg14[%add3A_20, %dma_wait3A_95] : memref<10240x128xbf16, #tpu.memory_space<vmem_shared>> -> memref<64x128xbf16, #tpu.memory_space<vmem_shared>>
      %dma_wait3A_97 = arith.constant 0 : i32
      %dma_wait3A_98 = tpu.memref_slice %arg14[%add3A_20, %dma_wait3A_97] : memref<10240x128xbf16, #tpu.memory_space<vmem_shared>> -> memref<64x128xbf16, #tpu.memory_space<vmem_shared>>
      tpu.wait_dma2 semaphore(%run_scoped3A : memref<!tpu.dma_semaphore, #tpu.memory_space<semaphore_mem>>) src(%arg13 : memref<64x128xbf16, #tpu.memory_space<vmem>>) dst(%dma_wait3A_98 : memref<64x128xbf16, #tpu.memory_space<vmem_shared>>)
      tpu.yield
    }) : () -> ()
    %mul3A_21 = arith.constant 640 : i32
    %mul3A_22 = arith.muli %arg1, %mul3A_21 : i32
    %add3A_23 = arith.constant 320 : i32
    %add3A_24 = arith.addi %mul3A_22, %add3A_23 : i32
    "tpu.region"() ({
      %run_scoped3A = tpu.sem_alloc : memref<!tpu.dma_semaphore, #tpu.memory_space<semaphore_mem>>
      %dma_start3A_91 = arith.constant 0 : i32
      %dma_start3A_92 = tpu.memref_slice %arg14[%add3A_24, %dma_start3A_91] : memref<10240x128xbf16, #tpu.memory_space<vmem_shared>> -> memref<64x128xbf16, #tpu.memory_space<vmem_shared>>
      %dma_start3A_93 = arith.constant 0 : i32
      %dma_start3A_94 = tpu.memref_slice %arg14[%add3A_24, %dma_start3A_93] : memref<10240x128xbf16, #tpu.memory_space<vmem_shared>> -> memref<64x128xbf16, #tpu.memory_space<vmem_shared>>
      tpu.enqueue_dma source(%arg13 : memref<64x128xbf16, #tpu.memory_space<vmem>>) target(%dma_start3A_94 : memref<64x128xbf16, #tpu.memory_space<vmem_shared>>) target_semaphore(%run_scoped3A : memref<!tpu.dma_semaphore, #tpu.memory_space<semaphore_mem>>)
      %dma_wait3A_95 = arith.constant 0 : i32
      %dma_wait3A_96 = tpu.memref_slice %arg14[%add3A_24, %dma_wait3A_95] : memref<10240x128xbf16, #tpu.memory_space<vmem_shared>> -> memref<64x128xbf16, #tpu.memory_space<vmem_shared>>
      %dma_wait3A_97 = arith.constant 0 : i32
      %dma_wait3A_98 = tpu.memref_slice %arg14[%add3A_24, %dma_wait3A_97] : memref<10240x128xbf16, #tpu.memory_space<vmem_shared>> -> memref<64x128xbf16, #tpu.memory_space<vmem_shared>>
      tpu.wait_dma2 semaphore(%run_scoped3A : memref<!tpu.dma_semaphore, #tpu.memory_space<semaphore_mem>>) src(%arg13 : memref<64x128xbf16, #tpu.memory_space<vmem>>) dst(%dma_wait3A_98 : memref<64x128xbf16, #tpu.memory_space<vmem_shared>>)
      tpu.yield
    }) : () -> ()
    %mul3A_25 = arith.constant 640 : i32
    %mul3A_26 = arith.muli %arg1, %mul3A_25 : i32
    %add3A_27 = arith.constant 384 : i32
    %add3A_28 = arith.addi %mul3A_26, %add3A_27 : i32
    "tpu.region"() ({
      %run_scoped3A = tpu.sem_alloc : memref<!tpu.dma_semaphore, #tpu.memory_space<semaphore_mem>>
      %dma_start3A_91 = arith.constant 0 : i32
      %dma_start3A_92 = tpu.memref_slice %arg14[%add3A_28, %dma_start3A_91] : memref<10240x128xbf16, #tpu.memory_space<vmem_shared>> -> memref<64x128xbf16, #tpu.memory_space<vmem_shared>>
      %dma_start3A_93 = arith.constant 0 : i32
      %dma_start3A_94 = tpu.memref_slice %arg14[%add3A_28, %dma_start3A_93] : memref<10240x128xbf16, #tpu.memory_space<vmem_shared>> -> memref<64x128xbf16, #tpu.memory_space<vmem_shared>>
      tpu.enqueue_dma source(%arg13 : memref<64x128xbf16, #tpu.memory_space<vmem>>) target(%dma_start3A_94 : memref<64x128xbf16, #tpu.memory_space<vmem_shared>>) target_semaphore(%run_scoped3A : memref<!tpu.dma_semaphore, #tpu.memory_space<semaphore_mem>>)
      %dma_wait3A_95 = arith.constant 0 : i32
      %dma_wait3A_96 = tpu.memref_slice %arg14[%add3A_28, %dma_wait3A_95] : memref<10240x128xbf16, #tpu.memory_space<vmem_shared>> -> memref<64x128xbf16, #tpu.memory_space<vmem_shared>>
      %dma_wait3A_97 = arith.constant 0 : i32
      %dma_wait3A_98 = tpu.memref_slice %arg14[%add3A_28, %dma_wait3A_97] : memref<10240x128xbf16, #tpu.memory_space<vmem_shared>> -> memref<64x128xbf16, #tpu.memory_space<vmem_shared>>
      tpu.wait_dma2 semaphore(%run_scoped3A : memref<!tpu.dma_semaphore, #tpu.memory_space<semaphore_mem>>) src(%arg13 : memref<64x128xbf16, #tpu.memory_space<vmem>>) dst(%dma_wait3A_98 : memref<64x128xbf16, #tpu.memory_space<vmem_shared>>)
      tpu.yield
    }) : () -> ()
    %mul3A_29 = arith.constant 640 : i32
    %mul3A_30 = arith.muli %arg1, %mul3A_29 : i32
    %add3A_31 = arith.constant 448 : i32
    %add3A_32 = arith.addi %mul3A_30, %add3A_31 : i32
    "tpu.region"() ({
      %run_scoped3A = tpu.sem_alloc : memref<!tpu.dma_semaphore, #tpu.memory_space<semaphore_mem>>
      %dma_start3A_91 = arith.constant 0 : i32
      %dma_start3A_92 = tpu.memref_slice %arg14[%add3A_32, %dma_start3A_91] : memref<10240x128xbf16, #tpu.memory_space<vmem_shared>> -> memref<64x128xbf16, #tpu.memory_space<vmem_shared>>
      %dma_start3A_93 = arith.constant 0 : i32
      %dma_start3A_94 = tpu.memref_slice %arg14[%add3A_32, %dma_start3A_93] : memref<10240x128xbf16, #tpu.memory_space<vmem_shared>> -> memref<64x128xbf16, #tpu.memory_space<vmem_shared>>
      tpu.enqueue_dma source(%arg13 : memref<64x128xbf16, #tpu.memory_space<vmem>>) target(%dma_start3A_94 : memref<64x128xbf16, #tpu.memory_space<vmem_shared>>) target_semaphore(%run_scoped3A : memref<!tpu.dma_semaphore, #tpu.memory_space<semaphore_mem>>)
      %dma_wait3A_95 = arith.constant 0 : i32
      %dma_wait3A_96 = tpu.memref_slice %arg14[%add3A_32, %dma_wait3A_95] : memref<10240x128xbf16, #tpu.memory_space<vmem_shared>> -> memref<64x128xbf16, #tpu.memory_space<vmem_shared>>
      %dma_wait3A_97 = arith.constant 0 : i32
      %dma_wait3A_98 = tpu.memref_slice %arg14[%add3A_32, %dma_wait3A_97] : memref<10240x128xbf16, #tpu.memory_space<vmem_shared>> -> memref<64x128xbf16, #tpu.memory_space<vmem_shared>>
      tpu.wait_dma2 semaphore(%run_scoped3A : memref<!tpu.dma_semaphore, #tpu.memory_space<semaphore_mem>>) src(%arg13 : memref<64x128xbf16, #tpu.memory_space<vmem>>) dst(%dma_wait3A_98 : memref<64x128xbf16, #tpu.memory_space<vmem_shared>>)
      tpu.yield
    }) : () -> ()
    %mul3A_33 = arith.constant 640 : i32
    %mul3A_34 = arith.muli %arg1, %mul3A_33 : i32
    %add3A_35 = arith.constant 512 : i32
    %add3A_36 = arith.addi %mul3A_34, %add3A_35 : i32
    "tpu.region"() ({
      %run_scoped3A = tpu.sem_alloc : memref<!tpu.dma_semaphore, #tpu.memory_space<semaphore_mem>>
      %dma_start3A_91 = arith.constant 0 : i32
      %dma_start3A_92 = tpu.memref_slice %arg14[%add3A_36, %dma_start3A_91] : memref<10240x128xbf16, #tpu.memory_space<vmem_shared>> -> memref<64x128xbf16, #tpu.memory_space<vmem_shared>>
      %dma_start3A_93 = arith.constant 0 : i32
      %dma_start3A_94 = tpu.memref_slice %arg14[%add3A_36, %dma_start3A_93] : memref<10240x128xbf16, #tpu.memory_space<vmem_shared>> -> memref<64x128xbf16, #tpu.memory_space<vmem_shared>>
      tpu.enqueue_dma source(%arg13 : memref<64x128xbf16, #tpu.memory_space<vmem>>) target(%dma_start3A_94 : memref<64x128xbf16, #tpu.memory_space<vmem_shared>>) target_semaphore(%run_scoped3A : memref<!tpu.dma_semaphore, #tpu.memory_space<semaphore_mem>>)
      %dma_wait3A_95 = arith.constant 0 : i32
      %dma_wait3A_96 = tpu.memref_slice %arg14[%add3A_36, %dma_wait3A_95] : memref<10240x128xbf16, #tpu.memory_space<vmem_shared>> -> memref<64x128xbf16, #tpu.memory_space<vmem_shared>>
      %dma_wait3A_97 = arith.constant 0 : i32
      %dma_wait3A_98 = tpu.memref_slice %arg14[%add3A_36, %dma_wait3A_97] : memref<10240x128xbf16, #tpu.memory_space<vmem_shared>> -> memref<64x128xbf16, #tpu.memory_space<vmem_shared>>
      tpu.wait_dma2 semaphore(%run_scoped3A : memref<!tpu.dma_semaphore, #tpu.memory_space<semaphore_mem>>) src(%arg13 : memref<64x128xbf16, #tpu.memory_space<vmem>>) dst(%dma_wait3A_98 : memref<64x128xbf16, #tpu.memory_space<vmem_shared>>)
      tpu.yield
    }) : () -> ()
    %mul3A_37 = arith.constant 640 : i32
    %mul3A_38 = arith.muli %arg1, %mul3A_37 : i32
    %add3A_39 = arith.constant 576 : i32
    %add3A_40 = arith.addi %mul3A_38, %add3A_39 : i32
    "tpu.region"() ({
      %run_scoped3A = tpu.sem_alloc : memref<!tpu.dma_semaphore, #tpu.memory_space<semaphore_mem>>
      %dma_start3A_91 = arith.constant 0 : i32
      %dma_start3A_92 = tpu.memref_slice %arg14[%add3A_40, %dma_start3A_91] : memref<10240x128xbf16, #tpu.memory_space<vmem_shared>> -> memref<64x128xbf16, #tpu.memory_space<vmem_shared>>
      %dma_start3A_93 = arith.constant 0 : i32
      %dma_start3A_94 = tpu.memref_slice %arg14[%add3A_40, %dma_start3A_93] : memref<10240x128xbf16, #tpu.memory_space<vmem_shared>> -> memref<64x128xbf16, #tpu.memory_space<vmem_shared>>
      tpu.enqueue_dma source(%arg13 : memref<64x128xbf16, #tpu.memory_space<vmem>>) target(%dma_start3A_94 : memref<64x128xbf16, #tpu.memory_space<vmem_shared>>) target_semaphore(%run_scoped3A : memref<!tpu.dma_semaphore, #tpu.memory_space<semaphore_mem>>)
      %dma_wait3A_95 = arith.constant 0 : i32
      %dma_wait3A_96 = tpu.memref_slice %arg14[%add3A_40, %dma_wait3A_95] : memref<10240x128xbf16, #tpu.memory_space<vmem_shared>> -> memref<64x128xbf16, #tpu.memory_space<vmem_shared>>
      %dma_wait3A_97 = arith.constant 0 : i32
      %dma_wait3A_98 = tpu.memref_slice %arg14[%add3A_40, %dma_wait3A_97] : memref<10240x128xbf16, #tpu.memory_space<vmem_shared>> -> memref<64x128xbf16, #tpu.memory_space<vmem_shared>>
      tpu.wait_dma2 semaphore(%run_scoped3A : memref<!tpu.dma_semaphore, #tpu.memory_space<semaphore_mem>>) src(%arg13 : memref<64x128xbf16, #tpu.memory_space<vmem>>) dst(%dma_wait3A_98 : memref<64x128xbf16, #tpu.memory_space<vmem_shared>>)
      tpu.yield
    }) : () -> ()
    "tpu.region"() ({
      %run_scoped3A = tpu.sem_alloc : memref<!tpu.dma_semaphore, #tpu.memory_space<semaphore_mem>>
      %dma_start3A_91 = arith.constant 0 : i32
      %dma_start3A_92 = arith.constant 0 : i32
      %dma_start3A_93 = tpu.memref_slice %arg3[%add3A, %dma_start3A_91, %dma_start3A_92] : memref<32x80x128xi32, #tpu.memory_space<hbm>> -> memref<1x80x128xi32, #tpu.memory_space<hbm>>
      %dma_start3A_94 = tpu.memref_squeeze %dma_start3A_93 : memref<1x80x128xi32, #tpu.memory_space<hbm>> -> memref<80x128xi32, #tpu.memory_space<hbm>>
      %dma_start3A_95 = arith.constant 0 : i32
      %dma_start3A_96 = arith.constant 0 : i32
      %dma_start3A_97 = tpu.memref_slice %arg3[%add3A, %dma_start3A_95, %dma_start3A_96] : memref<32x80x128xi32, #tpu.memory_space<hbm>> -> memref<1x80x128xi32, #tpu.memory_space<hbm>>
      %dma_start3A_98 = tpu.memref_squeeze %dma_start3A_97 : memref<1x80x128xi32, #tpu.memory_space<hbm>> -> memref<80x128xi32, #tpu.memory_space<hbm>>
      tpu.enqueue_dma source(%dma_start3A_98 : memref<80x128xi32, #tpu.memory_space<hbm>>) target(%arg7 : memref<80x128xi32, #tpu.memory_space<vmem>>) target_semaphore(%run_scoped3A : memref<!tpu.dma_semaphore, #tpu.memory_space<semaphore_mem>>)
      %dma_wait3A_99 = arith.constant 0 : i32
      %dma_wait3A_100 = arith.constant 0 : i32
      %dma_wait3A_101 = tpu.memref_slice %arg3[%add3A, %dma_wait3A_99, %dma_wait3A_100] : memref<32x80x128xi32, #tpu.memory_space<hbm>> -> memref<1x80x128xi32, #tpu.memory_space<hbm>>
      %dma_wait3A_102 = tpu.memref_squeeze %dma_wait3A_101 : memref<1x80x128xi32, #tpu.memory_space<hbm>> -> memref<80x128xi32, #tpu.memory_space<hbm>>
      %dma_wait3A_103 = arith.constant 0 : i32
      %dma_wait3A_104 = arith.constant 0 : i32
      %dma_wait3A_105 = tpu.memref_slice %arg3[%add3A, %dma_wait3A_103, %dma_wait3A_104] : memref<32x80x128xi32, #tpu.memory_space<hbm>> -> memref<1x80x128xi32, #tpu.memory_space<hbm>>
      %dma_wait3A_106 = tpu.memref_squeeze %dma_wait3A_105 : memref<1x80x128xi32, #tpu.memory_space<hbm>> -> memref<80x128xi32, #tpu.memory_space<hbm>>
      tpu.wait_dma2 semaphore(%run_scoped3A : memref<!tpu.dma_semaphore, #tpu.memory_space<semaphore_mem>>) src(%dma_wait3A_106 : memref<80x128xi32, #tpu.memory_space<hbm>>) dst(%arg7 : memref<80x128xi32, #tpu.memory_space<vmem>>)
      tpu.yield
    }) : () -> ()
    "tpu.region"() ({
      %run_scoped3A = tpu.sem_alloc : memref<!tpu.dma_semaphore, #tpu.memory_space<semaphore_mem>>
      %dma_start3A_91 = arith.constant 0 : i32
      %dma_start3A_92 = arith.constant 0 : i32
      %dma_start3A_93 = tpu.memref_slice %arg4[%add3A, %dma_start3A_91, %dma_start3A_92] : memref<32x80x128xi32, #tpu.memory_space<hbm>> -> memref<1x80x128xi32, #tpu.memory_space<hbm>>
      %dma_start3A_94 = tpu.memref_squeeze %dma_start3A_93 : memref<1x80x128xi32, #tpu.memory_space<hbm>> -> memref<80x128xi32, #tpu.memory_space<hbm>>
      %dma_start3A_95 = arith.constant 0 : i32
      %dma_start3A_96 = arith.constant 0 : i32
      %dma_start3A_97 = tpu.memref_slice %arg4[%add3A, %dma_start3A_95, %dma_start3A_96] : memref<32x80x128xi32, #tpu.memory_space<hbm>> -> memref<1x80x128xi32, #tpu.memory_space<hbm>>
      %dma_start3A_98 = tpu.memref_squeeze %dma_start3A_97 : memref<1x80x128xi32, #tpu.memory_space<hbm>> -> memref<80x128xi32, #tpu.memory_space<hbm>>
      tpu.enqueue_dma source(%dma_start3A_98 : memref<80x128xi32, #tpu.memory_space<hbm>>) target(%arg8 : memref<80x128xi32, #tpu.memory_space<vmem>>) target_semaphore(%run_scoped3A : memref<!tpu.dma_semaphore, #tpu.memory_space<semaphore_mem>>)
      %dma_wait3A_99 = arith.constant 0 : i32
      %dma_wait3A_100 = arith.constant 0 : i32
      %dma_wait3A_101 = tpu.memref_slice %arg4[%add3A, %dma_wait3A_99, %dma_wait3A_100] : memref<32x80x128xi32, #tpu.memory_space<hbm>> -> memref<1x80x128xi32, #tpu.memory_space<hbm>>
      %dma_wait3A_102 = tpu.memref_squeeze %dma_wait3A_101 : memref<1x80x128xi32, #tpu.memory_space<hbm>> -> memref<80x128xi32, #tpu.memory_space<hbm>>
      %dma_wait3A_103 = arith.constant 0 : i32
      %dma_wait3A_104 = arith.constant 0 : i32
      %dma_wait3A_105 = tpu.memref_slice %arg4[%add3A, %dma_wait3A_103, %dma_wait3A_104] : memref<32x80x128xi32, #tpu.memory_space<hbm>> -> memref<1x80x128xi32, #tpu.memory_space<hbm>>
      %dma_wait3A_106 = tpu.memref_squeeze %dma_wait3A_105 : memref<1x80x128xi32, #tpu.memory_space<hbm>> -> memref<80x128xi32, #tpu.memory_space<hbm>>
      tpu.wait_dma2 semaphore(%run_scoped3A : memref<!tpu.dma_semaphore, #tpu.memory_space<semaphore_mem>>) src(%dma_wait3A_106 : memref<80x128xi32, #tpu.memory_space<hbm>>) dst(%arg8 : memref<80x128xi32, #tpu.memory_space<vmem>>)
      tpu.yield
    }) : () -> ()
    %barrier3A = arith.constant 0 : index
    tpu.barrier barrier_id(%barrier3A)
    %dma_start3A = arith.constant 0 : i32
    %dma_start3A_41 = arith.constant 0 : i32
    %dma_start3A_42 = tpu.memref_slice %arg7[%dma_start3A, %dma_start3A_41] : memref<80x128xi32, #tpu.memory_space<vmem>> -> memref<1x128xi32, #tpu.memory_space<vmem>>
    %dma_start3A_43 = tpu.memref_squeeze %dma_start3A_42 : memref<1x128xi32, #tpu.memory_space<vmem>> -> memref<128xi32, #tpu.memory_space<vmem>>
    %dma_start3A_44 = arith.constant 0 : i32
    %dma_start3A_45 = arith.constant 0 : i32
    %dma_start3A_46 = tpu.memref_slice %arg2[%dma_start3A_44, %dma_start3A_45] : memref<10240x128xbf16, #tpu.memory_space<hbm>> -> memref<10240x128xbf16, #tpu.memory_space<hbm>>
    tpu.enqueue_indirect_dma source(%dma_start3A_46 : memref<10240x128xbf16, #tpu.memory_space<hbm>>) target(%arg9 : memref<128x128xbf16, #tpu.memory_space<vmem>>) offsets(%dma_start3A_43 : memref<128xi32, #tpu.memory_space<vmem>>) semaphore(%arg15 : memref<!tpu.dma_semaphore, #tpu.memory_space<semaphore_mem>>)
    %dma_start3A_47 = arith.constant 1 : i32
    %dma_start3A_48 = arith.constant 0 : i32
    %dma_start3A_49 = tpu.memref_slice %arg7[%dma_start3A_47, %dma_start3A_48] : memref<80x128xi32, #tpu.memory_space<vmem>> -> memref<1x128xi32, #tpu.memory_space<vmem>>
    %dma_start3A_50 = tpu.memref_squeeze %dma_start3A_49 : memref<1x128xi32, #tpu.memory_space<vmem>> -> memref<128xi32, #tpu.memory_space<vmem>>
    %dma_start3A_51 = arith.constant 0 : i32
    %dma_start3A_52 = arith.constant 0 : i32
    %dma_start3A_53 = tpu.memref_slice %arg2[%dma_start3A_51, %dma_start3A_52] : memref<10240x128xbf16, #tpu.memory_space<hbm>> -> memref<10240x128xbf16, #tpu.memory_space<hbm>>
    tpu.enqueue_indirect_dma source(%dma_start3A_53 : memref<10240x128xbf16, #tpu.memory_space<hbm>>) target(%arg10 : memref<128x128xbf16, #tpu.memory_space<vmem>>) offsets(%dma_start3A_50 : memref<128xi32, #tpu.memory_space<vmem>>) semaphore(%arg16 : memref<!tpu.dma_semaphore, #tpu.memory_space<semaphore_mem>>)
    %scan3A = arith.constant 0 : i32
    %scan3A_54 = arith.constant 0 : i32
    %scan3A_55 = arith.constant 20 : i32
    %scan3A_56 = arith.addi %scan3A_54, %scan3A_55 : i32
    %scan3A_57 = arith.constant 1 : i32
    scf.for %scan3A_91 = %scan3A_54 to %scan3A_56 step %scan3A_57  : i32 {
      %mul3A_92 = arith.constant 4 : i32
      %mul3A_93 = arith.muli %scan3A_91, %mul3A_92 : i32
      %add3A_94 = arith.constant 0 : i32
      %add3A_95 = arith.addi %mul3A_93, %add3A_94 : i32
      %dma_wait3A_96 = arith.constant 0 : i32
      %dma_wait3A_97 = tpu.memref_slice %arg7[%add3A_95, %dma_wait3A_96] : memref<80x128xi32, #tpu.memory_space<vmem>> -> memref<1x128xi32, #tpu.memory_space<vmem>>
      %dma_wait3A_98 = tpu.memref_squeeze %dma_wait3A_97 : memref<1x128xi32, #tpu.memory_space<vmem>> -> memref<128xi32, #tpu.memory_space<vmem>>
      %dma_wait3A_99 = arith.constant 0 : i32
      %dma_wait3A_100 = arith.constant 0 : i32
      %dma_wait3A_101 = tpu.memref_slice %arg2[%dma_wait3A_99, %dma_wait3A_100] : memref<10240x128xbf16, #tpu.memory_space<hbm>> -> memref<10240x128xbf16, #tpu.memory_space<hbm>>
      tpu.wait_indirect_dma semaphore(%arg15 : memref<!tpu.dma_semaphore, #tpu.memory_space<semaphore_mem>>) src(%dma_wait3A_101 : memref<10240x128xbf16, #tpu.memory_space<hbm>>) dst(%arg9 : memref<128x128xbf16, #tpu.memory_space<vmem>>)
      %dma_start3A_102 = arith.constant 0 : i32
      %dma_start3A_103 = tpu.memref_slice %arg8[%add3A_95, %dma_start3A_102] : memref<80x128xi32, #tpu.memory_space<vmem>> -> memref<1x128xi32, #tpu.memory_space<vmem>>
      %dma_start3A_104 = tpu.memref_squeeze %dma_start3A_103 : memref<1x128xi32, #tpu.memory_space<vmem>> -> memref<128xi32, #tpu.memory_space<vmem>>
      %dma_start3A_105 = arith.constant 0 : i32
      %dma_start3A_106 = arith.constant 0 : i32
      %dma_start3A_107 = tpu.memref_slice %arg14[%dma_start3A_105, %dma_start3A_106] : memref<10240x128xbf16, #tpu.memory_space<vmem_shared>> -> memref<10240x128xbf16, #tpu.memory_space<vmem_shared>>
      tpu.enqueue_indirect_dma source(%arg9 : memref<128x128xbf16, #tpu.memory_space<vmem>>) target(%dma_start3A_107 : memref<10240x128xbf16, #tpu.memory_space<vmem_shared>>) offsets(%dma_start3A_104 : memref<128xi32, #tpu.memory_space<vmem>>) semaphore(%arg19 : memref<!tpu.dma_semaphore, #tpu.memory_space<semaphore_mem>>) {add = true}
      %add3A_108 = arith.constant 2 : i32
      %add3A_109 = arith.addi %add3A_95, %add3A_108 : i32
      %lt3A = arith.constant 80 : i32
      %lt3A_110 = arith.cmpi slt, %add3A_109, %lt3A : i32
      %convert_element_type3A = arith.extui %lt3A_110 : i1 to i32
      %cond3A = arith.constant 0 : i32
      %cond3A_111 = arith.cmpi ne, %convert_element_type3A, %cond3A : i32
      scf.if %cond3A_111 {
        %ge3A = arith.constant 4 : i32
        %ge3A_181 = arith.cmpi sge, %add3A_109, %ge3A : i32
        %convert_element_type3A_182 = arith.extui %ge3A_181 : i1 to i32
        %cond3A_183 = arith.constant 0 : i32
        %cond3A_184 = arith.cmpi ne, %convert_element_type3A_182, %cond3A_183 : i32
        scf.if %cond3A_184 {
          %sub3A = arith.constant 4 : i32
          %sub3A_191 = arith.subi %add3A_109, %sub3A : i32
          %dma_wait3A_192 = arith.constant 0 : i32
          %dma_wait3A_193 = tpu.memref_slice %arg8[%sub3A_191, %dma_wait3A_192] : memref<80x128xi32, #tpu.memory_space<vmem>> -> memref<1x128xi32, #tpu.memory_space<vmem>>
          %dma_wait3A_194 = tpu.memref_squeeze %dma_wait3A_193 : memref<1x128xi32, #tpu.memory_space<vmem>> -> memref<128xi32, #tpu.memory_space<vmem>>
          %dma_wait3A_195 = arith.constant 0 : i32
          %dma_wait3A_196 = arith.constant 0 : i32
          %dma_wait3A_197 = tpu.memref_slice %arg14[%dma_wait3A_195, %dma_wait3A_196] : memref<10240x128xbf16, #tpu.memory_space<vmem_shared>> -> memref<10240x128xbf16, #tpu.memory_space<vmem_shared>>
          tpu.wait_indirect_dma semaphore(%arg21 : memref<!tpu.dma_semaphore, #tpu.memory_space<semaphore_mem>>) src(%arg11 : memref<128x128xbf16, #tpu.memory_space<vmem>>) dst(%dma_wait3A_197 : memref<10240x128xbf16, #tpu.memory_space<vmem_shared>>)
        } else {
        }
        %dma_start3A_185 = arith.constant 0 : i32
        %dma_start3A_186 = tpu.memref_slice %arg7[%add3A_109, %dma_start3A_185] : memref<80x128xi32, #tpu.memory_space<vmem>> -> memref<1x128xi32, #tpu.memory_space<vmem>>
        %dma_start3A_187 = tpu.memref_squeeze %dma_start3A_186 : memref<1x128xi32, #tpu.memory_space<vmem>> -> memref<128xi32, #tpu.memory_space<vmem>>
        %dma_start3A_188 = arith.constant 0 : i32
        %dma_start3A_189 = arith.constant 0 : i32
        %dma_start3A_190 = tpu.memref_slice %arg2[%dma_start3A_188, %dma_start3A_189] : memref<10240x128xbf16, #tpu.memory_space<hbm>> -> memref<10240x128xbf16, #tpu.memory_space<hbm>>
        tpu.enqueue_indirect_dma source(%dma_start3A_190 : memref<10240x128xbf16, #tpu.memory_space<hbm>>) target(%arg11 : memref<128x128xbf16, #tpu.memory_space<vmem>>) offsets(%dma_start3A_187 : memref<128xi32, #tpu.memory_space<vmem>>) semaphore(%arg17 : memref<!tpu.dma_semaphore, #tpu.memory_space<semaphore_mem>>)
      } else {
      }
      %mul3A_112 = arith.constant 4 : i32
      %mul3A_113 = arith.muli %scan3A_91, %mul3A_112 : i32
      %add3A_114 = arith.constant 1 : i32
      %add3A_115 = arith.addi %mul3A_113, %add3A_114 : i32
      %dma_wait3A_116 = arith.constant 0 : i32
      %dma_wait3A_117 = tpu.memref_slice %arg7[%add3A_115, %dma_wait3A_116] : memref<80x128xi32, #tpu.memory_space<vmem>> -> memref<1x128xi32, #tpu.memory_space<vmem>>
      %dma_wait3A_118 = tpu.memref_squeeze %dma_wait3A_117 : memref<1x128xi32, #tpu.memory_space<vmem>> -> memref<128xi32, #tpu.memory_space<vmem>>
      %dma_wait3A_119 = arith.constant 0 : i32
      %dma_wait3A_120 = arith.constant 0 : i32
      %dma_wait3A_121 = tpu.memref_slice %arg2[%dma_wait3A_119, %dma_wait3A_120] : memref<10240x128xbf16, #tpu.memory_space<hbm>> -> memref<10240x128xbf16, #tpu.memory_space<hbm>>
      tpu.wait_indirect_dma semaphore(%arg16 : memref<!tpu.dma_semaphore, #tpu.memory_space<semaphore_mem>>) src(%dma_wait3A_121 : memref<10240x128xbf16, #tpu.memory_space<hbm>>) dst(%arg10 : memref<128x128xbf16, #tpu.memory_space<vmem>>)
      %dma_start3A_122 = arith.constant 0 : i32
      %dma_start3A_123 = tpu.memref_slice %arg8[%add3A_115, %dma_start3A_122] : memref<80x128xi32, #tpu.memory_space<vmem>> -> memref<1x128xi32, #tpu.memory_space<vmem>>
      %dma_start3A_124 = tpu.memref_squeeze %dma_start3A_123 : memref<1x128xi32, #tpu.memory_space<vmem>> -> memref<128xi32, #tpu.memory_space<vmem>>
      %dma_start3A_125 = arith.constant 0 : i32
      %dma_start3A_126 = arith.constant 0 : i32
      %dma_start3A_127 = tpu.memref_slice %arg14[%dma_start3A_125, %dma_start3A_126] : memref<10240x128xbf16, #tpu.memory_space<vmem_shared>> -> memref<10240x128xbf16, #tpu.memory_space<vmem_shared>>
      tpu.enqueue_indirect_dma source(%arg10 : memref<128x128xbf16, #tpu.memory_space<vmem>>) target(%dma_start3A_127 : memref<10240x128xbf16, #tpu.memory_space<vmem_shared>>) offsets(%dma_start3A_124 : memref<128xi32, #tpu.memory_space<vmem>>) semaphore(%arg20 : memref<!tpu.dma_semaphore, #tpu.memory_space<semaphore_mem>>) {add = true}
      %add3A_128 = arith.constant 2 : i32
      %add3A_129 = arith.addi %add3A_115, %add3A_128 : i32
      %lt3A_130 = arith.constant 80 : i32
      %lt3A_131 = arith.cmpi slt, %add3A_129, %lt3A_130 : i32
      %convert_element_type3A_132 = arith.extui %lt3A_131 : i1 to i32
      %cond3A_133 = arith.constant 0 : i32
      %cond3A_134 = arith.cmpi ne, %convert_element_type3A_132, %cond3A_133 : i32
      scf.if %cond3A_134 {
        %ge3A = arith.constant 4 : i32
        %ge3A_181 = arith.cmpi sge, %add3A_129, %ge3A : i32
        %convert_element_type3A_182 = arith.extui %ge3A_181 : i1 to i32
        %cond3A_183 = arith.constant 0 : i32
        %cond3A_184 = arith.cmpi ne, %convert_element_type3A_182, %cond3A_183 : i32
        scf.if %cond3A_184 {
          %sub3A = arith.constant 4 : i32
          %sub3A_191 = arith.subi %add3A_129, %sub3A : i32
          %dma_wait3A_192 = arith.constant 0 : i32
          %dma_wait3A_193 = tpu.memref_slice %arg8[%sub3A_191, %dma_wait3A_192] : memref<80x128xi32, #tpu.memory_space<vmem>> -> memref<1x128xi32, #tpu.memory_space<vmem>>
          %dma_wait3A_194 = tpu.memref_squeeze %dma_wait3A_193 : memref<1x128xi32, #tpu.memory_space<vmem>> -> memref<128xi32, #tpu.memory_space<vmem>>
          %dma_wait3A_195 = arith.constant 0 : i32
          %dma_wait3A_196 = arith.constant 0 : i32
          %dma_wait3A_197 = tpu.memref_slice %arg14[%dma_wait3A_195, %dma_wait3A_196] : memref<10240x128xbf16, #tpu.memory_space<vmem_shared>> -> memref<10240x128xbf16, #tpu.memory_space<vmem_shared>>
          tpu.wait_indirect_dma semaphore(%arg22 : memref<!tpu.dma_semaphore, #tpu.memory_space<semaphore_mem>>) src(%arg12 : memref<128x128xbf16, #tpu.memory_space<vmem>>) dst(%dma_wait3A_197 : memref<10240x128xbf16, #tpu.memory_space<vmem_shared>>)
        } else {
        }
        %dma_start3A_185 = arith.constant 0 : i32
        %dma_start3A_186 = tpu.memref_slice %arg7[%add3A_129, %dma_start3A_185] : memref<80x128xi32, #tpu.memory_space<vmem>> -> memref<1x128xi32, #tpu.memory_space<vmem>>
        %dma_start3A_187 = tpu.memref_squeeze %dma_start3A_186 : memref<1x128xi32, #tpu.memory_space<vmem>> -> memref<128xi32, #tpu.memory_space<vmem>>
        %dma_start3A_188 = arith.constant 0 : i32
        %dma_start3A_189 = arith.constant 0 : i32
        %dma_start3A_190 = tpu.memref_slice %arg2[%dma_start3A_188, %dma_start3A_189] : memref<10240x128xbf16, #tpu.memory_space<hbm>> -> memref<10240x128xbf16, #tpu.memory_space<hbm>>
        tpu.enqueue_indirect_dma source(%dma_start3A_190 : memref<10240x128xbf16, #tpu.memory_space<hbm>>) target(%arg12 : memref<128x128xbf16, #tpu.memory_space<vmem>>) offsets(%dma_start3A_187 : memref<128xi32, #tpu.memory_space<vmem>>) semaphore(%arg18 : memref<!tpu.dma_semaphore, #tpu.memory_space<semaphore_mem>>)
      } else {
      }
      %mul3A_135 = arith.constant 4 : i32
      %mul3A_136 = arith.muli %scan3A_91, %mul3A_135 : i32
      %add3A_137 = arith.constant 2 : i32
      %add3A_138 = arith.addi %mul3A_136, %add3A_137 : i32
      %dma_wait3A_139 = arith.constant 0 : i32
      %dma_wait3A_140 = tpu.memref_slice %arg7[%add3A_138, %dma_wait3A_139] : memref<80x128xi32, #tpu.memory_space<vmem>> -> memref<1x128xi32, #tpu.memory_space<vmem>>
      %dma_wait3A_141 = tpu.memref_squeeze %dma_wait3A_140 : memref<1x128xi32, #tpu.memory_space<vmem>> -> memref<128xi32, #tpu.memory_space<vmem>>
      %dma_wait3A_142 = arith.constant 0 : i32
      %dma_wait3A_143 = arith.constant 0 : i32
      %dma_wait3A_144 = tpu.memref_slice %arg2[%dma_wait3A_142, %dma_wait3A_143] : memref<10240x128xbf16, #tpu.memory_space<hbm>> -> memref<10240x128xbf16, #tpu.memory_space<hbm>>
      tpu.wait_indirect_dma semaphore(%arg17 : memref<!tpu.dma_semaphore, #tpu.memory_space<semaphore_mem>>) src(%dma_wait3A_144 : memref<10240x128xbf16, #tpu.memory_space<hbm>>) dst(%arg11 : memref<128x128xbf16, #tpu.memory_space<vmem>>)
      %dma_start3A_145 = arith.constant 0 : i32
      %dma_start3A_146 = tpu.memref_slice %arg8[%add3A_138, %dma_start3A_145] : memref<80x128xi32, #tpu.memory_space<vmem>> -> memref<1x128xi32, #tpu.memory_space<vmem>>
      %dma_start3A_147 = tpu.memref_squeeze %dma_start3A_146 : memref<1x128xi32, #tpu.memory_space<vmem>> -> memref<128xi32, #tpu.memory_space<vmem>>
      %dma_start3A_148 = arith.constant 0 : i32
      %dma_start3A_149 = arith.constant 0 : i32
      %dma_start3A_150 = tpu.memref_slice %arg14[%dma_start3A_148, %dma_start3A_149] : memref<10240x128xbf16, #tpu.memory_space<vmem_shared>> -> memref<10240x128xbf16, #tpu.memory_space<vmem_shared>>
      tpu.enqueue_indirect_dma source(%arg11 : memref<128x128xbf16, #tpu.memory_space<vmem>>) target(%dma_start3A_150 : memref<10240x128xbf16, #tpu.memory_space<vmem_shared>>) offsets(%dma_start3A_147 : memref<128xi32, #tpu.memory_space<vmem>>) semaphore(%arg21 : memref<!tpu.dma_semaphore, #tpu.memory_space<semaphore_mem>>) {add = true}
      %add3A_151 = arith.constant 2 : i32
      %add3A_152 = arith.addi %add3A_138, %add3A_151 : i32
      %lt3A_153 = arith.constant 80 : i32
      %lt3A_154 = arith.cmpi slt, %add3A_152, %lt3A_153 : i32
      %convert_element_type3A_155 = arith.extui %lt3A_154 : i1 to i32
      %cond3A_156 = arith.constant 0 : i32
      %cond3A_157 = arith.cmpi ne, %convert_element_type3A_155, %cond3A_156 : i32
      scf.if %cond3A_157 {
        %ge3A = arith.constant 4 : i32
        %ge3A_181 = arith.cmpi sge, %add3A_152, %ge3A : i32
        %convert_element_type3A_182 = arith.extui %ge3A_181 : i1 to i32
        %cond3A_183 = arith.constant 0 : i32
        %cond3A_184 = arith.cmpi ne, %convert_element_type3A_182, %cond3A_183 : i32
        scf.if %cond3A_184 {
          %sub3A = arith.constant 4 : i32
          %sub3A_191 = arith.subi %add3A_152, %sub3A : i32
          %dma_wait3A_192 = arith.constant 0 : i32
          %dma_wait3A_193 = tpu.memref_slice %arg8[%sub3A_191, %dma_wait3A_192] : memref<80x128xi32, #tpu.memory_space<vmem>> -> memref<1x128xi32, #tpu.memory_space<vmem>>
          %dma_wait3A_194 = tpu.memref_squeeze %dma_wait3A_193 : memref<1x128xi32, #tpu.memory_space<vmem>> -> memref<128xi32, #tpu.memory_space<vmem>>
          %dma_wait3A_195 = arith.constant 0 : i32
          %dma_wait3A_196 = arith.constant 0 : i32
          %dma_wait3A_197 = tpu.memref_slice %arg14[%dma_wait3A_195, %dma_wait3A_196] : memref<10240x128xbf16, #tpu.memory_space<vmem_shared>> -> memref<10240x128xbf16, #tpu.memory_space<vmem_shared>>
          tpu.wait_indirect_dma semaphore(%arg19 : memref<!tpu.dma_semaphore, #tpu.memory_space<semaphore_mem>>) src(%arg9 : memref<128x128xbf16, #tpu.memory_space<vmem>>) dst(%dma_wait3A_197 : memref<10240x128xbf16, #tpu.memory_space<vmem_shared>>)
        } else {
        }
        %dma_start3A_185 = arith.constant 0 : i32
        %dma_start3A_186 = tpu.memref_slice %arg7[%add3A_152, %dma_start3A_185] : memref<80x128xi32, #tpu.memory_space<vmem>> -> memref<1x128xi32, #tpu.memory_space<vmem>>
        %dma_start3A_187 = tpu.memref_squeeze %dma_start3A_186 : memref<1x128xi32, #tpu.memory_space<vmem>> -> memref<128xi32, #tpu.memory_space<vmem>>
        %dma_start3A_188 = arith.constant 0 : i32
        %dma_start3A_189 = arith.constant 0 : i32
        %dma_start3A_190 = tpu.memref_slice %arg2[%dma_start3A_188, %dma_start3A_189] : memref<10240x128xbf16, #tpu.memory_space<hbm>> -> memref<10240x128xbf16, #tpu.memory_space<hbm>>
        tpu.enqueue_indirect_dma source(%dma_start3A_190 : memref<10240x128xbf16, #tpu.memory_space<hbm>>) target(%arg9 : memref<128x128xbf16, #tpu.memory_space<vmem>>) offsets(%dma_start3A_187 : memref<128xi32, #tpu.memory_space<vmem>>) semaphore(%arg15 : memref<!tpu.dma_semaphore, #tpu.memory_space<semaphore_mem>>)
      } else {
      }
      %mul3A_158 = arith.constant 4 : i32
      %mul3A_159 = arith.muli %scan3A_91, %mul3A_158 : i32
      %add3A_160 = arith.constant 3 : i32
      %add3A_161 = arith.addi %mul3A_159, %add3A_160 : i32
      %dma_wait3A_162 = arith.constant 0 : i32
      %dma_wait3A_163 = tpu.memref_slice %arg7[%add3A_161, %dma_wait3A_162] : memref<80x128xi32, #tpu.memory_space<vmem>> -> memref<1x128xi32, #tpu.memory_space<vmem>>
      %dma_wait3A_164 = tpu.memref_squeeze %dma_wait3A_163 : memref<1x128xi32, #tpu.memory_space<vmem>> -> memref<128xi32, #tpu.memory_space<vmem>>
      %dma_wait3A_165 = arith.constant 0 : i32
      %dma_wait3A_166 = arith.constant 0 : i32
      %dma_wait3A_167 = tpu.memref_slice %arg2[%dma_wait3A_165, %dma_wait3A_166] : memref<10240x128xbf16, #tpu.memory_space<hbm>> -> memref<10240x128xbf16, #tpu.memory_space<hbm>>
      tpu.wait_indirect_dma semaphore(%arg18 : memref<!tpu.dma_semaphore, #tpu.memory_space<semaphore_mem>>) src(%dma_wait3A_167 : memref<10240x128xbf16, #tpu.memory_space<hbm>>) dst(%arg12 : memref<128x128xbf16, #tpu.memory_space<vmem>>)
      %dma_start3A_168 = arith.constant 0 : i32
      %dma_start3A_169 = tpu.memref_slice %arg8[%add3A_161, %dma_start3A_168] : memref<80x128xi32, #tpu.memory_space<vmem>> -> memref<1x128xi32, #tpu.memory_space<vmem>>
      %dma_start3A_170 = tpu.memref_squeeze %dma_start3A_169 : memref<1x128xi32, #tpu.memory_space<vmem>> -> memref<128xi32, #tpu.memory_space<vmem>>
      %dma_start3A_171 = arith.constant 0 : i32
      %dma_start3A_172 = arith.constant 0 : i32
      %dma_start3A_173 = tpu.memref_slice %arg14[%dma_start3A_171, %dma_start3A_172] : memref<10240x128xbf16, #tpu.memory_space<vmem_shared>> -> memref<10240x128xbf16, #tpu.memory_space<vmem_shared>>
      tpu.enqueue_indirect_dma source(%arg12 : memref<128x128xbf16, #tpu.memory_space<vmem>>) target(%dma_start3A_173 : memref<10240x128xbf16, #tpu.memory_space<vmem_shared>>) offsets(%dma_start3A_170 : memref<128xi32, #tpu.memory_space<vmem>>) semaphore(%arg22 : memref<!tpu.dma_semaphore, #tpu.memory_space<semaphore_mem>>) {add = true}
      %add3A_174 = arith.constant 2 : i32
      %add3A_175 = arith.addi %add3A_161, %add3A_174 : i32
      %lt3A_176 = arith.constant 80 : i32
      %lt3A_177 = arith.cmpi slt, %add3A_175, %lt3A_176 : i32
      %convert_element_type3A_178 = arith.extui %lt3A_177 : i1 to i32
      %cond3A_179 = arith.constant 0 : i32
      %cond3A_180 = arith.cmpi ne, %convert_element_type3A_178, %cond3A_179 : i32
      scf.if %cond3A_180 {
        %ge3A = arith.constant 4 : i32
        %ge3A_181 = arith.cmpi sge, %add3A_175, %ge3A : i32
        %convert_element_type3A_182 = arith.extui %ge3A_181 : i1 to i32
        %cond3A_183 = arith.constant 0 : i32
        %cond3A_184 = arith.cmpi ne, %convert_element_type3A_182, %cond3A_183 : i32
        scf.if %cond3A_184 {
          %sub3A = arith.constant 4 : i32
          %sub3A_191 = arith.subi %add3A_175, %sub3A : i32
          %dma_wait3A_192 = arith.constant 0 : i32
          %dma_wait3A_193 = tpu.memref_slice %arg8[%sub3A_191, %dma_wait3A_192] : memref<80x128xi32, #tpu.memory_space<vmem>> -> memref<1x128xi32, #tpu.memory_space<vmem>>
          %dma_wait3A_194 = tpu.memref_squeeze %dma_wait3A_193 : memref<1x128xi32, #tpu.memory_space<vmem>> -> memref<128xi32, #tpu.memory_space<vmem>>
          %dma_wait3A_195 = arith.constant 0 : i32
          %dma_wait3A_196 = arith.constant 0 : i32
          %dma_wait3A_197 = tpu.memref_slice %arg14[%dma_wait3A_195, %dma_wait3A_196] : memref<10240x128xbf16, #tpu.memory_space<vmem_shared>> -> memref<10240x128xbf16, #tpu.memory_space<vmem_shared>>
          tpu.wait_indirect_dma semaphore(%arg20 : memref<!tpu.dma_semaphore, #tpu.memory_space<semaphore_mem>>) src(%arg10 : memref<128x128xbf16, #tpu.memory_space<vmem>>) dst(%dma_wait3A_197 : memref<10240x128xbf16, #tpu.memory_space<vmem_shared>>)
        } else {
        }
        %dma_start3A_185 = arith.constant 0 : i32
        %dma_start3A_186 = tpu.memref_slice %arg7[%add3A_175, %dma_start3A_185] : memref<80x128xi32, #tpu.memory_space<vmem>> -> memref<1x128xi32, #tpu.memory_space<vmem>>
        %dma_start3A_187 = tpu.memref_squeeze %dma_start3A_186 : memref<1x128xi32, #tpu.memory_space<vmem>> -> memref<128xi32, #tpu.memory_space<vmem>>
        %dma_start3A_188 = arith.constant 0 : i32
        %dma_start3A_189 = arith.constant 0 : i32
        %dma_start3A_190 = tpu.memref_slice %arg2[%dma_start3A_188, %dma_start3A_189] : memref<10240x128xbf16, #tpu.memory_space<hbm>> -> memref<10240x128xbf16, #tpu.memory_space<hbm>>
        tpu.enqueue_indirect_dma source(%dma_start3A_190 : memref<10240x128xbf16, #tpu.memory_space<hbm>>) target(%arg10 : memref<128x128xbf16, #tpu.memory_space<vmem>>) offsets(%dma_start3A_187 : memref<128xi32, #tpu.memory_space<vmem>>) semaphore(%arg16 : memref<!tpu.dma_semaphore, #tpu.memory_space<semaphore_mem>>)
      } else {
      }
    }
    %scan3A_58 = arith.constant 20 : i32
    %dma_wait3A = arith.constant 76 : i32
    %dma_wait3A_59 = arith.constant 0 : i32
    %dma_wait3A_60 = tpu.memref_slice %arg8[%dma_wait3A, %dma_wait3A_59] : memref<80x128xi32, #tpu.memory_space<vmem>> -> memref<1x128xi32, #tpu.memory_space<vmem>>
    %dma_wait3A_61 = tpu.memref_squeeze %dma_wait3A_60 : memref<1x128xi32, #tpu.memory_space<vmem>> -> memref<128xi32, #tpu.memory_space<vmem>>
    %dma_wait3A_62 = arith.constant 0 : i32
    %dma_wait3A_63 = arith.constant 0 : i32
    %dma_wait3A_64 = tpu.memref_slice %arg14[%dma_wait3A_62, %dma_wait3A_63] : memref<10240x128xbf16, #tpu.memory_space<vmem_shared>> -> memref<10240x128xbf16, #tpu.memory_space<vmem_shared>>
    tpu.wait_indirect_dma semaphore(%arg19 : memref<!tpu.dma_semaphore, #tpu.memory_space<semaphore_mem>>) src(%arg9 : memref<128x128xbf16, #tpu.memory_space<vmem>>) dst(%dma_wait3A_64 : memref<10240x128xbf16, #tpu.memory_space<vmem_shared>>)
    %dma_wait3A_65 = arith.constant 77 : i32
    %dma_wait3A_66 = arith.constant 0 : i32
    %dma_wait3A_67 = tpu.memref_slice %arg8[%dma_wait3A_65, %dma_wait3A_66] : memref<80x128xi32, #tpu.memory_space<vmem>> -> memref<1x128xi32, #tpu.memory_space<vmem>>
    %dma_wait3A_68 = tpu.memref_squeeze %dma_wait3A_67 : memref<1x128xi32, #tpu.memory_space<vmem>> -> memref<128xi32, #tpu.memory_space<vmem>>
    %dma_wait3A_69 = arith.constant 0 : i32
    %dma_wait3A_70 = arith.constant 0 : i32
    %dma_wait3A_71 = tpu.memref_slice %arg14[%dma_wait3A_69, %dma_wait3A_70] : memref<10240x128xbf16, #tpu.memory_space<vmem_shared>> -> memref<10240x128xbf16, #tpu.memory_space<vmem_shared>>
    tpu.wait_indirect_dma semaphore(%arg20 : memref<!tpu.dma_semaphore, #tpu.memory_space<semaphore_mem>>) src(%arg10 : memref<128x128xbf16, #tpu.memory_space<vmem>>) dst(%dma_wait3A_71 : memref<10240x128xbf16, #tpu.memory_space<vmem_shared>>)
    %dma_wait3A_72 = arith.constant 78 : i32
    %dma_wait3A_73 = arith.constant 0 : i32
    %dma_wait3A_74 = tpu.memref_slice %arg8[%dma_wait3A_72, %dma_wait3A_73] : memref<80x128xi32, #tpu.memory_space<vmem>> -> memref<1x128xi32, #tpu.memory_space<vmem>>
    %dma_wait3A_75 = tpu.memref_squeeze %dma_wait3A_74 : memref<1x128xi32, #tpu.memory_space<vmem>> -> memref<128xi32, #tpu.memory_space<vmem>>
    %dma_wait3A_76 = arith.constant 0 : i32
    %dma_wait3A_77 = arith.constant 0 : i32
    %dma_wait3A_78 = tpu.memref_slice %arg14[%dma_wait3A_76, %dma_wait3A_77] : memref<10240x128xbf16, #tpu.memory_space<vmem_shared>> -> memref<10240x128xbf16, #tpu.memory_space<vmem_shared>>
    tpu.wait_indirect_dma semaphore(%arg21 : memref<!tpu.dma_semaphore, #tpu.memory_space<semaphore_mem>>) src(%arg11 : memref<128x128xbf16, #tpu.memory_space<vmem>>) dst(%dma_wait3A_78 : memref<10240x128xbf16, #tpu.memory_space<vmem_shared>>)
    %dma_wait3A_79 = arith.constant 79 : i32
    %dma_wait3A_80 = arith.constant 0 : i32
    %dma_wait3A_81 = tpu.memref_slice %arg8[%dma_wait3A_79, %dma_wait3A_80] : memref<80x128xi32, #tpu.memory_space<vmem>> -> memref<1x128xi32, #tpu.memory_space<vmem>>
    %dma_wait3A_82 = tpu.memref_squeeze %dma_wait3A_81 : memref<1x128xi32, #tpu.memory_space<vmem>> -> memref<128xi32, #tpu.memory_space<vmem>>
    %dma_wait3A_83 = arith.constant 0 : i32
    %dma_wait3A_84 = arith.constant 0 : i32
    %dma_wait3A_85 = tpu.memref_slice %arg14[%dma_wait3A_83, %dma_wait3A_84] : memref<10240x128xbf16, #tpu.memory_space<vmem_shared>> -> memref<10240x128xbf16, #tpu.memory_space<vmem_shared>>
    tpu.wait_indirect_dma semaphore(%arg22 : memref<!tpu.dma_semaphore, #tpu.memory_space<semaphore_mem>>) src(%arg12 : memref<128x128xbf16, #tpu.memory_space<vmem>>) dst(%dma_wait3A_85 : memref<10240x128xbf16, #tpu.memory_space<vmem_shared>>)
    %barrier3A_86 = arith.constant 0 : index
    tpu.barrier barrier_id(%barrier3A_86)
    %mul3A_87 = arith.constant 640 : i32
    %mul3A_88 = arith.muli %arg1, %mul3A_87 : i32
    %mul3A_89 = arith.constant 640 : i32
    %mul3A_90 = arith.muli %arg1, %mul3A_89 : i32
    "tpu.region"() ({
      %run_scoped3A = tpu.sem_alloc : memref<!tpu.dma_semaphore, #tpu.memory_space<semaphore_mem>>
      %dma_start3A_91 = arith.constant 0 : i32
      %dma_start3A_92 = tpu.memref_slice %arg6[%arg0, %mul3A_90, %dma_start3A_91] : memref<2x10240x128xbf16, #tpu.memory_space<hbm>> -> memref<1x640x128xbf16, #tpu.memory_space<hbm>>
      %dma_start3A_93 = tpu.memref_squeeze %dma_start3A_92 : memref<1x640x128xbf16, #tpu.memory_space<hbm>> -> memref<640x128xbf16, #tpu.memory_space<hbm>>
      %dma_start3A_94 = arith.constant 0 : i32
      %dma_start3A_95 = tpu.memref_slice %arg14[%mul3A_88, %dma_start3A_94] : memref<10240x128xbf16, #tpu.memory_space<vmem_shared>> -> memref<640x128xbf16, #tpu.memory_space<vmem_shared>>
      tpu.enqueue_dma source(%dma_start3A_95 : memref<640x128xbf16, #tpu.memory_space<vmem_shared>>) target(%dma_start3A_93 : memref<640x128xbf16, #tpu.memory_space<hbm>>) target_semaphore(%run_scoped3A : memref<!tpu.dma_semaphore, #tpu.memory_space<semaphore_mem>>)
      %dma_wait3A_96 = arith.constant 0 : i32
      %dma_wait3A_97 = tpu.memref_slice %arg6[%arg0, %mul3A_90, %dma_wait3A_96] : memref<2x10240x128xbf16, #tpu.memory_space<hbm>> -> memref<1x640x128xbf16, #tpu.memory_space<hbm>>
      %dma_wait3A_98 = tpu.memref_squeeze %dma_wait3A_97 : memref<1x640x128xbf16, #tpu.memory_space<hbm>> -> memref<640x128xbf16, #tpu.memory_space<hbm>>
      %dma_wait3A_99 = arith.constant 0 : i32
      %dma_wait3A_100 = tpu.memref_slice %arg14[%mul3A_88, %dma_wait3A_99] : memref<10240x128xbf16, #tpu.memory_space<vmem_shared>> -> memref<640x128xbf16, #tpu.memory_space<vmem_shared>>
      tpu.wait_dma2 semaphore(%run_scoped3A : memref<!tpu.dma_semaphore, #tpu.memory_space<semaphore_mem>>) src(%dma_wait3A_100 : memref<640x128xbf16, #tpu.memory_space<vmem_shared>>) dst(%dma_wait3A_98 : memref<640x128xbf16, #tpu.memory_space<hbm>>)
      tpu.yield
    }) : () -> ()
    return
  }
}

#map = affine_map<(d0, d1) -> (0, 0)>
#map1 = affine_map<(d0, d1) -> (0, 0, 0)>
module attributes {stable_mosaic.version = 14 : i64} {
  func.func @_agg_body(%arg0: i32, %arg1: i32, %arg2: memref<10240x128xbf16, #tpu.memory_space<hbm>>, %arg3: memref<32x80x128xi32, #tpu.memory_space<hbm>>, %arg4: memref<32x80x128xi32, #tpu.memory_space<hbm>>, %arg5: memref<64x128xbf16, #tpu.memory_space<hbm>>, %arg6: memref<2x10240x128xbf16, #tpu.memory_space<hbm>>, %arg7: memref<80x128xi32, #tpu.memory_space<vmem>>, %arg8: memref<80x128xi32, #tpu.memory_space<vmem>>, %arg9: memref<128x128xbf16, #tpu.memory_space<vmem>>, %arg10: memref<128x128xbf16, #tpu.memory_space<vmem>>, %arg11: memref<128x128xbf16, #tpu.memory_space<vmem>>, %arg12: memref<128x128xbf16, #tpu.memory_space<vmem>>, %arg13: memref<64x128xbf16, #tpu.memory_space<vmem>>, %arg14: memref<10240x128xbf16, #tpu.memory_space<vmem_shared>>, %arg15: memref<!tpu.dma_semaphore, #tpu.memory_space<semaphore_mem>>, %arg16: memref<!tpu.dma_semaphore, #tpu.memory_space<semaphore_mem>>, %arg17: memref<!tpu.dma_semaphore, #tpu.memory_space<semaphore_mem>>, %arg18: memref<!tpu.dma_semaphore, #tpu.memory_space<semaphore_mem>>, %arg19: memref<!tpu.dma_semaphore, #tpu.memory_space<semaphore_mem>>, %arg20: memref<!tpu.dma_semaphore, #tpu.memory_space<semaphore_mem>>, %arg21: memref<!tpu.dma_semaphore, #tpu.memory_space<semaphore_mem>>, %arg22: memref<!tpu.dma_semaphore, #tpu.memory_space<semaphore_mem>>) attributes {dimension_semantics = [#tpu.dimension_semantics<core_parallel>, #tpu.dimension_semantics<subcore_parallel>], iteration_bounds = array<i64: 2, 16>, scalar_prefetch = 0 : i64, scratch_operands = 16 : i64, tpu.core_type = #tpu.core_type<sc_vector_subcore>, window_params = [{transform_indices = #map}, {transform_indices = #map1}, {transform_indices = #map1}, {transform_indices = #map}, {transform_indices = #map1}]} {
    %mul3A = arith.constant 16 : i32
    %mul3A_0 = arith.muli %arg0, %mul3A : i32
    %add3A = arith.addi %mul3A_0, %arg1 : i32
    "tpu.region"() ({
      %run_scoped3A = tpu.sem_alloc : memref<!tpu.dma_semaphore, #tpu.memory_space<semaphore_mem>>
      tpu.enqueue_dma source(%arg5 : memref<64x128xbf16, #tpu.memory_space<hbm>>) target(%arg13 : memref<64x128xbf16, #tpu.memory_space<vmem>>) target_semaphore(%run_scoped3A : memref<!tpu.dma_semaphore, #tpu.memory_space<semaphore_mem>>)
      tpu.wait_dma2 semaphore(%run_scoped3A : memref<!tpu.dma_semaphore, #tpu.memory_space<semaphore_mem>>) src(%arg5 : memref<64x128xbf16, #tpu.memory_space<hbm>>) dst(%arg13 : memref<64x128xbf16, #tpu.memory_space<vmem>>)
      tpu.yield
    }) : () -> ()
    %mul3A_1 = arith.constant 640 : i32
    %mul3A_2 = arith.muli %arg1, %mul3A_1 : i32
    %add3A_3 = arith.constant 0 : i32
    %add3A_4 = arith.addi %mul3A_2, %add3A_3 : i32
    "tpu.region"() ({
      %run_scoped3A = tpu.sem_alloc : memref<!tpu.dma_semaphore, #tpu.memory_space<semaphore_mem>>
      %dma_start3A_91 = arith.constant 0 : i32
      %dma_start3A_92 = tpu.memref_slice %arg14[%add3A_4, %dma_start3A_91] : memref<10240x128xbf16, #tpu.memory_space<vmem_shared>> -> memref<64x128xbf16, #tpu.memory_space<vmem_shared>>
      %dma_start3A_93 = arith.constant 0 : i32
      %dma_start3A_94 = tpu.memref_slice %arg14[%add3A_4, %dma_start3A_93] : memref<10240x128xbf16, #tpu.memory_space<vmem_shared>> -> memref<64x128xbf16, #tpu.memory_space<vmem_shared>>
      tpu.enqueue_dma source(%arg13 : memref<64x128xbf16, #tpu.memory_space<vmem>>) target(%dma_start3A_94 : memref<64x128xbf16, #tpu.memory_space<vmem_shared>>) target_semaphore(%run_scoped3A : memref<!tpu.dma_semaphore, #tpu.memory_space<semaphore_mem>>)
      %dma_wait3A_95 = arith.constant 0 : i32
      %dma_wait3A_96 = tpu.memref_slice %arg14[%add3A_4, %dma_wait3A_95] : memref<10240x128xbf16, #tpu.memory_space<vmem_shared>> -> memref<64x128xbf16, #tpu.memory_space<vmem_shared>>
      %dma_wait3A_97 = arith.constant 0 : i32
      %dma_wait3A_98 = tpu.memref_slice %arg14[%add3A_4, %dma_wait3A_97] : memref<10240x128xbf16, #tpu.memory_space<vmem_shared>> -> memref<64x128xbf16, #tpu.memory_space<vmem_shared>>
      tpu.wait_dma2 semaphore(%run_scoped3A : memref<!tpu.dma_semaphore, #tpu.memory_space<semaphore_mem>>) src(%arg13 : memref<64x128xbf16, #tpu.memory_space<vmem>>) dst(%dma_wait3A_98 : memref<64x128xbf16, #tpu.memory_space<vmem_shared>>)
      tpu.yield
    }) : () -> ()
    %mul3A_5 = arith.constant 640 : i32
    %mul3A_6 = arith.muli %arg1, %mul3A_5 : i32
    %add3A_7 = arith.constant 64 : i32
    %add3A_8 = arith.addi %mul3A_6, %add3A_7 : i32
    "tpu.region"() ({
      %run_scoped3A = tpu.sem_alloc : memref<!tpu.dma_semaphore, #tpu.memory_space<semaphore_mem>>
      %dma_start3A_91 = arith.constant 0 : i32
      %dma_start3A_92 = tpu.memref_slice %arg14[%add3A_8, %dma_start3A_91] : memref<10240x128xbf16, #tpu.memory_space<vmem_shared>> -> memref<64x128xbf16, #tpu.memory_space<vmem_shared>>
      %dma_start3A_93 = arith.constant 0 : i32
      %dma_start3A_94 = tpu.memref_slice %arg14[%add3A_8, %dma_start3A_93] : memref<10240x128xbf16, #tpu.memory_space<vmem_shared>> -> memref<64x128xbf16, #tpu.memory_space<vmem_shared>>
      tpu.enqueue_dma source(%arg13 : memref<64x128xbf16, #tpu.memory_space<vmem>>) target(%dma_start3A_94 : memref<64x128xbf16, #tpu.memory_space<vmem_shared>>) target_semaphore(%run_scoped3A : memref<!tpu.dma_semaphore, #tpu.memory_space<semaphore_mem>>)
      %dma_wait3A_95 = arith.constant 0 : i32
      %dma_wait3A_96 = tpu.memref_slice %arg14[%add3A_8, %dma_wait3A_95] : memref<10240x128xbf16, #tpu.memory_space<vmem_shared>> -> memref<64x128xbf16, #tpu.memory_space<vmem_shared>>
      %dma_wait3A_97 = arith.constant 0 : i32
      %dma_wait3A_98 = tpu.memref_slice %arg14[%add3A_8, %dma_wait3A_97] : memref<10240x128xbf16, #tpu.memory_space<vmem_shared>> -> memref<64x128xbf16, #tpu.memory_space<vmem_shared>>
      tpu.wait_dma2 semaphore(%run_scoped3A : memref<!tpu.dma_semaphore, #tpu.memory_space<semaphore_mem>>) src(%arg13 : memref<64x128xbf16, #tpu.memory_space<vmem>>) dst(%dma_wait3A_98 : memref<64x128xbf16, #tpu.memory_space<vmem_shared>>)
      tpu.yield
    }) : () -> ()
    %mul3A_9 = arith.constant 640 : i32
    %mul3A_10 = arith.muli %arg1, %mul3A_9 : i32
    %add3A_11 = arith.constant 128 : i32
    %add3A_12 = arith.addi %mul3A_10, %add3A_11 : i32
    "tpu.region"() ({
      %run_scoped3A = tpu.sem_alloc : memref<!tpu.dma_semaphore, #tpu.memory_space<semaphore_mem>>
      %dma_start3A_91 = arith.constant 0 : i32
      %dma_start3A_92 = tpu.memref_slice %arg14[%add3A_12, %dma_start3A_91] : memref<10240x128xbf16, #tpu.memory_space<vmem_shared>> -> memref<64x128xbf16, #tpu.memory_space<vmem_shared>>
      %dma_start3A_93 = arith.constant 0 : i32
      %dma_start3A_94 = tpu.memref_slice %arg14[%add3A_12, %dma_start3A_93] : memref<10240x128xbf16, #tpu.memory_space<vmem_shared>> -> memref<64x128xbf16, #tpu.memory_space<vmem_shared>>
      tpu.enqueue_dma source(%arg13 : memref<64x128xbf16, #tpu.memory_space<vmem>>) target(%dma_start3A_94 : memref<64x128xbf16, #tpu.memory_space<vmem_shared>>) target_semaphore(%run_scoped3A : memref<!tpu.dma_semaphore, #tpu.memory_space<semaphore_mem>>)
      %dma_wait3A_95 = arith.constant 0 : i32
      %dma_wait3A_96 = tpu.memref_slice %arg14[%add3A_12, %dma_wait3A_95] : memref<10240x128xbf16, #tpu.memory_space<vmem_shared>> -> memref<64x128xbf16, #tpu.memory_space<vmem_shared>>
      %dma_wait3A_97 = arith.constant 0 : i32
      %dma_wait3A_98 = tpu.memref_slice %arg14[%add3A_12, %dma_wait3A_97] : memref<10240x128xbf16, #tpu.memory_space<vmem_shared>> -> memref<64x128xbf16, #tpu.memory_space<vmem_shared>>
      tpu.wait_dma2 semaphore(%run_scoped3A : memref<!tpu.dma_semaphore, #tpu.memory_space<semaphore_mem>>) src(%arg13 : memref<64x128xbf16, #tpu.memory_space<vmem>>) dst(%dma_wait3A_98 : memref<64x128xbf16, #tpu.memory_space<vmem_shared>>)
      tpu.yield
    }) : () -> ()
    %mul3A_13 = arith.constant 640 : i32
    %mul3A_14 = arith.muli %arg1, %mul3A_13 : i32
    %add3A_15 = arith.constant 192 : i32
    %add3A_16 = arith.addi %mul3A_14, %add3A_15 : i32
    "tpu.region"() ({
      %run_scoped3A = tpu.sem_alloc : memref<!tpu.dma_semaphore, #tpu.memory_space<semaphore_mem>>
      %dma_start3A_91 = arith.constant 0 : i32
      %dma_start3A_92 = tpu.memref_slice %arg14[%add3A_16, %dma_start3A_91] : memref<10240x128xbf16, #tpu.memory_space<vmem_shared>> -> memref<64x128xbf16, #tpu.memory_space<vmem_shared>>
      %dma_start3A_93 = arith.constant 0 : i32
      %dma_start3A_94 = tpu.memref_slice %arg14[%add3A_16, %dma_start3A_93] : memref<10240x128xbf16, #tpu.memory_space<vmem_shared>> -> memref<64x128xbf16, #tpu.memory_space<vmem_shared>>
      tpu.enqueue_dma source(%arg13 : memref<64x128xbf16, #tpu.memory_space<vmem>>) target(%dma_start3A_94 : memref<64x128xbf16, #tpu.memory_space<vmem_shared>>) target_semaphore(%run_scoped3A : memref<!tpu.dma_semaphore, #tpu.memory_space<semaphore_mem>>)
      %dma_wait3A_95 = arith.constant 0 : i32
      %dma_wait3A_96 = tpu.memref_slice %arg14[%add3A_16, %dma_wait3A_95] : memref<10240x128xbf16, #tpu.memory_space<vmem_shared>> -> memref<64x128xbf16, #tpu.memory_space<vmem_shared>>
      %dma_wait3A_97 = arith.constant 0 : i32
      %dma_wait3A_98 = tpu.memref_slice %arg14[%add3A_16, %dma_wait3A_97] : memref<10240x128xbf16, #tpu.memory_space<vmem_shared>> -> memref<64x128xbf16, #tpu.memory_space<vmem_shared>>
      tpu.wait_dma2 semaphore(%run_scoped3A : memref<!tpu.dma_semaphore, #tpu.memory_space<semaphore_mem>>) src(%arg13 : memref<64x128xbf16, #tpu.memory_space<vmem>>) dst(%dma_wait3A_98 : memref<64x128xbf16, #tpu.memory_space<vmem_shared>>)
      tpu.yield
    }) : () -> ()
    %mul3A_17 = arith.constant 640 : i32
    %mul3A_18 = arith.muli %arg1, %mul3A_17 : i32
    %add3A_19 = arith.constant 256 : i32
    %add3A_20 = arith.addi %mul3A_18, %add3A_19 : i32
    "tpu.region"() ({
      %run_scoped3A = tpu.sem_alloc : memref<!tpu.dma_semaphore, #tpu.memory_space<semaphore_mem>>
      %dma_start3A_91 = arith.constant 0 : i32
      %dma_start3A_92 = tpu.memref_slice %arg14[%add3A_20, %dma_start3A_91] : memref<10240x128xbf16, #tpu.memory_space<vmem_shared>> -> memref<64x128xbf16, #tpu.memory_space<vmem_shared>>
      %dma_start3A_93 = arith.constant 0 : i32
      %dma_start3A_94 = tpu.memref_slice %arg14[%add3A_20, %dma_start3A_93] : memref<10240x128xbf16, #tpu.memory_space<vmem_shared>> -> memref<64x128xbf16, #tpu.memory_space<vmem_shared>>
      tpu.enqueue_dma source(%arg13 : memref<64x128xbf16, #tpu.memory_space<vmem>>) target(%dma_start3A_94 : memref<64x128xbf16, #tpu.memory_space<vmem_shared>>) target_semaphore(%run_scoped3A : memref<!tpu.dma_semaphore, #tpu.memory_space<semaphore_mem>>)
      %dma_wait3A_95 = arith.constant 0 : i32
      %dma_wait3A_96 = tpu.memref_slice %arg14[%add3A_20, %dma_wait3A_95] : memref<10240x128xbf16, #tpu.memory_space<vmem_shared>> -> memref<64x128xbf16, #tpu.memory_space<vmem_shared>>
      %dma_wait3A_97 = arith.constant 0 : i32
      %dma_wait3A_98 = tpu.memref_slice %arg14[%add3A_20, %dma_wait3A_97] : memref<10240x128xbf16, #tpu.memory_space<vmem_shared>> -> memref<64x128xbf16, #tpu.memory_space<vmem_shared>>
      tpu.wait_dma2 semaphore(%run_scoped3A : memref<!tpu.dma_semaphore, #tpu.memory_space<semaphore_mem>>) src(%arg13 : memref<64x128xbf16, #tpu.memory_space<vmem>>) dst(%dma_wait3A_98 : memref<64x128xbf16, #tpu.memory_space<vmem_shared>>)
      tpu.yield
    }) : () -> ()
    %mul3A_21 = arith.constant 640 : i32
    %mul3A_22 = arith.muli %arg1, %mul3A_21 : i32
    %add3A_23 = arith.constant 320 : i32
    %add3A_24 = arith.addi %mul3A_22, %add3A_23 : i32
    "tpu.region"() ({
      %run_scoped3A = tpu.sem_alloc : memref<!tpu.dma_semaphore, #tpu.memory_space<semaphore_mem>>
      %dma_start3A_91 = arith.constant 0 : i32
      %dma_start3A_92 = tpu.memref_slice %arg14[%add3A_24, %dma_start3A_91] : memref<10240x128xbf16, #tpu.memory_space<vmem_shared>> -> memref<64x128xbf16, #tpu.memory_space<vmem_shared>>
      %dma_start3A_93 = arith.constant 0 : i32
      %dma_start3A_94 = tpu.memref_slice %arg14[%add3A_24, %dma_start3A_93] : memref<10240x128xbf16, #tpu.memory_space<vmem_shared>> -> memref<64x128xbf16, #tpu.memory_space<vmem_shared>>
      tpu.enqueue_dma source(%arg13 : memref<64x128xbf16, #tpu.memory_space<vmem>>) target(%dma_start3A_94 : memref<64x128xbf16, #tpu.memory_space<vmem_shared>>) target_semaphore(%run_scoped3A : memref<!tpu.dma_semaphore, #tpu.memory_space<semaphore_mem>>)
      %dma_wait3A_95 = arith.constant 0 : i32
      %dma_wait3A_96 = tpu.memref_slice %arg14[%add3A_24, %dma_wait3A_95] : memref<10240x128xbf16, #tpu.memory_space<vmem_shared>> -> memref<64x128xbf16, #tpu.memory_space<vmem_shared>>
      %dma_wait3A_97 = arith.constant 0 : i32
      %dma_wait3A_98 = tpu.memref_slice %arg14[%add3A_24, %dma_wait3A_97] : memref<10240x128xbf16, #tpu.memory_space<vmem_shared>> -> memref<64x128xbf16, #tpu.memory_space<vmem_shared>>
      tpu.wait_dma2 semaphore(%run_scoped3A : memref<!tpu.dma_semaphore, #tpu.memory_space<semaphore_mem>>) src(%arg13 : memref<64x128xbf16, #tpu.memory_space<vmem>>) dst(%dma_wait3A_98 : memref<64x128xbf16, #tpu.memory_space<vmem_shared>>)
      tpu.yield
    }) : () -> ()
    %mul3A_25 = arith.constant 640 : i32
    %mul3A_26 = arith.muli %arg1, %mul3A_25 : i32
    %add3A_27 = arith.constant 384 : i32
    %add3A_28 = arith.addi %mul3A_26, %add3A_27 : i32
    "tpu.region"() ({
      %run_scoped3A = tpu.sem_alloc : memref<!tpu.dma_semaphore, #tpu.memory_space<semaphore_mem>>
      %dma_start3A_91 = arith.constant 0 : i32
      %dma_start3A_92 = tpu.memref_slice %arg14[%add3A_28, %dma_start3A_91] : memref<10240x128xbf16, #tpu.memory_space<vmem_shared>> -> memref<64x128xbf16, #tpu.memory_space<vmem_shared>>
      %dma_start3A_93 = arith.constant 0 : i32
      %dma_start3A_94 = tpu.memref_slice %arg14[%add3A_28, %dma_start3A_93] : memref<10240x128xbf16, #tpu.memory_space<vmem_shared>> -> memref<64x128xbf16, #tpu.memory_space<vmem_shared>>
      tpu.enqueue_dma source(%arg13 : memref<64x128xbf16, #tpu.memory_space<vmem>>) target(%dma_start3A_94 : memref<64x128xbf16, #tpu.memory_space<vmem_shared>>) target_semaphore(%run_scoped3A : memref<!tpu.dma_semaphore, #tpu.memory_space<semaphore_mem>>)
      %dma_wait3A_95 = arith.constant 0 : i32
      %dma_wait3A_96 = tpu.memref_slice %arg14[%add3A_28, %dma_wait3A_95] : memref<10240x128xbf16, #tpu.memory_space<vmem_shared>> -> memref<64x128xbf16, #tpu.memory_space<vmem_shared>>
      %dma_wait3A_97 = arith.constant 0 : i32
      %dma_wait3A_98 = tpu.memref_slice %arg14[%add3A_28, %dma_wait3A_97] : memref<10240x128xbf16, #tpu.memory_space<vmem_shared>> -> memref<64x128xbf16, #tpu.memory_space<vmem_shared>>
      tpu.wait_dma2 semaphore(%run_scoped3A : memref<!tpu.dma_semaphore, #tpu.memory_space<semaphore_mem>>) src(%arg13 : memref<64x128xbf16, #tpu.memory_space<vmem>>) dst(%dma_wait3A_98 : memref<64x128xbf16, #tpu.memory_space<vmem_shared>>)
      tpu.yield
    }) : () -> ()
    %mul3A_29 = arith.constant 640 : i32
    %mul3A_30 = arith.muli %arg1, %mul3A_29 : i32
    %add3A_31 = arith.constant 448 : i32
    %add3A_32 = arith.addi %mul3A_30, %add3A_31 : i32
    "tpu.region"() ({
      %run_scoped3A = tpu.sem_alloc : memref<!tpu.dma_semaphore, #tpu.memory_space<semaphore_mem>>
      %dma_start3A_91 = arith.constant 0 : i32
      %dma_start3A_92 = tpu.memref_slice %arg14[%add3A_32, %dma_start3A_91] : memref<10240x128xbf16, #tpu.memory_space<vmem_shared>> -> memref<64x128xbf16, #tpu.memory_space<vmem_shared>>
      %dma_start3A_93 = arith.constant 0 : i32
      %dma_start3A_94 = tpu.memref_slice %arg14[%add3A_32, %dma_start3A_93] : memref<10240x128xbf16, #tpu.memory_space<vmem_shared>> -> memref<64x128xbf16, #tpu.memory_space<vmem_shared>>
      tpu.enqueue_dma source(%arg13 : memref<64x128xbf16, #tpu.memory_space<vmem>>) target(%dma_start3A_94 : memref<64x128xbf16, #tpu.memory_space<vmem_shared>>) target_semaphore(%run_scoped3A : memref<!tpu.dma_semaphore, #tpu.memory_space<semaphore_mem>>)
      %dma_wait3A_95 = arith.constant 0 : i32
      %dma_wait3A_96 = tpu.memref_slice %arg14[%add3A_32, %dma_wait3A_95] : memref<10240x128xbf16, #tpu.memory_space<vmem_shared>> -> memref<64x128xbf16, #tpu.memory_space<vmem_shared>>
      %dma_wait3A_97 = arith.constant 0 : i32
      %dma_wait3A_98 = tpu.memref_slice %arg14[%add3A_32, %dma_wait3A_97] : memref<10240x128xbf16, #tpu.memory_space<vmem_shared>> -> memref<64x128xbf16, #tpu.memory_space<vmem_shared>>
      tpu.wait_dma2 semaphore(%run_scoped3A : memref<!tpu.dma_semaphore, #tpu.memory_space<semaphore_mem>>) src(%arg13 : memref<64x128xbf16, #tpu.memory_space<vmem>>) dst(%dma_wait3A_98 : memref<64x128xbf16, #tpu.memory_space<vmem_shared>>)
      tpu.yield
    }) : () -> ()
    %mul3A_33 = arith.constant 640 : i32
    %mul3A_34 = arith.muli %arg1, %mul3A_33 : i32
    %add3A_35 = arith.constant 512 : i32
    %add3A_36 = arith.addi %mul3A_34, %add3A_35 : i32
    "tpu.region"() ({
      %run_scoped3A = tpu.sem_alloc : memref<!tpu.dma_semaphore, #tpu.memory_space<semaphore_mem>>
      %dma_start3A_91 = arith.constant 0 : i32
      %dma_start3A_92 = tpu.memref_slice %arg14[%add3A_36, %dma_start3A_91] : memref<10240x128xbf16, #tpu.memory_space<vmem_shared>> -> memref<64x128xbf16, #tpu.memory_space<vmem_shared>>
      %dma_start3A_93 = arith.constant 0 : i32
      %dma_start3A_94 = tpu.memref_slice %arg14[%add3A_36, %dma_start3A_93] : memref<10240x128xbf16, #tpu.memory_space<vmem_shared>> -> memref<64x128xbf16, #tpu.memory_space<vmem_shared>>
      tpu.enqueue_dma source(%arg13 : memref<64x128xbf16, #tpu.memory_space<vmem>>) target(%dma_start3A_94 : memref<64x128xbf16, #tpu.memory_space<vmem_shared>>) target_semaphore(%run_scoped3A : memref<!tpu.dma_semaphore, #tpu.memory_space<semaphore_mem>>)
      %dma_wait3A_95 = arith.constant 0 : i32
      %dma_wait3A_96 = tpu.memref_slice %arg14[%add3A_36, %dma_wait3A_95] : memref<10240x128xbf16, #tpu.memory_space<vmem_shared>> -> memref<64x128xbf16, #tpu.memory_space<vmem_shared>>
      %dma_wait3A_97 = arith.constant 0 : i32
      %dma_wait3A_98 = tpu.memref_slice %arg14[%add3A_36, %dma_wait3A_97] : memref<10240x128xbf16, #tpu.memory_space<vmem_shared>> -> memref<64x128xbf16, #tpu.memory_space<vmem_shared>>
      tpu.wait_dma2 semaphore(%run_scoped3A : memref<!tpu.dma_semaphore, #tpu.memory_space<semaphore_mem>>) src(%arg13 : memref<64x128xbf16, #tpu.memory_space<vmem>>) dst(%dma_wait3A_98 : memref<64x128xbf16, #tpu.memory_space<vmem_shared>>)
      tpu.yield
    }) : () -> ()
    %mul3A_37 = arith.constant 640 : i32
    %mul3A_38 = arith.muli %arg1, %mul3A_37 : i32
    %add3A_39 = arith.constant 576 : i32
    %add3A_40 = arith.addi %mul3A_38, %add3A_39 : i32
    "tpu.region"() ({
      %run_scoped3A = tpu.sem_alloc : memref<!tpu.dma_semaphore, #tpu.memory_space<semaphore_mem>>
      %dma_start3A_91 = arith.constant 0 : i32
      %dma_start3A_92 = tpu.memref_slice %arg14[%add3A_40, %dma_start3A_91] : memref<10240x128xbf16, #tpu.memory_space<vmem_shared>> -> memref<64x128xbf16, #tpu.memory_space<vmem_shared>>
      %dma_start3A_93 = arith.constant 0 : i32
      %dma_start3A_94 = tpu.memref_slice %arg14[%add3A_40, %dma_start3A_93] : memref<10240x128xbf16, #tpu.memory_space<vmem_shared>> -> memref<64x128xbf16, #tpu.memory_space<vmem_shared>>
      tpu.enqueue_dma source(%arg13 : memref<64x128xbf16, #tpu.memory_space<vmem>>) target(%dma_start3A_94 : memref<64x128xbf16, #tpu.memory_space<vmem_shared>>) target_semaphore(%run_scoped3A : memref<!tpu.dma_semaphore, #tpu.memory_space<semaphore_mem>>)
      %dma_wait3A_95 = arith.constant 0 : i32
      %dma_wait3A_96 = tpu.memref_slice %arg14[%add3A_40, %dma_wait3A_95] : memref<10240x128xbf16, #tpu.memory_space<vmem_shared>> -> memref<64x128xbf16, #tpu.memory_space<vmem_shared>>
      %dma_wait3A_97 = arith.constant 0 : i32
      %dma_wait3A_98 = tpu.memref_slice %arg14[%add3A_40, %dma_wait3A_97] : memref<10240x128xbf16, #tpu.memory_space<vmem_shared>> -> memref<64x128xbf16, #tpu.memory_space<vmem_shared>>
      tpu.wait_dma2 semaphore(%run_scoped3A : memref<!tpu.dma_semaphore, #tpu.memory_space<semaphore_mem>>) src(%arg13 : memref<64x128xbf16, #tpu.memory_space<vmem>>) dst(%dma_wait3A_98 : memref<64x128xbf16, #tpu.memory_space<vmem_shared>>)
      tpu.yield
    }) : () -> ()
    "tpu.region"() ({
      %run_scoped3A = tpu.sem_alloc : memref<!tpu.dma_semaphore, #tpu.memory_space<semaphore_mem>>
      %dma_start3A_91 = arith.constant 0 : i32
      %dma_start3A_92 = arith.constant 0 : i32
      %dma_start3A_93 = tpu.memref_slice %arg3[%add3A, %dma_start3A_91, %dma_start3A_92] : memref<32x80x128xi32, #tpu.memory_space<hbm>> -> memref<1x80x128xi32, #tpu.memory_space<hbm>>
      %dma_start3A_94 = tpu.memref_squeeze %dma_start3A_93 : memref<1x80x128xi32, #tpu.memory_space<hbm>> -> memref<80x128xi32, #tpu.memory_space<hbm>>
      %dma_start3A_95 = arith.constant 0 : i32
      %dma_start3A_96 = arith.constant 0 : i32
      %dma_start3A_97 = tpu.memref_slice %arg3[%add3A, %dma_start3A_95, %dma_start3A_96] : memref<32x80x128xi32, #tpu.memory_space<hbm>> -> memref<1x80x128xi32, #tpu.memory_space<hbm>>
      %dma_start3A_98 = tpu.memref_squeeze %dma_start3A_97 : memref<1x80x128xi32, #tpu.memory_space<hbm>> -> memref<80x128xi32, #tpu.memory_space<hbm>>
      tpu.enqueue_dma source(%dma_start3A_98 : memref<80x128xi32, #tpu.memory_space<hbm>>) target(%arg7 : memref<80x128xi32, #tpu.memory_space<vmem>>) target_semaphore(%run_scoped3A : memref<!tpu.dma_semaphore, #tpu.memory_space<semaphore_mem>>)
      %dma_wait3A_99 = arith.constant 0 : i32
      %dma_wait3A_100 = arith.constant 0 : i32
      %dma_wait3A_101 = tpu.memref_slice %arg3[%add3A, %dma_wait3A_99, %dma_wait3A_100] : memref<32x80x128xi32, #tpu.memory_space<hbm>> -> memref<1x80x128xi32, #tpu.memory_space<hbm>>
      %dma_wait3A_102 = tpu.memref_squeeze %dma_wait3A_101 : memref<1x80x128xi32, #tpu.memory_space<hbm>> -> memref<80x128xi32, #tpu.memory_space<hbm>>
      %dma_wait3A_103 = arith.constant 0 : i32
      %dma_wait3A_104 = arith.constant 0 : i32
      %dma_wait3A_105 = tpu.memref_slice %arg3[%add3A, %dma_wait3A_103, %dma_wait3A_104] : memref<32x80x128xi32, #tpu.memory_space<hbm>> -> memref<1x80x128xi32, #tpu.memory_space<hbm>>
      %dma_wait3A_106 = tpu.memref_squeeze %dma_wait3A_105 : memref<1x80x128xi32, #tpu.memory_space<hbm>> -> memref<80x128xi32, #tpu.memory_space<hbm>>
      tpu.wait_dma2 semaphore(%run_scoped3A : memref<!tpu.dma_semaphore, #tpu.memory_space<semaphore_mem>>) src(%dma_wait3A_106 : memref<80x128xi32, #tpu.memory_space<hbm>>) dst(%arg7 : memref<80x128xi32, #tpu.memory_space<vmem>>)
      tpu.yield
    }) : () -> ()
    "tpu.region"() ({
      %run_scoped3A = tpu.sem_alloc : memref<!tpu.dma_semaphore, #tpu.memory_space<semaphore_mem>>
      %dma_start3A_91 = arith.constant 0 : i32
      %dma_start3A_92 = arith.constant 0 : i32
      %dma_start3A_93 = tpu.memref_slice %arg4[%add3A, %dma_start3A_91, %dma_start3A_92] : memref<32x80x128xi32, #tpu.memory_space<hbm>> -> memref<1x80x128xi32, #tpu.memory_space<hbm>>
      %dma_start3A_94 = tpu.memref_squeeze %dma_start3A_93 : memref<1x80x128xi32, #tpu.memory_space<hbm>> -> memref<80x128xi32, #tpu.memory_space<hbm>>
      %dma_start3A_95 = arith.constant 0 : i32
      %dma_start3A_96 = arith.constant 0 : i32
      %dma_start3A_97 = tpu.memref_slice %arg4[%add3A, %dma_start3A_95, %dma_start3A_96] : memref<32x80x128xi32, #tpu.memory_space<hbm>> -> memref<1x80x128xi32, #tpu.memory_space<hbm>>
      %dma_start3A_98 = tpu.memref_squeeze %dma_start3A_97 : memref<1x80x128xi32, #tpu.memory_space<hbm>> -> memref<80x128xi32, #tpu.memory_space<hbm>>
      tpu.enqueue_dma source(%dma_start3A_98 : memref<80x128xi32, #tpu.memory_space<hbm>>) target(%arg8 : memref<80x128xi32, #tpu.memory_space<vmem>>) target_semaphore(%run_scoped3A : memref<!tpu.dma_semaphore, #tpu.memory_space<semaphore_mem>>)
      %dma_wait3A_99 = arith.constant 0 : i32
      %dma_wait3A_100 = arith.constant 0 : i32
      %dma_wait3A_101 = tpu.memref_slice %arg4[%add3A, %dma_wait3A_99, %dma_wait3A_100] : memref<32x80x128xi32, #tpu.memory_space<hbm>> -> memref<1x80x128xi32, #tpu.memory_space<hbm>>
      %dma_wait3A_102 = tpu.memref_squeeze %dma_wait3A_101 : memref<1x80x128xi32, #tpu.memory_space<hbm>> -> memref<80x128xi32, #tpu.memory_space<hbm>>
      %dma_wait3A_103 = arith.constant 0 : i32
      %dma_wait3A_104 = arith.constant 0 : i32
      %dma_wait3A_105 = tpu.memref_slice %arg4[%add3A, %dma_wait3A_103, %dma_wait3A_104] : memref<32x80x128xi32, #tpu.memory_space<hbm>> -> memref<1x80x128xi32, #tpu.memory_space<hbm>>
      %dma_wait3A_106 = tpu.memref_squeeze %dma_wait3A_105 : memref<1x80x128xi32, #tpu.memory_space<hbm>> -> memref<80x128xi32, #tpu.memory_space<hbm>>
      tpu.wait_dma2 semaphore(%run_scoped3A : memref<!tpu.dma_semaphore, #tpu.memory_space<semaphore_mem>>) src(%dma_wait3A_106 : memref<80x128xi32, #tpu.memory_space<hbm>>) dst(%arg8 : memref<80x128xi32, #tpu.memory_space<vmem>>)
      tpu.yield
    }) : () -> ()
    %barrier3A = arith.constant 0 : index
    tpu.barrier barrier_id(%barrier3A)
    %dma_start3A = arith.constant 0 : i32
    %dma_start3A_41 = arith.constant 0 : i32
    %dma_start3A_42 = tpu.memref_slice %arg7[%dma_start3A, %dma_start3A_41] : memref<80x128xi32, #tpu.memory_space<vmem>> -> memref<1x128xi32, #tpu.memory_space<vmem>>
    %dma_start3A_43 = tpu.memref_squeeze %dma_start3A_42 : memref<1x128xi32, #tpu.memory_space<vmem>> -> memref<128xi32, #tpu.memory_space<vmem>>
    %dma_start3A_44 = arith.constant 0 : i32
    %dma_start3A_45 = arith.constant 0 : i32
    %dma_start3A_46 = tpu.memref_slice %arg2[%dma_start3A_44, %dma_start3A_45] : memref<10240x128xbf16, #tpu.memory_space<hbm>> -> memref<10240x128xbf16, #tpu.memory_space<hbm>>
    tpu.enqueue_indirect_dma source(%dma_start3A_46 : memref<10240x128xbf16, #tpu.memory_space<hbm>>) target(%arg9 : memref<128x128xbf16, #tpu.memory_space<vmem>>) offsets(%dma_start3A_43 : memref<128xi32, #tpu.memory_space<vmem>>) semaphore(%arg15 : memref<!tpu.dma_semaphore, #tpu.memory_space<semaphore_mem>>)
    %dma_start3A_47 = arith.constant 1 : i32
    %dma_start3A_48 = arith.constant 0 : i32
    %dma_start3A_49 = tpu.memref_slice %arg7[%dma_start3A_47, %dma_start3A_48] : memref<80x128xi32, #tpu.memory_space<vmem>> -> memref<1x128xi32, #tpu.memory_space<vmem>>
    %dma_start3A_50 = tpu.memref_squeeze %dma_start3A_49 : memref<1x128xi32, #tpu.memory_space<vmem>> -> memref<128xi32, #tpu.memory_space<vmem>>
    %dma_start3A_51 = arith.constant 0 : i32
    %dma_start3A_52 = arith.constant 0 : i32
    %dma_start3A_53 = tpu.memref_slice %arg2[%dma_start3A_51, %dma_start3A_52] : memref<10240x128xbf16, #tpu.memory_space<hbm>> -> memref<10240x128xbf16, #tpu.memory_space<hbm>>
    tpu.enqueue_indirect_dma source(%dma_start3A_53 : memref<10240x128xbf16, #tpu.memory_space<hbm>>) target(%arg10 : memref<128x128xbf16, #tpu.memory_space<vmem>>) offsets(%dma_start3A_50 : memref<128xi32, #tpu.memory_space<vmem>>) semaphore(%arg16 : memref<!tpu.dma_semaphore, #tpu.memory_space<semaphore_mem>>)
    %scan3A = arith.constant 0 : i32
    %scan3A_54 = arith.constant 0 : i32
    %scan3A_55 = arith.constant 20 : i32
    %scan3A_56 = arith.addi %scan3A_54, %scan3A_55 : i32
    %scan3A_57 = arith.constant 1 : i32
    scf.for %scan3A_91 = %scan3A_54 to %scan3A_56 step %scan3A_57  : i32 {
      %mul3A_92 = arith.constant 4 : i32
      %mul3A_93 = arith.muli %scan3A_91, %mul3A_92 : i32
      %add3A_94 = arith.constant 0 : i32
      %add3A_95 = arith.addi %mul3A_93, %add3A_94 : i32
      %dma_wait3A_96 = arith.constant 0 : i32
      %dma_wait3A_97 = tpu.memref_slice %arg7[%add3A_95, %dma_wait3A_96] : memref<80x128xi32, #tpu.memory_space<vmem>> -> memref<1x128xi32, #tpu.memory_space<vmem>>
      %dma_wait3A_98 = tpu.memref_squeeze %dma_wait3A_97 : memref<1x128xi32, #tpu.memory_space<vmem>> -> memref<128xi32, #tpu.memory_space<vmem>>
      %dma_wait3A_99 = arith.constant 0 : i32
      %dma_wait3A_100 = arith.constant 0 : i32
      %dma_wait3A_101 = tpu.memref_slice %arg2[%dma_wait3A_99, %dma_wait3A_100] : memref<10240x128xbf16, #tpu.memory_space<hbm>> -> memref<10240x128xbf16, #tpu.memory_space<hbm>>
      tpu.wait_indirect_dma semaphore(%arg15 : memref<!tpu.dma_semaphore, #tpu.memory_space<semaphore_mem>>) src(%dma_wait3A_101 : memref<10240x128xbf16, #tpu.memory_space<hbm>>) dst(%arg9 : memref<128x128xbf16, #tpu.memory_space<vmem>>)
      %dma_start3A_102 = arith.constant 0 : i32
      %dma_start3A_103 = tpu.memref_slice %arg8[%add3A_95, %dma_start3A_102] : memref<80x128xi32, #tpu.memory_space<vmem>> -> memref<1x128xi32, #tpu.memory_space<vmem>>
      %dma_start3A_104 = tpu.memref_squeeze %dma_start3A_103 : memref<1x128xi32, #tpu.memory_space<vmem>> -> memref<128xi32, #tpu.memory_space<vmem>>
      %dma_start3A_105 = arith.constant 0 : i32
      %dma_start3A_106 = arith.constant 0 : i32
      %dma_start3A_107 = tpu.memref_slice %arg14[%dma_start3A_105, %dma_start3A_106] : memref<10240x128xbf16, #tpu.memory_space<vmem_shared>> -> memref<10240x128xbf16, #tpu.memory_space<vmem_shared>>
      tpu.enqueue_indirect_dma source(%arg9 : memref<128x128xbf16, #tpu.memory_space<vmem>>) target(%dma_start3A_107 : memref<10240x128xbf16, #tpu.memory_space<vmem_shared>>) offsets(%dma_start3A_104 : memref<128xi32, #tpu.memory_space<vmem>>) semaphore(%arg19 : memref<!tpu.dma_semaphore, #tpu.memory_space<semaphore_mem>>) {add = true}
      %add3A_108 = arith.constant 2 : i32
      %add3A_109 = arith.addi %add3A_95, %add3A_108 : i32
      %lt3A = arith.constant 80 : i32
      %lt3A_110 = arith.cmpi slt, %add3A_109, %lt3A : i32
      %convert_element_type3A = arith.extui %lt3A_110 : i1 to i32
      %cond3A = arith.constant 0 : i32
      %cond3A_111 = arith.cmpi ne, %convert_element_type3A, %cond3A : i32
      scf.if %cond3A_111 {
        %ge3A = arith.constant 4 : i32
        %ge3A_181 = arith.cmpi sge, %add3A_109, %ge3A : i32
        %convert_element_type3A_182 = arith.extui %ge3A_181 : i1 to i32
        %cond3A_183 = arith.constant 0 : i32
        %cond3A_184 = arith.cmpi ne, %convert_element_type3A_182, %cond3A_183 : i32
        scf.if %cond3A_184 {
          %sub3A = arith.constant 4 : i32
          %sub3A_191 = arith.subi %add3A_109, %sub3A : i32
          %dma_wait3A_192 = arith.constant 0 : i32
          %dma_wait3A_193 = tpu.memref_slice %arg8[%sub3A_191, %dma_wait3A_192] : memref<80x128xi32, #tpu.memory_space<vmem>> -> memref<1x128xi32, #tpu.memory_space<vmem>>
          %dma_wait3A_194 = tpu.memref_squeeze %dma_wait3A_193 : memref<1x128xi32, #tpu.memory_space<vmem>> -> memref<128xi32, #tpu.memory_space<vmem>>
          %dma_wait3A_195 = arith.constant 0 : i32
          %dma_wait3A_196 = arith.constant 0 : i32
          %dma_wait3A_197 = tpu.memref_slice %arg14[%dma_wait3A_195, %dma_wait3A_196] : memref<10240x128xbf16, #tpu.memory_space<vmem_shared>> -> memref<10240x128xbf16, #tpu.memory_space<vmem_shared>>
          tpu.wait_indirect_dma semaphore(%arg21 : memref<!tpu.dma_semaphore, #tpu.memory_space<semaphore_mem>>) src(%arg11 : memref<128x128xbf16, #tpu.memory_space<vmem>>) dst(%dma_wait3A_197 : memref<10240x128xbf16, #tpu.memory_space<vmem_shared>>)
        } else {
        }
        %dma_start3A_185 = arith.constant 0 : i32
        %dma_start3A_186 = tpu.memref_slice %arg7[%add3A_109, %dma_start3A_185] : memref<80x128xi32, #tpu.memory_space<vmem>> -> memref<1x128xi32, #tpu.memory_space<vmem>>
        %dma_start3A_187 = tpu.memref_squeeze %dma_start3A_186 : memref<1x128xi32, #tpu.memory_space<vmem>> -> memref<128xi32, #tpu.memory_space<vmem>>
        %dma_start3A_188 = arith.constant 0 : i32
        %dma_start3A_189 = arith.constant 0 : i32
        %dma_start3A_190 = tpu.memref_slice %arg2[%dma_start3A_188, %dma_start3A_189] : memref<10240x128xbf16, #tpu.memory_space<hbm>> -> memref<10240x128xbf16, #tpu.memory_space<hbm>>
        tpu.enqueue_indirect_dma source(%dma_start3A_190 : memref<10240x128xbf16, #tpu.memory_space<hbm>>) target(%arg11 : memref<128x128xbf16, #tpu.memory_space<vmem>>) offsets(%dma_start3A_187 : memref<128xi32, #tpu.memory_space<vmem>>) semaphore(%arg17 : memref<!tpu.dma_semaphore, #tpu.memory_space<semaphore_mem>>)
      } else {
      }
      %mul3A_112 = arith.constant 4 : i32
      %mul3A_113 = arith.muli %scan3A_91, %mul3A_112 : i32
      %add3A_114 = arith.constant 1 : i32
      %add3A_115 = arith.addi %mul3A_113, %add3A_114 : i32
      %dma_wait3A_116 = arith.constant 0 : i32
      %dma_wait3A_117 = tpu.memref_slice %arg7[%add3A_115, %dma_wait3A_116] : memref<80x128xi32, #tpu.memory_space<vmem>> -> memref<1x128xi32, #tpu.memory_space<vmem>>
      %dma_wait3A_118 = tpu.memref_squeeze %dma_wait3A_117 : memref<1x128xi32, #tpu.memory_space<vmem>> -> memref<128xi32, #tpu.memory_space<vmem>>
      %dma_wait3A_119 = arith.constant 0 : i32
      %dma_wait3A_120 = arith.constant 0 : i32
      %dma_wait3A_121 = tpu.memref_slice %arg2[%dma_wait3A_119, %dma_wait3A_120] : memref<10240x128xbf16, #tpu.memory_space<hbm>> -> memref<10240x128xbf16, #tpu.memory_space<hbm>>
      tpu.wait_indirect_dma semaphore(%arg16 : memref<!tpu.dma_semaphore, #tpu.memory_space<semaphore_mem>>) src(%dma_wait3A_121 : memref<10240x128xbf16, #tpu.memory_space<hbm>>) dst(%arg10 : memref<128x128xbf16, #tpu.memory_space<vmem>>)
      %dma_start3A_122 = arith.constant 0 : i32
      %dma_start3A_123 = tpu.memref_slice %arg8[%add3A_115, %dma_start3A_122] : memref<80x128xi32, #tpu.memory_space<vmem>> -> memref<1x128xi32, #tpu.memory_space<vmem>>
      %dma_start3A_124 = tpu.memref_squeeze %dma_start3A_123 : memref<1x128xi32, #tpu.memory_space<vmem>> -> memref<128xi32, #tpu.memory_space<vmem>>
      %dma_start3A_125 = arith.constant 0 : i32
      %dma_start3A_126 = arith.constant 0 : i32
      %dma_start3A_127 = tpu.memref_slice %arg14[%dma_start3A_125, %dma_start3A_126] : memref<10240x128xbf16, #tpu.memory_space<vmem_shared>> -> memref<10240x128xbf16, #tpu.memory_space<vmem_shared>>
      tpu.enqueue_indirect_dma source(%arg10 : memref<128x128xbf16, #tpu.memory_space<vmem>>) target(%dma_start3A_127 : memref<10240x128xbf16, #tpu.memory_space<vmem_shared>>) offsets(%dma_start3A_124 : memref<128xi32, #tpu.memory_space<vmem>>) semaphore(%arg20 : memref<!tpu.dma_semaphore, #tpu.memory_space<semaphore_mem>>) {add = true}
      %add3A_128 = arith.constant 2 : i32
      %add3A_129 = arith.addi %add3A_115, %add3A_128 : i32
      %lt3A_130 = arith.constant 80 : i32
      %lt3A_131 = arith.cmpi slt, %add3A_129, %lt3A_130 : i32
      %convert_element_type3A_132 = arith.extui %lt3A_131 : i1 to i32
      %cond3A_133 = arith.constant 0 : i32
      %cond3A_134 = arith.cmpi ne, %convert_element_type3A_132, %cond3A_133 : i32
      scf.if %cond3A_134 {
        %ge3A = arith.constant 4 : i32
        %ge3A_181 = arith.cmpi sge, %add3A_129, %ge3A : i32
        %convert_element_type3A_182 = arith.extui %ge3A_181 : i1 to i32
        %cond3A_183 = arith.constant 0 : i32
        %cond3A_184 = arith.cmpi ne, %convert_element_type3A_182, %cond3A_183 : i32
        scf.if %cond3A_184 {
          %sub3A = arith.constant 4 : i32
          %sub3A_191 = arith.subi %add3A_129, %sub3A : i32
          %dma_wait3A_192 = arith.constant 0 : i32
          %dma_wait3A_193 = tpu.memref_slice %arg8[%sub3A_191, %dma_wait3A_192] : memref<80x128xi32, #tpu.memory_space<vmem>> -> memref<1x128xi32, #tpu.memory_space<vmem>>
          %dma_wait3A_194 = tpu.memref_squeeze %dma_wait3A_193 : memref<1x128xi32, #tpu.memory_space<vmem>> -> memref<128xi32, #tpu.memory_space<vmem>>
          %dma_wait3A_195 = arith.constant 0 : i32
          %dma_wait3A_196 = arith.constant 0 : i32
          %dma_wait3A_197 = tpu.memref_slice %arg14[%dma_wait3A_195, %dma_wait3A_196] : memref<10240x128xbf16, #tpu.memory_space<vmem_shared>> -> memref<10240x128xbf16, #tpu.memory_space<vmem_shared>>
          tpu.wait_indirect_dma semaphore(%arg22 : memref<!tpu.dma_semaphore, #tpu.memory_space<semaphore_mem>>) src(%arg12 : memref<128x128xbf16, #tpu.memory_space<vmem>>) dst(%dma_wait3A_197 : memref<10240x128xbf16, #tpu.memory_space<vmem_shared>>)
        } else {
        }
        %dma_start3A_185 = arith.constant 0 : i32
        %dma_start3A_186 = tpu.memref_slice %arg7[%add3A_129, %dma_start3A_185] : memref<80x128xi32, #tpu.memory_space<vmem>> -> memref<1x128xi32, #tpu.memory_space<vmem>>
        %dma_start3A_187 = tpu.memref_squeeze %dma_start3A_186 : memref<1x128xi32, #tpu.memory_space<vmem>> -> memref<128xi32, #tpu.memory_space<vmem>>
        %dma_start3A_188 = arith.constant 0 : i32
        %dma_start3A_189 = arith.constant 0 : i32
        %dma_start3A_190 = tpu.memref_slice %arg2[%dma_start3A_188, %dma_start3A_189] : memref<10240x128xbf16, #tpu.memory_space<hbm>> -> memref<10240x128xbf16, #tpu.memory_space<hbm>>
        tpu.enqueue_indirect_dma source(%dma_start3A_190 : memref<10240x128xbf16, #tpu.memory_space<hbm>>) target(%arg12 : memref<128x128xbf16, #tpu.memory_space<vmem>>) offsets(%dma_start3A_187 : memref<128xi32, #tpu.memory_space<vmem>>) semaphore(%arg18 : memref<!tpu.dma_semaphore, #tpu.memory_space<semaphore_mem>>)
      } else {
      }
      %mul3A_135 = arith.constant 4 : i32
      %mul3A_136 = arith.muli %scan3A_91, %mul3A_135 : i32
      %add3A_137 = arith.constant 2 : i32
      %add3A_138 = arith.addi %mul3A_136, %add3A_137 : i32
      %dma_wait3A_139 = arith.constant 0 : i32
      %dma_wait3A_140 = tpu.memref_slice %arg7[%add3A_138, %dma_wait3A_139] : memref<80x128xi32, #tpu.memory_space<vmem>> -> memref<1x128xi32, #tpu.memory_space<vmem>>
      %dma_wait3A_141 = tpu.memref_squeeze %dma_wait3A_140 : memref<1x128xi32, #tpu.memory_space<vmem>> -> memref<128xi32, #tpu.memory_space<vmem>>
      %dma_wait3A_142 = arith.constant 0 : i32
      %dma_wait3A_143 = arith.constant 0 : i32
      %dma_wait3A_144 = tpu.memref_slice %arg2[%dma_wait3A_142, %dma_wait3A_143] : memref<10240x128xbf16, #tpu.memory_space<hbm>> -> memref<10240x128xbf16, #tpu.memory_space<hbm>>
      tpu.wait_indirect_dma semaphore(%arg17 : memref<!tpu.dma_semaphore, #tpu.memory_space<semaphore_mem>>) src(%dma_wait3A_144 : memref<10240x128xbf16, #tpu.memory_space<hbm>>) dst(%arg11 : memref<128x128xbf16, #tpu.memory_space<vmem>>)
      %dma_start3A_145 = arith.constant 0 : i32
      %dma_start3A_146 = tpu.memref_slice %arg8[%add3A_138, %dma_start3A_145] : memref<80x128xi32, #tpu.memory_space<vmem>> -> memref<1x128xi32, #tpu.memory_space<vmem>>
      %dma_start3A_147 = tpu.memref_squeeze %dma_start3A_146 : memref<1x128xi32, #tpu.memory_space<vmem>> -> memref<128xi32, #tpu.memory_space<vmem>>
      %dma_start3A_148 = arith.constant 0 : i32
      %dma_start3A_149 = arith.constant 0 : i32
      %dma_start3A_150 = tpu.memref_slice %arg14[%dma_start3A_148, %dma_start3A_149] : memref<10240x128xbf16, #tpu.memory_space<vmem_shared>> -> memref<10240x128xbf16, #tpu.memory_space<vmem_shared>>
      tpu.enqueue_indirect_dma source(%arg11 : memref<128x128xbf16, #tpu.memory_space<vmem>>) target(%dma_start3A_150 : memref<10240x128xbf16, #tpu.memory_space<vmem_shared>>) offsets(%dma_start3A_147 : memref<128xi32, #tpu.memory_space<vmem>>) semaphore(%arg21 : memref<!tpu.dma_semaphore, #tpu.memory_space<semaphore_mem>>) {add = true}
      %add3A_151 = arith.constant 2 : i32
      %add3A_152 = arith.addi %add3A_138, %add3A_151 : i32
      %lt3A_153 = arith.constant 80 : i32
      %lt3A_154 = arith.cmpi slt, %add3A_152, %lt3A_153 : i32
      %convert_element_type3A_155 = arith.extui %lt3A_154 : i1 to i32
      %cond3A_156 = arith.constant 0 : i32
      %cond3A_157 = arith.cmpi ne, %convert_element_type3A_155, %cond3A_156 : i32
      scf.if %cond3A_157 {
        %ge3A = arith.constant 4 : i32
        %ge3A_181 = arith.cmpi sge, %add3A_152, %ge3A : i32
        %convert_element_type3A_182 = arith.extui %ge3A_181 : i1 to i32
        %cond3A_183 = arith.constant 0 : i32
        %cond3A_184 = arith.cmpi ne, %convert_element_type3A_182, %cond3A_183 : i32
        scf.if %cond3A_184 {
          %sub3A = arith.constant 4 : i32
          %sub3A_191 = arith.subi %add3A_152, %sub3A : i32
          %dma_wait3A_192 = arith.constant 0 : i32
          %dma_wait3A_193 = tpu.memref_slice %arg8[%sub3A_191, %dma_wait3A_192] : memref<80x128xi32, #tpu.memory_space<vmem>> -> memref<1x128xi32, #tpu.memory_space<vmem>>
          %dma_wait3A_194 = tpu.memref_squeeze %dma_wait3A_193 : memref<1x128xi32, #tpu.memory_space<vmem>> -> memref<128xi32, #tpu.memory_space<vmem>>
          %dma_wait3A_195 = arith.constant 0 : i32
          %dma_wait3A_196 = arith.constant 0 : i32
          %dma_wait3A_197 = tpu.memref_slice %arg14[%dma_wait3A_195, %dma_wait3A_196] : memref<10240x128xbf16, #tpu.memory_space<vmem_shared>> -> memref<10240x128xbf16, #tpu.memory_space<vmem_shared>>
          tpu.wait_indirect_dma semaphore(%arg19 : memref<!tpu.dma_semaphore, #tpu.memory_space<semaphore_mem>>) src(%arg9 : memref<128x128xbf16, #tpu.memory_space<vmem>>) dst(%dma_wait3A_197 : memref<10240x128xbf16, #tpu.memory_space<vmem_shared>>)
        } else {
        }
        %dma_start3A_185 = arith.constant 0 : i32
        %dma_start3A_186 = tpu.memref_slice %arg7[%add3A_152, %dma_start3A_185] : memref<80x128xi32, #tpu.memory_space<vmem>> -> memref<1x128xi32, #tpu.memory_space<vmem>>
        %dma_start3A_187 = tpu.memref_squeeze %dma_start3A_186 : memref<1x128xi32, #tpu.memory_space<vmem>> -> memref<128xi32, #tpu.memory_space<vmem>>
        %dma_start3A_188 = arith.constant 0 : i32
        %dma_start3A_189 = arith.constant 0 : i32
        %dma_start3A_190 = tpu.memref_slice %arg2[%dma_start3A_188, %dma_start3A_189] : memref<10240x128xbf16, #tpu.memory_space<hbm>> -> memref<10240x128xbf16, #tpu.memory_space<hbm>>
        tpu.enqueue_indirect_dma source(%dma_start3A_190 : memref<10240x128xbf16, #tpu.memory_space<hbm>>) target(%arg9 : memref<128x128xbf16, #tpu.memory_space<vmem>>) offsets(%dma_start3A_187 : memref<128xi32, #tpu.memory_space<vmem>>) semaphore(%arg15 : memref<!tpu.dma_semaphore, #tpu.memory_space<semaphore_mem>>)
      } else {
      }
      %mul3A_158 = arith.constant 4 : i32
      %mul3A_159 = arith.muli %scan3A_91, %mul3A_158 : i32
      %add3A_160 = arith.constant 3 : i32
      %add3A_161 = arith.addi %mul3A_159, %add3A_160 : i32
      %dma_wait3A_162 = arith.constant 0 : i32
      %dma_wait3A_163 = tpu.memref_slice %arg7[%add3A_161, %dma_wait3A_162] : memref<80x128xi32, #tpu.memory_space<vmem>> -> memref<1x128xi32, #tpu.memory_space<vmem>>
      %dma_wait3A_164 = tpu.memref_squeeze %dma_wait3A_163 : memref<1x128xi32, #tpu.memory_space<vmem>> -> memref<128xi32, #tpu.memory_space<vmem>>
      %dma_wait3A_165 = arith.constant 0 : i32
      %dma_wait3A_166 = arith.constant 0 : i32
      %dma_wait3A_167 = tpu.memref_slice %arg2[%dma_wait3A_165, %dma_wait3A_166] : memref<10240x128xbf16, #tpu.memory_space<hbm>> -> memref<10240x128xbf16, #tpu.memory_space<hbm>>
      tpu.wait_indirect_dma semaphore(%arg18 : memref<!tpu.dma_semaphore, #tpu.memory_space<semaphore_mem>>) src(%dma_wait3A_167 : memref<10240x128xbf16, #tpu.memory_space<hbm>>) dst(%arg12 : memref<128x128xbf16, #tpu.memory_space<vmem>>)
      %dma_start3A_168 = arith.constant 0 : i32
      %dma_start3A_169 = tpu.memref_slice %arg8[%add3A_161, %dma_start3A_168] : memref<80x128xi32, #tpu.memory_space<vmem>> -> memref<1x128xi32, #tpu.memory_space<vmem>>
      %dma_start3A_170 = tpu.memref_squeeze %dma_start3A_169 : memref<1x128xi32, #tpu.memory_space<vmem>> -> memref<128xi32, #tpu.memory_space<vmem>>
      %dma_start3A_171 = arith.constant 0 : i32
      %dma_start3A_172 = arith.constant 0 : i32
      %dma_start3A_173 = tpu.memref_slice %arg14[%dma_start3A_171, %dma_start3A_172] : memref<10240x128xbf16, #tpu.memory_space<vmem_shared>> -> memref<10240x128xbf16, #tpu.memory_space<vmem_shared>>
      tpu.enqueue_indirect_dma source(%arg12 : memref<128x128xbf16, #tpu.memory_space<vmem>>) target(%dma_start3A_173 : memref<10240x128xbf16, #tpu.memory_space<vmem_shared>>) offsets(%dma_start3A_170 : memref<128xi32, #tpu.memory_space<vmem>>) semaphore(%arg22 : memref<!tpu.dma_semaphore, #tpu.memory_space<semaphore_mem>>) {add = true}
      %add3A_174 = arith.constant 2 : i32
      %add3A_175 = arith.addi %add3A_161, %add3A_174 : i32
      %lt3A_176 = arith.constant 80 : i32
      %lt3A_177 = arith.cmpi slt, %add3A_175, %lt3A_176 : i32
      %convert_element_type3A_178 = arith.extui %lt3A_177 : i1 to i32
      %cond3A_179 = arith.constant 0 : i32
      %cond3A_180 = arith.cmpi ne, %convert_element_type3A_178, %cond3A_179 : i32
      scf.if %cond3A_180 {
        %ge3A = arith.constant 4 : i32
        %ge3A_181 = arith.cmpi sge, %add3A_175, %ge3A : i32
        %convert_element_type3A_182 = arith.extui %ge3A_181 : i1 to i32
        %cond3A_183 = arith.constant 0 : i32
        %cond3A_184 = arith.cmpi ne, %convert_element_type3A_182, %cond3A_183 : i32
        scf.if %cond3A_184 {
          %sub3A = arith.constant 4 : i32
          %sub3A_191 = arith.subi %add3A_175, %sub3A : i32
          %dma_wait3A_192 = arith.constant 0 : i32
          %dma_wait3A_193 = tpu.memref_slice %arg8[%sub3A_191, %dma_wait3A_192] : memref<80x128xi32, #tpu.memory_space<vmem>> -> memref<1x128xi32, #tpu.memory_space<vmem>>
          %dma_wait3A_194 = tpu.memref_squeeze %dma_wait3A_193 : memref<1x128xi32, #tpu.memory_space<vmem>> -> memref<128xi32, #tpu.memory_space<vmem>>
          %dma_wait3A_195 = arith.constant 0 : i32
          %dma_wait3A_196 = arith.constant 0 : i32
          %dma_wait3A_197 = tpu.memref_slice %arg14[%dma_wait3A_195, %dma_wait3A_196] : memref<10240x128xbf16, #tpu.memory_space<vmem_shared>> -> memref<10240x128xbf16, #tpu.memory_space<vmem_shared>>
          tpu.wait_indirect_dma semaphore(%arg20 : memref<!tpu.dma_semaphore, #tpu.memory_space<semaphore_mem>>) src(%arg10 : memref<128x128xbf16, #tpu.memory_space<vmem>>) dst(%dma_wait3A_197 : memref<10240x128xbf16, #tpu.memory_space<vmem_shared>>)
        } else {
        }
        %dma_start3A_185 = arith.constant 0 : i32
        %dma_start3A_186 = tpu.memref_slice %arg7[%add3A_175, %dma_start3A_185] : memref<80x128xi32, #tpu.memory_space<vmem>> -> memref<1x128xi32, #tpu.memory_space<vmem>>
        %dma_start3A_187 = tpu.memref_squeeze %dma_start3A_186 : memref<1x128xi32, #tpu.memory_space<vmem>> -> memref<128xi32, #tpu.memory_space<vmem>>
        %dma_start3A_188 = arith.constant 0 : i32
        %dma_start3A_189 = arith.constant 0 : i32
        %dma_start3A_190 = tpu.memref_slice %arg2[%dma_start3A_188, %dma_start3A_189] : memref<10240x128xbf16, #tpu.memory_space<hbm>> -> memref<10240x128xbf16, #tpu.memory_space<hbm>>
        tpu.enqueue_indirect_dma source(%dma_start3A_190 : memref<10240x128xbf16, #tpu.memory_space<hbm>>) target(%arg10 : memref<128x128xbf16, #tpu.memory_space<vmem>>) offsets(%dma_start3A_187 : memref<128xi32, #tpu.memory_space<vmem>>) semaphore(%arg16 : memref<!tpu.dma_semaphore, #tpu.memory_space<semaphore_mem>>)
      } else {
      }
    }
    %scan3A_58 = arith.constant 20 : i32
    %dma_wait3A = arith.constant 76 : i32
    %dma_wait3A_59 = arith.constant 0 : i32
    %dma_wait3A_60 = tpu.memref_slice %arg8[%dma_wait3A, %dma_wait3A_59] : memref<80x128xi32, #tpu.memory_space<vmem>> -> memref<1x128xi32, #tpu.memory_space<vmem>>
    %dma_wait3A_61 = tpu.memref_squeeze %dma_wait3A_60 : memref<1x128xi32, #tpu.memory_space<vmem>> -> memref<128xi32, #tpu.memory_space<vmem>>
    %dma_wait3A_62 = arith.constant 0 : i32
    %dma_wait3A_63 = arith.constant 0 : i32
    %dma_wait3A_64 = tpu.memref_slice %arg14[%dma_wait3A_62, %dma_wait3A_63] : memref<10240x128xbf16, #tpu.memory_space<vmem_shared>> -> memref<10240x128xbf16, #tpu.memory_space<vmem_shared>>
    tpu.wait_indirect_dma semaphore(%arg19 : memref<!tpu.dma_semaphore, #tpu.memory_space<semaphore_mem>>) src(%arg9 : memref<128x128xbf16, #tpu.memory_space<vmem>>) dst(%dma_wait3A_64 : memref<10240x128xbf16, #tpu.memory_space<vmem_shared>>)
    %dma_wait3A_65 = arith.constant 77 : i32
    %dma_wait3A_66 = arith.constant 0 : i32
    %dma_wait3A_67 = tpu.memref_slice %arg8[%dma_wait3A_65, %dma_wait3A_66] : memref<80x128xi32, #tpu.memory_space<vmem>> -> memref<1x128xi32, #tpu.memory_space<vmem>>
    %dma_wait3A_68 = tpu.memref_squeeze %dma_wait3A_67 : memref<1x128xi32, #tpu.memory_space<vmem>> -> memref<128xi32, #tpu.memory_space<vmem>>
    %dma_wait3A_69 = arith.constant 0 : i32
    %dma_wait3A_70 = arith.constant 0 : i32
    %dma_wait3A_71 = tpu.memref_slice %arg14[%dma_wait3A_69, %dma_wait3A_70] : memref<10240x128xbf16, #tpu.memory_space<vmem_shared>> -> memref<10240x128xbf16, #tpu.memory_space<vmem_shared>>
    tpu.wait_indirect_dma semaphore(%arg20 : memref<!tpu.dma_semaphore, #tpu.memory_space<semaphore_mem>>) src(%arg10 : memref<128x128xbf16, #tpu.memory_space<vmem>>) dst(%dma_wait3A_71 : memref<10240x128xbf16, #tpu.memory_space<vmem_shared>>)
    %dma_wait3A_72 = arith.constant 78 : i32
    %dma_wait3A_73 = arith.constant 0 : i32
    %dma_wait3A_74 = tpu.memref_slice %arg8[%dma_wait3A_72, %dma_wait3A_73] : memref<80x128xi32, #tpu.memory_space<vmem>> -> memref<1x128xi32, #tpu.memory_space<vmem>>
    %dma_wait3A_75 = tpu.memref_squeeze %dma_wait3A_74 : memref<1x128xi32, #tpu.memory_space<vmem>> -> memref<128xi32, #tpu.memory_space<vmem>>
    %dma_wait3A_76 = arith.constant 0 : i32
    %dma_wait3A_77 = arith.constant 0 : i32
    %dma_wait3A_78 = tpu.memref_slice %arg14[%dma_wait3A_76, %dma_wait3A_77] : memref<10240x128xbf16, #tpu.memory_space<vmem_shared>> -> memref<10240x128xbf16, #tpu.memory_space<vmem_shared>>
    tpu.wait_indirect_dma semaphore(%arg21 : memref<!tpu.dma_semaphore, #tpu.memory_space<semaphore_mem>>) src(%arg11 : memref<128x128xbf16, #tpu.memory_space<vmem>>) dst(%dma_wait3A_78 : memref<10240x128xbf16, #tpu.memory_space<vmem_shared>>)
    %dma_wait3A_79 = arith.constant 79 : i32
    %dma_wait3A_80 = arith.constant 0 : i32
    %dma_wait3A_81 = tpu.memref_slice %arg8[%dma_wait3A_79, %dma_wait3A_80] : memref<80x128xi32, #tpu.memory_space<vmem>> -> memref<1x128xi32, #tpu.memory_space<vmem>>
    %dma_wait3A_82 = tpu.memref_squeeze %dma_wait3A_81 : memref<1x128xi32, #tpu.memory_space<vmem>> -> memref<128xi32, #tpu.memory_space<vmem>>
    %dma_wait3A_83 = arith.constant 0 : i32
    %dma_wait3A_84 = arith.constant 0 : i32
    %dma_wait3A_85 = tpu.memref_slice %arg14[%dma_wait3A_83, %dma_wait3A_84] : memref<10240x128xbf16, #tpu.memory_space<vmem_shared>> -> memref<10240x128xbf16, #tpu.memory_space<vmem_shared>>
    tpu.wait_indirect_dma semaphore(%arg22 : memref<!tpu.dma_semaphore, #tpu.memory_space<semaphore_mem>>) src(%arg12 : memref<128x128xbf16, #tpu.memory_space<vmem>>) dst(%dma_wait3A_85 : memref<10240x128xbf16, #tpu.memory_space<vmem_shared>>)
    %barrier3A_86 = arith.constant 0 : index
    tpu.barrier barrier_id(%barrier3A_86)
    %mul3A_87 = arith.constant 640 : i32
    %mul3A_88 = arith.muli %arg1, %mul3A_87 : i32
    %mul3A_89 = arith.constant 640 : i32
    %mul3A_90 = arith.muli %arg1, %mul3A_89 : i32
    "tpu.region"() ({
      %run_scoped3A = tpu.sem_alloc : memref<!tpu.dma_semaphore, #tpu.memory_space<semaphore_mem>>
      %dma_start3A_91 = arith.constant 0 : i32
      %dma_start3A_92 = tpu.memref_slice %arg6[%arg0, %mul3A_90, %dma_start3A_91] : memref<2x10240x128xbf16, #tpu.memory_space<hbm>> -> memref<1x640x128xbf16, #tpu.memory_space<hbm>>
      %dma_start3A_93 = tpu.memref_squeeze %dma_start3A_92 : memref<1x640x128xbf16, #tpu.memory_space<hbm>> -> memref<640x128xbf16, #tpu.memory_space<hbm>>
      %dma_start3A_94 = arith.constant 0 : i32
      %dma_start3A_95 = tpu.memref_slice %arg14[%mul3A_88, %dma_start3A_94] : memref<10240x128xbf16, #tpu.memory_space<vmem_shared>> -> memref<640x128xbf16, #tpu.memory_space<vmem_shared>>
      tpu.enqueue_dma source(%dma_start3A_95 : memref<640x128xbf16, #tpu.memory_space<vmem_shared>>) target(%dma_start3A_93 : memref<640x128xbf16, #tpu.memory_space<hbm>>) target_semaphore(%run_scoped3A : memref<!tpu.dma_semaphore, #tpu.memory_space<semaphore_mem>>)
      %dma_wait3A_96 = arith.constant 0 : i32
      %dma_wait3A_97 = tpu.memref_slice %arg6[%arg0, %mul3A_90, %dma_wait3A_96] : memref<2x10240x128xbf16, #tpu.memory_space<hbm>> -> memref<1x640x128xbf16, #tpu.memory_space<hbm>>
      %dma_wait3A_98 = tpu.memref_squeeze %dma_wait3A_97 : memref<1x640x128xbf16, #tpu.memory_space<hbm>> -> memref<640x128xbf16, #tpu.memory_space<hbm>>
      %dma_wait3A_99 = arith.constant 0 : i32
      %dma_wait3A_100 = tpu.memref_slice %arg14[%mul3A_88, %dma_wait3A_99] : memref<10240x128xbf16, #tpu.memory_space<vmem_shared>> -> memref<640x128xbf16, #tpu.memory_space<vmem_shared>>
      tpu.wait_dma2 semaphore(%run_scoped3A : memref<!tpu.dma_semaphore, #tpu.memory_space<semaphore_mem>>) src(%dma_wait3A_100 : memref<640x128xbf16, #tpu.memory_space<vmem_shared>>) dst(%dma_wait3A_98 : memref<640x128xbf16, #tpu.memory_space<hbm>>)
      tpu.yield
    }) : () -> ()
    return
  }
}

#map = affine_map<(d0, d1) -> (0, 0, 0)>
#map1 = affine_map<(d0, d1) -> (0, 0)>
module attributes {stable_mosaic.version = 14 : i64} {
  func.func @_deg_body(%arg0: i32, %arg1: i32, %arg2: memref<32x80x128xi32, #tpu.memory_space<hbm>>, %arg3: memref<128x16xf32, #tpu.memory_space<hbm>>, %arg4: memref<64x16xf32, #tpu.memory_space<hbm>>, %arg5: memref<2x10240x16xf32, #tpu.memory_space<hbm>>, %arg6: memref<80x128xi32, #tpu.memory_space<vmem>>, %arg7: memref<128x16xf32, #tpu.memory_space<vmem>>, %arg8: memref<64x16xf32, #tpu.memory_space<vmem>>, %arg9: memref<10240x16xf32, #tpu.memory_space<vmem_shared>>) attributes {dimension_semantics = [#tpu.dimension_semantics<core_parallel>, #tpu.dimension_semantics<subcore_parallel>], iteration_bounds = array<i64: 2, 16>, scalar_prefetch = 0 : i64, scratch_operands = 4 : i64, tpu.core_type = #tpu.core_type<sc_vector_subcore>, window_params = [{transform_indices = #map}, {transform_indices = #map1}, {transform_indices = #map1}, {transform_indices = #map}]} {
    %mul3A = arith.constant 16 : i32
    %mul3A_0 = arith.muli %arg0, %mul3A : i32
    %add3A = arith.addi %mul3A_0, %arg1 : i32
    "tpu.region"() ({
      %run_scoped3A = tpu.sem_alloc : memref<!tpu.dma_semaphore, #tpu.memory_space<semaphore_mem>>
      tpu.enqueue_dma source(%arg4 : memref<64x16xf32, #tpu.memory_space<hbm>>) target(%arg8 : memref<64x16xf32, #tpu.memory_space<vmem>>) target_semaphore(%run_scoped3A : memref<!tpu.dma_semaphore, #tpu.memory_space<semaphore_mem>>)
      tpu.wait_dma2 semaphore(%run_scoped3A : memref<!tpu.dma_semaphore, #tpu.memory_space<semaphore_mem>>) src(%arg4 : memref<64x16xf32, #tpu.memory_space<hbm>>) dst(%arg8 : memref<64x16xf32, #tpu.memory_space<vmem>>)
      tpu.yield
    }) : () -> ()
    %mul3A_1 = arith.constant 640 : i32
    %mul3A_2 = arith.muli %arg1, %mul3A_1 : i32
    %add3A_3 = arith.constant 0 : i32
    %add3A_4 = arith.addi %mul3A_2, %add3A_3 : i32
    "tpu.region"() ({
      %run_scoped3A = tpu.sem_alloc : memref<!tpu.dma_semaphore, #tpu.memory_space<semaphore_mem>>
      %dma_start3A = arith.constant 0 : i32
      %dma_start3A_51 = tpu.memref_slice %arg9[%add3A_4, %dma_start3A] : memref<10240x16xf32, #tpu.memory_space<vmem_shared>> -> memref<64x16xf32, #tpu.memory_space<vmem_shared>>
      %dma_start3A_52 = arith.constant 0 : i32
      %dma_start3A_53 = tpu.memref_slice %arg9[%add3A_4, %dma_start3A_52] : memref<10240x16xf32, #tpu.memory_space<vmem_shared>> -> memref<64x16xf32, #tpu.memory_space<vmem_shared>>
      tpu.enqueue_dma source(%arg8 : memref<64x16xf32, #tpu.memory_space<vmem>>) target(%dma_start3A_53 : memref<64x16xf32, #tpu.memory_space<vmem_shared>>) target_semaphore(%run_scoped3A : memref<!tpu.dma_semaphore, #tpu.memory_space<semaphore_mem>>)
      %dma_wait3A = arith.constant 0 : i32
      %dma_wait3A_54 = tpu.memref_slice %arg9[%add3A_4, %dma_wait3A] : memref<10240x16xf32, #tpu.memory_space<vmem_shared>> -> memref<64x16xf32, #tpu.memory_space<vmem_shared>>
      %dma_wait3A_55 = arith.constant 0 : i32
      %dma_wait3A_56 = tpu.memref_slice %arg9[%add3A_4, %dma_wait3A_55] : memref<10240x16xf32, #tpu.memory_space<vmem_shared>> -> memref<64x16xf32, #tpu.memory_space<vmem_shared>>
      tpu.wait_dma2 semaphore(%run_scoped3A : memref<!tpu.dma_semaphore, #tpu.memory_space<semaphore_mem>>) src(%arg8 : memref<64x16xf32, #tpu.memory_space<vmem>>) dst(%dma_wait3A_56 : memref<64x16xf32, #tpu.memory_space<vmem_shared>>)
      tpu.yield
    }) : () -> ()
    %mul3A_5 = arith.constant 640 : i32
    %mul3A_6 = arith.muli %arg1, %mul3A_5 : i32
    %add3A_7 = arith.constant 64 : i32
    %add3A_8 = arith.addi %mul3A_6, %add3A_7 : i32
    "tpu.region"() ({
      %run_scoped3A = tpu.sem_alloc : memref<!tpu.dma_semaphore, #tpu.memory_space<semaphore_mem>>
      %dma_start3A = arith.constant 0 : i32
      %dma_start3A_51 = tpu.memref_slice %arg9[%add3A_8, %dma_start3A] : memref<10240x16xf32, #tpu.memory_space<vmem_shared>> -> memref<64x16xf32, #tpu.memory_space<vmem_shared>>
      %dma_start3A_52 = arith.constant 0 : i32
      %dma_start3A_53 = tpu.memref_slice %arg9[%add3A_8, %dma_start3A_52] : memref<10240x16xf32, #tpu.memory_space<vmem_shared>> -> memref<64x16xf32, #tpu.memory_space<vmem_shared>>
      tpu.enqueue_dma source(%arg8 : memref<64x16xf32, #tpu.memory_space<vmem>>) target(%dma_start3A_53 : memref<64x16xf32, #tpu.memory_space<vmem_shared>>) target_semaphore(%run_scoped3A : memref<!tpu.dma_semaphore, #tpu.memory_space<semaphore_mem>>)
      %dma_wait3A = arith.constant 0 : i32
      %dma_wait3A_54 = tpu.memref_slice %arg9[%add3A_8, %dma_wait3A] : memref<10240x16xf32, #tpu.memory_space<vmem_shared>> -> memref<64x16xf32, #tpu.memory_space<vmem_shared>>
      %dma_wait3A_55 = arith.constant 0 : i32
      %dma_wait3A_56 = tpu.memref_slice %arg9[%add3A_8, %dma_wait3A_55] : memref<10240x16xf32, #tpu.memory_space<vmem_shared>> -> memref<64x16xf32, #tpu.memory_space<vmem_shared>>
      tpu.wait_dma2 semaphore(%run_scoped3A : memref<!tpu.dma_semaphore, #tpu.memory_space<semaphore_mem>>) src(%arg8 : memref<64x16xf32, #tpu.memory_space<vmem>>) dst(%dma_wait3A_56 : memref<64x16xf32, #tpu.memory_space<vmem_shared>>)
      tpu.yield
    }) : () -> ()
    %mul3A_9 = arith.constant 640 : i32
    %mul3A_10 = arith.muli %arg1, %mul3A_9 : i32
    %add3A_11 = arith.constant 128 : i32
    %add3A_12 = arith.addi %mul3A_10, %add3A_11 : i32
    "tpu.region"() ({
      %run_scoped3A = tpu.sem_alloc : memref<!tpu.dma_semaphore, #tpu.memory_space<semaphore_mem>>
      %dma_start3A = arith.constant 0 : i32
      %dma_start3A_51 = tpu.memref_slice %arg9[%add3A_12, %dma_start3A] : memref<10240x16xf32, #tpu.memory_space<vmem_shared>> -> memref<64x16xf32, #tpu.memory_space<vmem_shared>>
      %dma_start3A_52 = arith.constant 0 : i32
      %dma_start3A_53 = tpu.memref_slice %arg9[%add3A_12, %dma_start3A_52] : memref<10240x16xf32, #tpu.memory_space<vmem_shared>> -> memref<64x16xf32, #tpu.memory_space<vmem_shared>>
      tpu.enqueue_dma source(%arg8 : memref<64x16xf32, #tpu.memory_space<vmem>>) target(%dma_start3A_53 : memref<64x16xf32, #tpu.memory_space<vmem_shared>>) target_semaphore(%run_scoped3A : memref<!tpu.dma_semaphore, #tpu.memory_space<semaphore_mem>>)
      %dma_wait3A = arith.constant 0 : i32
      %dma_wait3A_54 = tpu.memref_slice %arg9[%add3A_12, %dma_wait3A] : memref<10240x16xf32, #tpu.memory_space<vmem_shared>> -> memref<64x16xf32, #tpu.memory_space<vmem_shared>>
      %dma_wait3A_55 = arith.constant 0 : i32
      %dma_wait3A_56 = tpu.memref_slice %arg9[%add3A_12, %dma_wait3A_55] : memref<10240x16xf32, #tpu.memory_space<vmem_shared>> -> memref<64x16xf32, #tpu.memory_space<vmem_shared>>
      tpu.wait_dma2 semaphore(%run_scoped3A : memref<!tpu.dma_semaphore, #tpu.memory_space<semaphore_mem>>) src(%arg8 : memref<64x16xf32, #tpu.memory_space<vmem>>) dst(%dma_wait3A_56 : memref<64x16xf32, #tpu.memory_space<vmem_shared>>)
      tpu.yield
    }) : () -> ()
    %mul3A_13 = arith.constant 640 : i32
    %mul3A_14 = arith.muli %arg1, %mul3A_13 : i32
    %add3A_15 = arith.constant 192 : i32
    %add3A_16 = arith.addi %mul3A_14, %add3A_15 : i32
    "tpu.region"() ({
      %run_scoped3A = tpu.sem_alloc : memref<!tpu.dma_semaphore, #tpu.memory_space<semaphore_mem>>
      %dma_start3A = arith.constant 0 : i32
      %dma_start3A_51 = tpu.memref_slice %arg9[%add3A_16, %dma_start3A] : memref<10240x16xf32, #tpu.memory_space<vmem_shared>> -> memref<64x16xf32, #tpu.memory_space<vmem_shared>>
      %dma_start3A_52 = arith.constant 0 : i32
      %dma_start3A_53 = tpu.memref_slice %arg9[%add3A_16, %dma_start3A_52] : memref<10240x16xf32, #tpu.memory_space<vmem_shared>> -> memref<64x16xf32, #tpu.memory_space<vmem_shared>>
      tpu.enqueue_dma source(%arg8 : memref<64x16xf32, #tpu.memory_space<vmem>>) target(%dma_start3A_53 : memref<64x16xf32, #tpu.memory_space<vmem_shared>>) target_semaphore(%run_scoped3A : memref<!tpu.dma_semaphore, #tpu.memory_space<semaphore_mem>>)
      %dma_wait3A = arith.constant 0 : i32
      %dma_wait3A_54 = tpu.memref_slice %arg9[%add3A_16, %dma_wait3A] : memref<10240x16xf32, #tpu.memory_space<vmem_shared>> -> memref<64x16xf32, #tpu.memory_space<vmem_shared>>
      %dma_wait3A_55 = arith.constant 0 : i32
      %dma_wait3A_56 = tpu.memref_slice %arg9[%add3A_16, %dma_wait3A_55] : memref<10240x16xf32, #tpu.memory_space<vmem_shared>> -> memref<64x16xf32, #tpu.memory_space<vmem_shared>>
      tpu.wait_dma2 semaphore(%run_scoped3A : memref<!tpu.dma_semaphore, #tpu.memory_space<semaphore_mem>>) src(%arg8 : memref<64x16xf32, #tpu.memory_space<vmem>>) dst(%dma_wait3A_56 : memref<64x16xf32, #tpu.memory_space<vmem_shared>>)
      tpu.yield
    }) : () -> ()
    %mul3A_17 = arith.constant 640 : i32
    %mul3A_18 = arith.muli %arg1, %mul3A_17 : i32
    %add3A_19 = arith.constant 256 : i32
    %add3A_20 = arith.addi %mul3A_18, %add3A_19 : i32
    "tpu.region"() ({
      %run_scoped3A = tpu.sem_alloc : memref<!tpu.dma_semaphore, #tpu.memory_space<semaphore_mem>>
      %dma_start3A = arith.constant 0 : i32
      %dma_start3A_51 = tpu.memref_slice %arg9[%add3A_20, %dma_start3A] : memref<10240x16xf32, #tpu.memory_space<vmem_shared>> -> memref<64x16xf32, #tpu.memory_space<vmem_shared>>
      %dma_start3A_52 = arith.constant 0 : i32
      %dma_start3A_53 = tpu.memref_slice %arg9[%add3A_20, %dma_start3A_52] : memref<10240x16xf32, #tpu.memory_space<vmem_shared>> -> memref<64x16xf32, #tpu.memory_space<vmem_shared>>
      tpu.enqueue_dma source(%arg8 : memref<64x16xf32, #tpu.memory_space<vmem>>) target(%dma_start3A_53 : memref<64x16xf32, #tpu.memory_space<vmem_shared>>) target_semaphore(%run_scoped3A : memref<!tpu.dma_semaphore, #tpu.memory_space<semaphore_mem>>)
      %dma_wait3A = arith.constant 0 : i32
      %dma_wait3A_54 = tpu.memref_slice %arg9[%add3A_20, %dma_wait3A] : memref<10240x16xf32, #tpu.memory_space<vmem_shared>> -> memref<64x16xf32, #tpu.memory_space<vmem_shared>>
      %dma_wait3A_55 = arith.constant 0 : i32
      %dma_wait3A_56 = tpu.memref_slice %arg9[%add3A_20, %dma_wait3A_55] : memref<10240x16xf32, #tpu.memory_space<vmem_shared>> -> memref<64x16xf32, #tpu.memory_space<vmem_shared>>
      tpu.wait_dma2 semaphore(%run_scoped3A : memref<!tpu.dma_semaphore, #tpu.memory_space<semaphore_mem>>) src(%arg8 : memref<64x16xf32, #tpu.memory_space<vmem>>) dst(%dma_wait3A_56 : memref<64x16xf32, #tpu.memory_space<vmem_shared>>)
      tpu.yield
    }) : () -> ()
    %mul3A_21 = arith.constant 640 : i32
    %mul3A_22 = arith.muli %arg1, %mul3A_21 : i32
    %add3A_23 = arith.constant 320 : i32
    %add3A_24 = arith.addi %mul3A_22, %add3A_23 : i32
    "tpu.region"() ({
      %run_scoped3A = tpu.sem_alloc : memref<!tpu.dma_semaphore, #tpu.memory_space<semaphore_mem>>
      %dma_start3A = arith.constant 0 : i32
      %dma_start3A_51 = tpu.memref_slice %arg9[%add3A_24, %dma_start3A] : memref<10240x16xf32, #tpu.memory_space<vmem_shared>> -> memref<64x16xf32, #tpu.memory_space<vmem_shared>>
      %dma_start3A_52 = arith.constant 0 : i32
      %dma_start3A_53 = tpu.memref_slice %arg9[%add3A_24, %dma_start3A_52] : memref<10240x16xf32, #tpu.memory_space<vmem_shared>> -> memref<64x16xf32, #tpu.memory_space<vmem_shared>>
      tpu.enqueue_dma source(%arg8 : memref<64x16xf32, #tpu.memory_space<vmem>>) target(%dma_start3A_53 : memref<64x16xf32, #tpu.memory_space<vmem_shared>>) target_semaphore(%run_scoped3A : memref<!tpu.dma_semaphore, #tpu.memory_space<semaphore_mem>>)
      %dma_wait3A = arith.constant 0 : i32
      %dma_wait3A_54 = tpu.memref_slice %arg9[%add3A_24, %dma_wait3A] : memref<10240x16xf32, #tpu.memory_space<vmem_shared>> -> memref<64x16xf32, #tpu.memory_space<vmem_shared>>
      %dma_wait3A_55 = arith.constant 0 : i32
      %dma_wait3A_56 = tpu.memref_slice %arg9[%add3A_24, %dma_wait3A_55] : memref<10240x16xf32, #tpu.memory_space<vmem_shared>> -> memref<64x16xf32, #tpu.memory_space<vmem_shared>>
      tpu.wait_dma2 semaphore(%run_scoped3A : memref<!tpu.dma_semaphore, #tpu.memory_space<semaphore_mem>>) src(%arg8 : memref<64x16xf32, #tpu.memory_space<vmem>>) dst(%dma_wait3A_56 : memref<64x16xf32, #tpu.memory_space<vmem_shared>>)
      tpu.yield
    }) : () -> ()
    %mul3A_25 = arith.constant 640 : i32
    %mul3A_26 = arith.muli %arg1, %mul3A_25 : i32
    %add3A_27 = arith.constant 384 : i32
    %add3A_28 = arith.addi %mul3A_26, %add3A_27 : i32
    "tpu.region"() ({
      %run_scoped3A = tpu.sem_alloc : memref<!tpu.dma_semaphore, #tpu.memory_space<semaphore_mem>>
      %dma_start3A = arith.constant 0 : i32
      %dma_start3A_51 = tpu.memref_slice %arg9[%add3A_28, %dma_start3A] : memref<10240x16xf32, #tpu.memory_space<vmem_shared>> -> memref<64x16xf32, #tpu.memory_space<vmem_shared>>
      %dma_start3A_52 = arith.constant 0 : i32
      %dma_start3A_53 = tpu.memref_slice %arg9[%add3A_28, %dma_start3A_52] : memref<10240x16xf32, #tpu.memory_space<vmem_shared>> -> memref<64x16xf32, #tpu.memory_space<vmem_shared>>
      tpu.enqueue_dma source(%arg8 : memref<64x16xf32, #tpu.memory_space<vmem>>) target(%dma_start3A_53 : memref<64x16xf32, #tpu.memory_space<vmem_shared>>) target_semaphore(%run_scoped3A : memref<!tpu.dma_semaphore, #tpu.memory_space<semaphore_mem>>)
      %dma_wait3A = arith.constant 0 : i32
      %dma_wait3A_54 = tpu.memref_slice %arg9[%add3A_28, %dma_wait3A] : memref<10240x16xf32, #tpu.memory_space<vmem_shared>> -> memref<64x16xf32, #tpu.memory_space<vmem_shared>>
      %dma_wait3A_55 = arith.constant 0 : i32
      %dma_wait3A_56 = tpu.memref_slice %arg9[%add3A_28, %dma_wait3A_55] : memref<10240x16xf32, #tpu.memory_space<vmem_shared>> -> memref<64x16xf32, #tpu.memory_space<vmem_shared>>
      tpu.wait_dma2 semaphore(%run_scoped3A : memref<!tpu.dma_semaphore, #tpu.memory_space<semaphore_mem>>) src(%arg8 : memref<64x16xf32, #tpu.memory_space<vmem>>) dst(%dma_wait3A_56 : memref<64x16xf32, #tpu.memory_space<vmem_shared>>)
      tpu.yield
    }) : () -> ()
    %mul3A_29 = arith.constant 640 : i32
    %mul3A_30 = arith.muli %arg1, %mul3A_29 : i32
    %add3A_31 = arith.constant 448 : i32
    %add3A_32 = arith.addi %mul3A_30, %add3A_31 : i32
    "tpu.region"() ({
      %run_scoped3A = tpu.sem_alloc : memref<!tpu.dma_semaphore, #tpu.memory_space<semaphore_mem>>
      %dma_start3A = arith.constant 0 : i32
      %dma_start3A_51 = tpu.memref_slice %arg9[%add3A_32, %dma_start3A] : memref<10240x16xf32, #tpu.memory_space<vmem_shared>> -> memref<64x16xf32, #tpu.memory_space<vmem_shared>>
      %dma_start3A_52 = arith.constant 0 : i32
      %dma_start3A_53 = tpu.memref_slice %arg9[%add3A_32, %dma_start3A_52] : memref<10240x16xf32, #tpu.memory_space<vmem_shared>> -> memref<64x16xf32, #tpu.memory_space<vmem_shared>>
      tpu.enqueue_dma source(%arg8 : memref<64x16xf32, #tpu.memory_space<vmem>>) target(%dma_start3A_53 : memref<64x16xf32, #tpu.memory_space<vmem_shared>>) target_semaphore(%run_scoped3A : memref<!tpu.dma_semaphore, #tpu.memory_space<semaphore_mem>>)
      %dma_wait3A = arith.constant 0 : i32
      %dma_wait3A_54 = tpu.memref_slice %arg9[%add3A_32, %dma_wait3A] : memref<10240x16xf32, #tpu.memory_space<vmem_shared>> -> memref<64x16xf32, #tpu.memory_space<vmem_shared>>
      %dma_wait3A_55 = arith.constant 0 : i32
      %dma_wait3A_56 = tpu.memref_slice %arg9[%add3A_32, %dma_wait3A_55] : memref<10240x16xf32, #tpu.memory_space<vmem_shared>> -> memref<64x16xf32, #tpu.memory_space<vmem_shared>>
      tpu.wait_dma2 semaphore(%run_scoped3A : memref<!tpu.dma_semaphore, #tpu.memory_space<semaphore_mem>>) src(%arg8 : memref<64x16xf32, #tpu.memory_space<vmem>>) dst(%dma_wait3A_56 : memref<64x16xf32, #tpu.memory_space<vmem_shared>>)
      tpu.yield
    }) : () -> ()
    %mul3A_33 = arith.constant 640 : i32
    %mul3A_34 = arith.muli %arg1, %mul3A_33 : i32
    %add3A_35 = arith.constant 512 : i32
    %add3A_36 = arith.addi %mul3A_34, %add3A_35 : i32
    "tpu.region"() ({
      %run_scoped3A = tpu.sem_alloc : memref<!tpu.dma_semaphore, #tpu.memory_space<semaphore_mem>>
      %dma_start3A = arith.constant 0 : i32
      %dma_start3A_51 = tpu.memref_slice %arg9[%add3A_36, %dma_start3A] : memref<10240x16xf32, #tpu.memory_space<vmem_shared>> -> memref<64x16xf32, #tpu.memory_space<vmem_shared>>
      %dma_start3A_52 = arith.constant 0 : i32
      %dma_start3A_53 = tpu.memref_slice %arg9[%add3A_36, %dma_start3A_52] : memref<10240x16xf32, #tpu.memory_space<vmem_shared>> -> memref<64x16xf32, #tpu.memory_space<vmem_shared>>
      tpu.enqueue_dma source(%arg8 : memref<64x16xf32, #tpu.memory_space<vmem>>) target(%dma_start3A_53 : memref<64x16xf32, #tpu.memory_space<vmem_shared>>) target_semaphore(%run_scoped3A : memref<!tpu.dma_semaphore, #tpu.memory_space<semaphore_mem>>)
      %dma_wait3A = arith.constant 0 : i32
      %dma_wait3A_54 = tpu.memref_slice %arg9[%add3A_36, %dma_wait3A] : memref<10240x16xf32, #tpu.memory_space<vmem_shared>> -> memref<64x16xf32, #tpu.memory_space<vmem_shared>>
      %dma_wait3A_55 = arith.constant 0 : i32
      %dma_wait3A_56 = tpu.memref_slice %arg9[%add3A_36, %dma_wait3A_55] : memref<10240x16xf32, #tpu.memory_space<vmem_shared>> -> memref<64x16xf32, #tpu.memory_space<vmem_shared>>
      tpu.wait_dma2 semaphore(%run_scoped3A : memref<!tpu.dma_semaphore, #tpu.memory_space<semaphore_mem>>) src(%arg8 : memref<64x16xf32, #tpu.memory_space<vmem>>) dst(%dma_wait3A_56 : memref<64x16xf32, #tpu.memory_space<vmem_shared>>)
      tpu.yield
    }) : () -> ()
    %mul3A_37 = arith.constant 640 : i32
    %mul3A_38 = arith.muli %arg1, %mul3A_37 : i32
    %add3A_39 = arith.constant 576 : i32
    %add3A_40 = arith.addi %mul3A_38, %add3A_39 : i32
    "tpu.region"() ({
      %run_scoped3A = tpu.sem_alloc : memref<!tpu.dma_semaphore, #tpu.memory_space<semaphore_mem>>
      %dma_start3A = arith.constant 0 : i32
      %dma_start3A_51 = tpu.memref_slice %arg9[%add3A_40, %dma_start3A] : memref<10240x16xf32, #tpu.memory_space<vmem_shared>> -> memref<64x16xf32, #tpu.memory_space<vmem_shared>>
      %dma_start3A_52 = arith.constant 0 : i32
      %dma_start3A_53 = tpu.memref_slice %arg9[%add3A_40, %dma_start3A_52] : memref<10240x16xf32, #tpu.memory_space<vmem_shared>> -> memref<64x16xf32, #tpu.memory_space<vmem_shared>>
      tpu.enqueue_dma source(%arg8 : memref<64x16xf32, #tpu.memory_space<vmem>>) target(%dma_start3A_53 : memref<64x16xf32, #tpu.memory_space<vmem_shared>>) target_semaphore(%run_scoped3A : memref<!tpu.dma_semaphore, #tpu.memory_space<semaphore_mem>>)
      %dma_wait3A = arith.constant 0 : i32
      %dma_wait3A_54 = tpu.memref_slice %arg9[%add3A_40, %dma_wait3A] : memref<10240x16xf32, #tpu.memory_space<vmem_shared>> -> memref<64x16xf32, #tpu.memory_space<vmem_shared>>
      %dma_wait3A_55 = arith.constant 0 : i32
      %dma_wait3A_56 = tpu.memref_slice %arg9[%add3A_40, %dma_wait3A_55] : memref<10240x16xf32, #tpu.memory_space<vmem_shared>> -> memref<64x16xf32, #tpu.memory_space<vmem_shared>>
      tpu.wait_dma2 semaphore(%run_scoped3A : memref<!tpu.dma_semaphore, #tpu.memory_space<semaphore_mem>>) src(%arg8 : memref<64x16xf32, #tpu.memory_space<vmem>>) dst(%dma_wait3A_56 : memref<64x16xf32, #tpu.memory_space<vmem_shared>>)
      tpu.yield
    }) : () -> ()
    %barrier3A = arith.constant 0 : index
    tpu.barrier barrier_id(%barrier3A)
    "tpu.region"() ({
      %run_scoped3A = tpu.sem_alloc : memref<!tpu.dma_semaphore, #tpu.memory_space<semaphore_mem>>
      %dma_start3A = arith.constant 0 : i32
      %dma_start3A_51 = arith.constant 0 : i32
      %dma_start3A_52 = tpu.memref_slice %arg2[%add3A, %dma_start3A, %dma_start3A_51] : memref<32x80x128xi32, #tpu.memory_space<hbm>> -> memref<1x80x128xi32, #tpu.memory_space<hbm>>
      %dma_start3A_53 = tpu.memref_squeeze %dma_start3A_52 : memref<1x80x128xi32, #tpu.memory_space<hbm>> -> memref<80x128xi32, #tpu.memory_space<hbm>>
      %dma_start3A_54 = arith.constant 0 : i32
      %dma_start3A_55 = arith.constant 0 : i32
      %dma_start3A_56 = tpu.memref_slice %arg2[%add3A, %dma_start3A_54, %dma_start3A_55] : memref<32x80x128xi32, #tpu.memory_space<hbm>> -> memref<1x80x128xi32, #tpu.memory_space<hbm>>
      %dma_start3A_57 = tpu.memref_squeeze %dma_start3A_56 : memref<1x80x128xi32, #tpu.memory_space<hbm>> -> memref<80x128xi32, #tpu.memory_space<hbm>>
      tpu.enqueue_dma source(%dma_start3A_57 : memref<80x128xi32, #tpu.memory_space<hbm>>) target(%arg6 : memref<80x128xi32, #tpu.memory_space<vmem>>) target_semaphore(%run_scoped3A : memref<!tpu.dma_semaphore, #tpu.memory_space<semaphore_mem>>)
      %dma_wait3A = arith.constant 0 : i32
      %dma_wait3A_58 = arith.constant 0 : i32
      %dma_wait3A_59 = tpu.memref_slice %arg2[%add3A, %dma_wait3A, %dma_wait3A_58] : memref<32x80x128xi32, #tpu.memory_space<hbm>> -> memref<1x80x128xi32, #tpu.memory_space<hbm>>
      %dma_wait3A_60 = tpu.memref_squeeze %dma_wait3A_59 : memref<1x80x128xi32, #tpu.memory_space<hbm>> -> memref<80x128xi32, #tpu.memory_space<hbm>>
      %dma_wait3A_61 = arith.constant 0 : i32
      %dma_wait3A_62 = arith.constant 0 : i32
      %dma_wait3A_63 = tpu.memref_slice %arg2[%add3A, %dma_wait3A_61, %dma_wait3A_62] : memref<32x80x128xi32, #tpu.memory_space<hbm>> -> memref<1x80x128xi32, #tpu.memory_space<hbm>>
      %dma_wait3A_64 = tpu.memref_squeeze %dma_wait3A_63 : memref<1x80x128xi32, #tpu.memory_space<hbm>> -> memref<80x128xi32, #tpu.memory_space<hbm>>
      tpu.wait_dma2 semaphore(%run_scoped3A : memref<!tpu.dma_semaphore, #tpu.memory_space<semaphore_mem>>) src(%dma_wait3A_64 : memref<80x128xi32, #tpu.memory_space<hbm>>) dst(%arg6 : memref<80x128xi32, #tpu.memory_space<vmem>>)
      tpu.yield
    }) : () -> ()
    "tpu.region"() ({
      %run_scoped3A = tpu.sem_alloc : memref<!tpu.dma_semaphore, #tpu.memory_space<semaphore_mem>>
      tpu.enqueue_dma source(%arg3 : memref<128x16xf32, #tpu.memory_space<hbm>>) target(%arg7 : memref<128x16xf32, #tpu.memory_space<vmem>>) target_semaphore(%run_scoped3A : memref<!tpu.dma_semaphore, #tpu.memory_space<semaphore_mem>>)
      tpu.wait_dma2 semaphore(%run_scoped3A : memref<!tpu.dma_semaphore, #tpu.memory_space<semaphore_mem>>) src(%arg3 : memref<128x16xf32, #tpu.memory_space<hbm>>) dst(%arg7 : memref<128x16xf32, #tpu.memory_space<vmem>>)
      tpu.yield
    }) : () -> ()
    %scan3A = arith.constant 0 : i32
    %scan3A_41 = arith.constant 0 : i32
    %scan3A_42 = arith.constant 80 : i32
    %scan3A_43 = arith.addi %scan3A_41, %scan3A_42 : i32
    %scan3A_44 = arith.constant 1 : i32
    scf.for %scan3A_51 = %scan3A_41 to %scan3A_43 step %scan3A_44  : i32 {
      "tpu.region"() ({
        %run_scoped3A = tpu.sem_alloc : memref<!tpu.dma_semaphore, #tpu.memory_space<semaphore_mem>>
        %dma_start3A = arith.constant 0 : i32
        %dma_start3A_52 = tpu.memref_slice %arg6[%scan3A_51, %dma_start3A] : memref<80x128xi32, #tpu.memory_space<vmem>> -> memref<1x128xi32, #tpu.memory_space<vmem>>
        %dma_start3A_53 = tpu.memref_squeeze %dma_start3A_52 : memref<1x128xi32, #tpu.memory_space<vmem>> -> memref<128xi32, #tpu.memory_space<vmem>>
        %dma_start3A_54 = arith.constant 0 : i32
        %dma_start3A_55 = arith.constant 0 : i32
        %dma_start3A_56 = tpu.memref_slice %arg9[%dma_start3A_54, %dma_start3A_55] : memref<10240x16xf32, #tpu.memory_space<vmem_shared>> -> memref<10240x16xf32, #tpu.memory_space<vmem_shared>>
        tpu.enqueue_indirect_dma source(%arg7 : memref<128x16xf32, #tpu.memory_space<vmem>>) target(%dma_start3A_56 : memref<10240x16xf32, #tpu.memory_space<vmem_shared>>) offsets(%dma_start3A_53 : memref<128xi32, #tpu.memory_space<vmem>>) semaphore(%run_scoped3A : memref<!tpu.dma_semaphore, #tpu.memory_space<semaphore_mem>>) {add = true}
        %dma_wait3A = arith.constant 0 : i32
        %dma_wait3A_57 = tpu.memref_slice %arg6[%scan3A_51, %dma_wait3A] : memref<80x128xi32, #tpu.memory_space<vmem>> -> memref<1x128xi32, #tpu.memory_space<vmem>>
        %dma_wait3A_58 = tpu.memref_squeeze %dma_wait3A_57 : memref<1x128xi32, #tpu.memory_space<vmem>> -> memref<128xi32, #tpu.memory_space<vmem>>
        %dma_wait3A_59 = arith.constant 0 : i32
        %dma_wait3A_60 = arith.constant 0 : i32
        %dma_wait3A_61 = tpu.memref_slice %arg9[%dma_wait3A_59, %dma_wait3A_60] : memref<10240x16xf32, #tpu.memory_space<vmem_shared>> -> memref<10240x16xf32, #tpu.memory_space<vmem_shared>>
        tpu.wait_indirect_dma semaphore(%run_scoped3A : memref<!tpu.dma_semaphore, #tpu.memory_space<semaphore_mem>>) src(%arg7 : memref<128x16xf32, #tpu.memory_space<vmem>>) dst(%dma_wait3A_61 : memref<10240x16xf32, #tpu.memory_space<vmem_shared>>)
        tpu.yield
      }) : () -> ()
    }
    %scan3A_45 = arith.constant 80 : i32
    %barrier3A_46 = arith.constant 0 : index
    tpu.barrier barrier_id(%barrier3A_46)
    %mul3A_47 = arith.constant 640 : i32
    %mul3A_48 = arith.muli %arg1, %mul3A_47 : i32
    %mul3A_49 = arith.constant 640 : i32
    %mul3A_50 = arith.muli %arg1, %mul3A_49 : i32
    "tpu.region"() ({
      %run_scoped3A = tpu.sem_alloc : memref<!tpu.dma_semaphore, #tpu.memory_space<semaphore_mem>>
      %dma_start3A = arith.constant 0 : i32
      %dma_start3A_51 = tpu.memref_slice %arg5[%arg0, %mul3A_50, %dma_start3A] : memref<2x10240x16xf32, #tpu.memory_space<hbm>> -> memref<1x640x16xf32, #tpu.memory_space<hbm>>
      %dma_start3A_52 = tpu.memref_squeeze %dma_start3A_51 : memref<1x640x16xf32, #tpu.memory_space<hbm>> -> memref<640x16xf32, #tpu.memory_space<hbm>>
      %dma_start3A_53 = arith.constant 0 : i32
      %dma_start3A_54 = tpu.memref_slice %arg9[%mul3A_48, %dma_start3A_53] : memref<10240x16xf32, #tpu.memory_space<vmem_shared>> -> memref<640x16xf32, #tpu.memory_space<vmem_shared>>
      tpu.enqueue_dma source(%dma_start3A_54 : memref<640x16xf32, #tpu.memory_space<vmem_shared>>) target(%dma_start3A_52 : memref<640x16xf32, #tpu.memory_space<hbm>>) target_semaphore(%run_scoped3A : memref<!tpu.dma_semaphore, #tpu.memory_space<semaphore_mem>>)
      %dma_wait3A = arith.constant 0 : i32
      %dma_wait3A_55 = tpu.memref_slice %arg5[%arg0, %mul3A_50, %dma_wait3A] : memref<2x10240x16xf32, #tpu.memory_space<hbm>> -> memref<1x640x16xf32, #tpu.memory_space<hbm>>
      %dma_wait3A_56 = tpu.memref_squeeze %dma_wait3A_55 : memref<1x640x16xf32, #tpu.memory_space<hbm>> -> memref<640x16xf32, #tpu.memory_space<hbm>>
      %dma_wait3A_57 = arith.constant 0 : i32
      %dma_wait3A_58 = tpu.memref_slice %arg9[%mul3A_48, %dma_wait3A_57] : memref<10240x16xf32, #tpu.memory_space<vmem_shared>> -> memref<640x16xf32, #tpu.memory_space<vmem_shared>>
      tpu.wait_dma2 semaphore(%run_scoped3A : memref<!tpu.dma_semaphore, #tpu.memory_space<semaphore_mem>>) src(%dma_wait3A_58 : memref<640x16xf32, #tpu.memory_space<vmem_shared>>) dst(%dma_wait3A_56 : memref<640x16xf32, #tpu.memory_space<hbm>>)
      tpu.yield
    }) : () -> ()
    return
  }
}

module attributes {stable_mosaic.version = 14 : i64} {
  func.func @_tc1_body(%arg0: i32, %arg1: memref<1024x128xf32, #tpu.memory_space<vmem>>, %arg2: memref<128x128xf32, #tpu.memory_space<vmem>>, %arg3: memref<2x1024x16xf32, #tpu.memory_space<vmem>>, %arg4: memref<1024x128xbf16, #tpu.memory_space<vmem>>) attributes {dimension_semantics = [#tpu.dimension_semantics<arbitrary>], iteration_bounds = array<i64: 10>, scalar_prefetch = 0 : i64, scratch_operands = 0 : i64, tpu.core_type = #tpu.core_type<tc>, window_params = [{transform_indices = @transform_0, window_bounds = array<i64: 1024, 128>}, {pipeline_mode = #tpu.pipeline_mode<synchronous>, transform_indices = @transform_1, window_bounds = array<i64: 128, 128>}, {transform_indices = @transform_2, window_bounds = array<i64: 2, 1024, 16>}, {transform_indices = @transform_3, window_bounds = array<i64: 1024, 128>}]} {
    %get3A = arith.constant 0 : index
    %get3A_0 = arith.constant 0 : index
    %get3A_1 = arith.constant 0 : index
    %get3A_2 = vector.load %arg3[%get3A, %get3A_0, %get3A_1] : memref<2x1024x16xf32, #tpu.memory_space<vmem>>, vector<2x1024x16xf32>
    %slice3A = vector.extract_strided_slice %get3A_2 {offsets = [0, 0, 0], sizes = [1, 1024, 1], strides = [1, 1, 1]} : vector<2x1024x16xf32> to vector<1x1024x1xf32>
    %squeeze3A = vector.shape_cast %slice3A : vector<1x1024x1xf32> to vector<1024x1xf32>
    %slice3A_3 = vector.extract_strided_slice %get3A_2 {offsets = [1, 0, 0], sizes = [1, 1024, 1], strides = [1, 1, 1]} : vector<2x1024x16xf32> to vector<1x1024x1xf32>
    %squeeze3A_4 = vector.shape_cast %slice3A_3 : vector<1x1024x1xf32> to vector<1024x1xf32>
    %add3A = arith.addf %squeeze3A, %squeeze3A_4 : vector<1024x1xf32>
    %add3A_5 = arith.constant 1.000000e+00 : f32
    %add3A_6 = vector.broadcast %add3A_5 : f32 to vector<1024x1xf32>
    %add3A_7 = arith.addf %add3A, %add3A_6 : vector<1024x1xf32>
    %max3A = arith.constant 1.000000e+00 : f32
    %max3A_8 = vector.broadcast %max3A : f32 to vector<1024x1xf32>
    %max3A_9 = arith.maximumf %add3A_7, %max3A_8 : vector<1024x1xf32>
    %rsqrt3A = math.rsqrt %max3A_9 : vector<1024x1xf32>
    %get3A_10 = arith.constant 0 : index
    %get3A_11 = arith.constant 0 : index
    %get3A_12 = vector.load %arg1[%get3A_10, %get3A_11] : memref<1024x128xf32, #tpu.memory_space<vmem>>, vector<1024x128xf32>
    %get3A_13 = arith.constant 0 : index
    %get3A_14 = arith.constant 0 : index
    %get3A_15 = vector.load %arg2[%get3A_13, %get3A_14] : memref<128x128xf32, #tpu.memory_space<vmem>>, vector<128x128xf32>
    %dot_general3A = arith.constant dense<0.000000e+00> : vector<1024x128xf32>
    %dot_general3A_16 = tpu.matmul %get3A_12, %get3A_15, %dot_general3A {dimension_numbers = #tpu.dot_dimension_numbers<[1], [0], [0], [1], [0, 0, 1, 1], [], []>, transpose_lhs_hint = false} : vector<1024x128xf32>, vector<128x128xf32>, vector<1024x128xf32> -> vector<1024x128xf32>
    %mul3A = vector.broadcast %rsqrt3A : vector<1024x1xf32> to vector<1024x128xf32>
    %mul3A_17 = arith.mulf %dot_general3A_16, %mul3A : vector<1024x128xf32>
    %convert_element_type3A = arith.truncf %mul3A_17 : vector<1024x128xf32> to vector<1024x128xbf16>
    %swap3A = arith.constant 0 : index
    %swap3A_18 = arith.constant 0 : index
    %swap3A_19 = vector.load %arg4[%swap3A, %swap3A_18] : memref<1024x128xbf16, #tpu.memory_space<vmem>>, vector<1024x128xbf16>
    tpu.vector_store %arg4[%swap3A, %swap3A_18], %convert_element_type3A {strides = array<i32>} : memref<1024x128xbf16, #tpu.memory_space<vmem>>, vector<1024x128xbf16>,
    return
  }
  func.func @transform_0(%arg0: i32) -> (i32, i32) {
    %c0_i32 = arith.constant 0 : i32
    %c0_i32_0 = arith.constant 0 : i32
    return %arg0, %c0_i32 : i32, i32
  }
  func.func @transform_1(%arg0: i32) -> (i32, i32) {
    %c0_i32 = arith.constant 0 : i32
    %c0_i32_0 = arith.constant 0 : i32
    %c0_i32_1 = arith.constant 0 : i32
    return %c0_i32, %c0_i32_0 : i32, i32
  }
  func.func @transform_2(%arg0: i32) -> (i32, i32, i32) {
    %c0_i32 = arith.constant 0 : i32
    %c0_i32_0 = arith.constant 0 : i32
    %c0_i32_1 = arith.constant 0 : i32
    return %c0_i32, %arg0, %c0_i32_0 : i32, i32, i32
  }
  func.func @transform_3(%arg0: i32) -> (i32, i32) {
    %c0_i32 = arith.constant 0 : i32
    %c0_i32_0 = arith.constant 0 : i32
    return %arg0, %c0_i32 : i32, i32
  }
}

module attributes {stable_mosaic.version = 14 : i64} {
  func.func @_tc2_body(%arg0: i32, %arg1: memref<2x1024x128xbf16, #tpu.memory_space<vmem>>, %arg2: memref<1024x128xbf16, #tpu.memory_space<vmem>>, %arg3: memref<2x1024x16xf32, #tpu.memory_space<vmem>>, %arg4: memref<1x128xf32, #tpu.memory_space<vmem>>, %arg5: memref<128x128xf32, #tpu.memory_space<vmem>>, %arg6: memref<1024x128xbf16, #tpu.memory_space<vmem>>) attributes {dimension_semantics = [#tpu.dimension_semantics<arbitrary>], iteration_bounds = array<i64: 10>, scalar_prefetch = 0 : i64, scratch_operands = 0 : i64, tpu.core_type = #tpu.core_type<tc>, window_params = [{transform_indices = @transform_0, window_bounds = array<i64: 2, 1024, 128>}, {transform_indices = @transform_1, window_bounds = array<i64: 1024, 128>}, {transform_indices = @transform_2, window_bounds = array<i64: 2, 1024, 16>}, {pipeline_mode = #tpu.pipeline_mode<synchronous>, transform_indices = @transform_3, window_bounds = array<i64: 1, 128>}, {pipeline_mode = #tpu.pipeline_mode<synchronous>, transform_indices = @transform_4, window_bounds = array<i64: 128, 128>}, {transform_indices = @transform_5, window_bounds = array<i64: 1024, 128>}]} {
    %get3A = arith.constant 0 : index
    %get3A_0 = arith.constant 0 : index
    %get3A_1 = arith.constant 0 : index
    %get3A_2 = vector.load %arg3[%get3A, %get3A_0, %get3A_1] : memref<2x1024x16xf32, #tpu.memory_space<vmem>>, vector<2x1024x16xf32>
    %slice3A = vector.extract_strided_slice %get3A_2 {offsets = [0, 0, 0], sizes = [1, 1024, 1], strides = [1, 1, 1]} : vector<2x1024x16xf32> to vector<1x1024x1xf32>
    %squeeze3A = vector.shape_cast %slice3A : vector<1x1024x1xf32> to vector<1024x1xf32>
    %slice3A_3 = vector.extract_strided_slice %get3A_2 {offsets = [1, 0, 0], sizes = [1, 1024, 1], strides = [1, 1, 1]} : vector<2x1024x16xf32> to vector<1x1024x1xf32>
    %squeeze3A_4 = vector.shape_cast %slice3A_3 : vector<1x1024x1xf32> to vector<1024x1xf32>
    %add3A = arith.addf %squeeze3A, %squeeze3A_4 : vector<1024x1xf32>
    %add3A_5 = arith.constant 1.000000e+00 : f32
    %add3A_6 = vector.broadcast %add3A_5 : f32 to vector<1024x1xf32>
    %add3A_7 = arith.addf %add3A, %add3A_6 : vector<1024x1xf32>
    %max3A = arith.constant 1.000000e+00 : f32
    %max3A_8 = vector.broadcast %max3A : f32 to vector<1024x1xf32>
    %max3A_9 = arith.maximumf %add3A_7, %max3A_8 : vector<1024x1xf32>
    %rsqrt3A = math.rsqrt %max3A_9 : vector<1024x1xf32>
    %get3A_10 = arith.constant 0 : index
    %get3A_11 = arith.constant 0 : index
    %get3A_12 = arith.constant 0 : index
    %get3A_13 = vector.load %arg1[%get3A_10, %get3A_11, %get3A_12] : memref<2x1024x128xbf16, #tpu.memory_space<vmem>>, vector<2x1024x128xbf16>
    %convert_element_type3A = arith.extf %get3A_13 : vector<2x1024x128xbf16> to vector<2x1024x128xf32>
    %get3A_14 = arith.constant 0 : index
    %get3A_15 = arith.constant 0 : index
    %get3A_16 = vector.load %arg2[%get3A_14, %get3A_15] : memref<1024x128xbf16, #tpu.memory_space<vmem>>, vector<1024x128xbf16>
    %convert_element_type3A_17 = arith.extf %get3A_16 : vector<1024x128xbf16> to vector<1024x128xf32>
    %slice3A_18 = vector.extract_strided_slice %convert_element_type3A {offsets = [0, 0, 0], sizes = [1, 1024, 128], strides = [1, 1, 1]} : vector<2x1024x128xf32> to vector<1x1024x128xf32>
    %squeeze3A_19 = vector.shape_cast %slice3A_18 : vector<1x1024x128xf32> to vector<1024x128xf32>
    %slice3A_20 = vector.extract_strided_slice %convert_element_type3A {offsets = [1, 0, 0], sizes = [1, 1024, 128], strides = [1, 1, 1]} : vector<2x1024x128xf32> to vector<1x1024x128xf32>
    %squeeze3A_21 = vector.shape_cast %slice3A_20 : vector<1x1024x128xf32> to vector<1024x128xf32>
    %add3A_22 = arith.addf %squeeze3A_19, %squeeze3A_21 : vector<1024x128xf32>
    %add3A_23 = arith.addf %add3A_22, %convert_element_type3A_17 : vector<1024x128xf32>
    %mul3A = vector.broadcast %rsqrt3A : vector<1024x1xf32> to vector<1024x128xf32>
    %mul3A_24 = arith.mulf %mul3A, %add3A_23 : vector<1024x128xf32>
    %get3A_25 = arith.constant 0 : index
    %get3A_26 = arith.constant 0 : index
    %get3A_27 = vector.load %arg4[%get3A_25, %get3A_26] : memref<1x128xf32, #tpu.memory_space<vmem>>, vector<1x128xf32>
    %add3A_28 = vector.broadcast %get3A_27 : vector<1x128xf32> to vector<1024x128xf32>
    %add3A_29 = arith.addf %mul3A_24, %add3A_28 : vector<1024x128xf32>
    %max3A_30 = arith.constant 0.000000e+00 : f32
    %max3A_31 = vector.broadcast %max3A_30 : f32 to vector<1024x128xf32>
    %max3A_32 = arith.maximumf %add3A_29, %max3A_31 : vector<1024x128xf32>
    %get3A_33 = arith.constant 0 : index
    %get3A_34 = arith.constant 0 : index
    %get3A_35 = vector.load %arg5[%get3A_33, %get3A_34] : memref<128x128xf32, #tpu.memory_space<vmem>>, vector<128x128xf32>
    %dot_general3A = arith.constant dense<0.000000e+00> : vector<1024x128xf32>
    %dot_general3A_36 = tpu.matmul %max3A_32, %get3A_35, %dot_general3A {dimension_numbers = #tpu.dot_dimension_numbers<[1], [0], [0], [1], [0, 0, 1, 1], [], []>, transpose_lhs_hint = false} : vector<1024x128xf32>, vector<128x128xf32>, vector<1024x128xf32> -> vector<1024x128xf32>
    %mul3A_37 = vector.broadcast %rsqrt3A : vector<1024x1xf32> to vector<1024x128xf32>
    %mul3A_38 = arith.mulf %dot_general3A_36, %mul3A_37 : vector<1024x128xf32>
    %convert_element_type3A_39 = arith.truncf %mul3A_38 : vector<1024x128xf32> to vector<1024x128xbf16>
    %swap3A = arith.constant 0 : index
    %swap3A_40 = arith.constant 0 : index
    %swap3A_41 = vector.load %arg6[%swap3A, %swap3A_40] : memref<1024x128xbf16, #tpu.memory_space<vmem>>, vector<1024x128xbf16>
    tpu.vector_store %arg6[%swap3A, %swap3A_40], %convert_element_type3A_39 {strides = array<i32>} : memref<1024x128xbf16, #tpu.memory_space<vmem>>, vector<1024x128xbf16>,
    return
  }
  func.func @transform_0(%arg0: i32) -> (i32, i32, i32) {
    %c0_i32 = arith.constant 0 : i32
    %c0_i32_0 = arith.constant 0 : i32
    %c0_i32_1 = arith.constant 0 : i32
    return %c0_i32, %arg0, %c0_i32_0 : i32, i32, i32
  }
  func.func @transform_1(%arg0: i32) -> (i32, i32) {
    %c0_i32 = arith.constant 0 : i32
    %c0_i32_0 = arith.constant 0 : i32
    return %arg0, %c0_i32 : i32, i32
  }
  func.func @transform_2(%arg0: i32) -> (i32, i32, i32) {
    %c0_i32 = arith.constant 0 : i32
    %c0_i32_0 = arith.constant 0 : i32
    %c0_i32_1 = arith.constant 0 : i32
    return %c0_i32, %arg0, %c0_i32_0 : i32, i32, i32
  }
  func.func @transform_3(%arg0: i32) -> (i32, i32) {
    %c0_i32 = arith.constant 0 : i32
    %c0_i32_0 = arith.constant 0 : i32
    %c0_i32_1 = arith.constant 0 : i32
    return %c0_i32, %c0_i32_0 : i32, i32
  }
  func.func @transform_4(%arg0: i32) -> (i32, i32) {
    %c0_i32 = arith.constant 0 : i32
    %c0_i32_0 = arith.constant 0 : i32
    %c0_i32_1 = arith.constant 0 : i32
    return %c0_i32, %c0_i32_0 : i32, i32
  }
  func.func @transform_5(%arg0: i32) -> (i32, i32) {
    %c0_i32 = arith.constant 0 : i32
    %c0_i32_0 = arith.constant 0 : i32
    return %arg0, %c0_i32 : i32, i32
  }
}

module attributes {stable_mosaic.version = 14 : i64} {
  func.func @_tc3_body(%arg0: i32, %arg1: memref<2x1024x128xbf16, #tpu.memory_space<vmem>>, %arg2: memref<1024x128xbf16, #tpu.memory_space<vmem>>, %arg3: memref<2x1024x16xf32, #tpu.memory_space<vmem>>, %arg4: memref<1x128xf32, #tpu.memory_space<vmem>>, %arg5: memref<1024x1xi32, #tpu.memory_space<vmem>>, %arg6: memref<128x64xf32, #tpu.memory_space<vmem>>, %arg7: memref<1x64xf32, #tpu.memory_space<vmem>>, %arg8: memref<128x64xf32, #tpu.memory_space<vmem>>, %arg9: memref<1x64xf32, #tpu.memory_space<vmem>>, %arg10: memref<16x128xf32, #tpu.memory_space<vmem>>, %arg11: memref<16x1xf32, #tpu.memory_space<vmem>>, %arg12: memref<16x64xf32, #tpu.memory_space<vmem>>, %arg13: memref<16x64xf32, #tpu.memory_space<vmem>>) attributes {dimension_semantics = [#tpu.dimension_semantics<arbitrary>], iteration_bounds = array<i64: 10>, scalar_prefetch = 0 : i64, scratch_operands = 0 : i64, tpu.core_type = #tpu.core_type<tc>, window_params = [{transform_indices = @transform_0, window_bounds = array<i64: 2, 1024, 128>}, {transform_indices = @transform_1, window_bounds = array<i64: 1024, 128>}, {transform_indices = @transform_2, window_bounds = array<i64: 2, 1024, 16>}, {pipeline_mode = #tpu.pipeline_mode<synchronous>, transform_indices = @transform_3, window_bounds = array<i64: 1, 128>}, {transform_indices = @transform_4, window_bounds = array<i64: 1024, 1>}, {pipeline_mode = #tpu.pipeline_mode<synchronous>, transform_indices = @transform_5, window_bounds = array<i64: 128, 64>}, {pipeline_mode = #tpu.pipeline_mode<synchronous>, transform_indices = @transform_6, window_bounds = array<i64: 1, 64>}, {pipeline_mode = #tpu.pipeline_mode<synchronous>, transform_indices = @transform_7, window_bounds = array<i64: 128, 64>}, {pipeline_mode = #tpu.pipeline_mode<synchronous>, transform_indices = @transform_8, window_bounds = array<i64: 1, 64>}, {pipeline_mode = #tpu.pipeline_mode<synchronous>, transform_indices = @transform_9, window_bounds = array<i64: 16, 128>}, {pipeline_mode = #tpu.pipeline_mode<synchronous>, transform_indices = @transform_10, window_bounds = array<i64: 16, 1>}, {pipeline_mode = #tpu.pipeline_mode<synchronous>, transform_indices = @transform_11, window_bounds = array<i64: 16, 64>}, {pipeline_mode = #tpu.pipeline_mode<synchronous>, transform_indices = @transform_12, window_bounds = array<i64: 16, 64>}]} {
    %get3A = arith.constant 0 : index
    %get3A_0 = arith.constant 0 : index
    %get3A_1 = arith.constant 0 : index
    %get3A_2 = vector.load %arg3[%get3A, %get3A_0, %get3A_1] : memref<2x1024x16xf32, #tpu.memory_space<vmem>>, vector<2x1024x16xf32>
    %slice3A = vector.extract_strided_slice %get3A_2 {offsets = [0, 0, 0], sizes = [1, 1024, 1], strides = [1, 1, 1]} : vector<2x1024x16xf32> to vector<1x1024x1xf32>
    %squeeze3A = vector.shape_cast %slice3A : vector<1x1024x1xf32> to vector<1024x1xf32>
    %slice3A_3 = vector.extract_strided_slice %get3A_2 {offsets = [1, 0, 0], sizes = [1, 1024, 1], strides = [1, 1, 1]} : vector<2x1024x16xf32> to vector<1x1024x1xf32>
    %squeeze3A_4 = vector.shape_cast %slice3A_3 : vector<1x1024x1xf32> to vector<1024x1xf32>
    %add3A = arith.addf %squeeze3A, %squeeze3A_4 : vector<1024x1xf32>
    %add3A_5 = arith.constant 1.000000e+00 : f32
    %add3A_6 = vector.broadcast %add3A_5 : f32 to vector<1024x1xf32>
    %add3A_7 = arith.addf %add3A, %add3A_6 : vector<1024x1xf32>
    %max3A = arith.constant 1.000000e+00 : f32
    %max3A_8 = vector.broadcast %max3A : f32 to vector<1024x1xf32>
    %max3A_9 = arith.maximumf %add3A_7, %max3A_8 : vector<1024x1xf32>
    %rsqrt3A = math.rsqrt %max3A_9 : vector<1024x1xf32>
    %get3A_10 = arith.constant 0 : index
    %get3A_11 = arith.constant 0 : index
    %get3A_12 = arith.constant 0 : index
    %get3A_13 = vector.load %arg1[%get3A_10, %get3A_11, %get3A_12] : memref<2x1024x128xbf16, #tpu.memory_space<vmem>>, vector<2x1024x128xbf16>
    %convert_element_type3A = arith.extf %get3A_13 : vector<2x1024x128xbf16> to vector<2x1024x128xf32>
    %get3A_14 = arith.constant 0 : index
    %get3A_15 = arith.constant 0 : index
    %get3A_16 = vector.load %arg2[%get3A_14, %get3A_15] : memref<1024x128xbf16, #tpu.memory_space<vmem>>, vector<1024x128xbf16>
    %convert_element_type3A_17 = arith.extf %get3A_16 : vector<1024x128xbf16> to vector<1024x128xf32>
    %slice3A_18 = vector.extract_strided_slice %convert_element_type3A {offsets = [0, 0, 0], sizes = [1, 1024, 128], strides = [1, 1, 1]} : vector<2x1024x128xf32> to vector<1x1024x128xf32>
    %squeeze3A_19 = vector.shape_cast %slice3A_18 : vector<1x1024x128xf32> to vector<1024x128xf32>
    %slice3A_20 = vector.extract_strided_slice %convert_element_type3A {offsets = [1, 0, 0], sizes = [1, 1024, 128], strides = [1, 1, 1]} : vector<2x1024x128xf32> to vector<1x1024x128xf32>
    %squeeze3A_21 = vector.shape_cast %slice3A_20 : vector<1x1024x128xf32> to vector<1024x128xf32>
    %add3A_22 = arith.addf %squeeze3A_19, %squeeze3A_21 : vector<1024x128xf32>
    %add3A_23 = arith.addf %add3A_22, %convert_element_type3A_17 : vector<1024x128xf32>
    %mul3A = vector.broadcast %rsqrt3A : vector<1024x1xf32> to vector<1024x128xf32>
    %mul3A_24 = arith.mulf %mul3A, %add3A_23 : vector<1024x128xf32>
    %get3A_25 = arith.constant 0 : index
    %get3A_26 = arith.constant 0 : index
    %get3A_27 = vector.load %arg4[%get3A_25, %get3A_26] : memref<1x128xf32, #tpu.memory_space<vmem>>, vector<1x128xf32>
    %add3A_28 = vector.broadcast %get3A_27 : vector<1x128xf32> to vector<1024x128xf32>
    %add3A_29 = arith.addf %mul3A_24, %add3A_28 : vector<1024x128xf32>
    %max3A_30 = arith.constant 0.000000e+00 : f32
    %max3A_31 = vector.broadcast %max3A_30 : f32 to vector<1024x128xf32>
    %max3A_32 = arith.maximumf %add3A_29, %max3A_31 : vector<1024x128xf32>
    %get3A_33 = arith.constant 0 : index
    %get3A_34 = arith.constant 0 : index
    %get3A_35 = vector.load %arg5[%get3A_33, %get3A_34] : memref<1024x1xi32, #tpu.memory_space<vmem>>, vector<1024x1xi32>
    %iota3A = tpu.iota {dimensions = array<i32: 1>} : vector<1x16xi32>
    %eq3A = vector.broadcast %get3A_35 : vector<1024x1xi32> to vector<1024x16xi32>
    %eq3A_36 = vector.broadcast %iota3A : vector<1x16xi32> to vector<1024x16xi32>
    %eq3A_37 = arith.cmpi eq, %eq3A, %eq3A_36 : vector<1024x16xi32>
    %convert_element_type3A_38 = arith.extui %eq3A_37 : vector<1024x16xi1> to vector<1024x16xi32>
    %convert_element_type3A_39 = arith.sitofp %convert_element_type3A_38 : vector<1024x16xi32> to vector<1024x16xf32>
    %eq3A_40 = arith.constant 0 : i32
    %eq3A_41 = arith.cmpi eq, %arg0, %eq3A_40 : i32
    %convert_element_type3A_42 = arith.extui %eq3A_41 : i1 to i32
    %cond3A = arith.constant 0 : i32
    %cond3A_43 = arith.cmpi ne, %convert_element_type3A_42, %cond3A : i32
    scf.if %cond3A_43 {
      %broadcast_in_dim3A_66 = arith.constant 0.000000e+00 : f32
      %broadcast_in_dim3A_67 = vector.broadcast %broadcast_in_dim3A_66 : f32 to vector<16x128xf32>
      %swap3A_68 = arith.constant 0 : index
      %swap3A_69 = arith.constant 0 : index
      %swap3A_70 = vector.load %arg10[%swap3A_68, %swap3A_69] : memref<16x128xf32, #tpu.memory_space<vmem>>, vector<16x128xf32>
      tpu.vector_store %arg10[%swap3A_68, %swap3A_69], %broadcast_in_dim3A_67 {strides = array<i32>} : memref<16x128xf32, #tpu.memory_space<vmem>>, vector<16x128xf32>,
      %broadcast_in_dim3A_71 = arith.constant 0.000000e+00 : f32
      %broadcast_in_dim3A_72 = vector.broadcast %broadcast_in_dim3A_71 : f32 to vector<16x1xf32>
      %swap3A_73 = arith.constant 0 : index
      %swap3A_74 = arith.constant 0 : index
      %swap3A_75 = vector.load %arg11[%swap3A_73, %swap3A_74] : memref<16x1xf32, #tpu.memory_space<vmem>>, vector<16x1xf32>
      tpu.vector_store %arg11[%swap3A_73, %swap3A_74], %broadcast_in_dim3A_72 {strides = array<i32>} : memref<16x1xf32, #tpu.memory_space<vmem>>, vector<16x1xf32>,
    } else {
    }
    %get3A_44 = arith.constant 0 : index
    %get3A_45 = arith.constant 0 : index
    %get3A_46 = vector.load %arg10[%get3A_44, %get3A_45] : memref<16x128xf32, #tpu.memory_space<vmem>>, vector<16x128xf32>
    %dot_general3A = arith.constant dense<0.000000e+00> : vector<16x128xf32>
    %dot_general3A_47 = tpu.matmul %convert_element_type3A_39, %max3A_32, %dot_general3A {dimension_numbers = #tpu.dot_dimension_numbers<[0], [0], [1], [1], [0, 1, 1, 1], [], []>, transpose_lhs_hint = false} : vector<1024x16xf32>, vector<1024x128xf32>, vector<16x128xf32> -> vector<16x128xf32>
    %add3A_48 = arith.addf %get3A_46, %dot_general3A_47 : vector<16x128xf32>
    %swap3A = arith.constant 0 : index
    %swap3A_49 = arith.constant 0 : index
    %swap3A_50 = vector.load %arg10[%swap3A, %swap3A_49] : memref<16x128xf32, #tpu.memory_space<vmem>>, vector<16x128xf32>
    tpu.vector_store %arg10[%swap3A, %swap3A_49], %add3A_48 {strides = array<i32>} : memref<16x128xf32, #tpu.memory_space<vmem>>, vector<16x128xf32>,
    %get3A_51 = arith.constant 0 : index
    %get3A_52 = arith.constant 0 : index
    %get3A_53 = vector.load %arg11[%get3A_51, %get3A_52] : memref<16x1xf32, #tpu.memory_space<vmem>>, vector<16x1xf32>
    %broadcast_in_dim3A = arith.constant 1.000000e+00 : f32
    %broadcast_in_dim3A_54 = vector.broadcast %broadcast_in_dim3A : f32 to vector<1024x1xf32>
    %dot_general3A_55 = arith.constant dense<0.000000e+00> : vector<16x1xf32>
    %dot_general3A_56 = tpu.matmul %convert_element_type3A_39, %broadcast_in_dim3A_54, %dot_general3A_55 {dimension_numbers = #tpu.dot_dimension_numbers<[0], [0], [1], [1], [0, 1, 1, 1], [], []>, transpose_lhs_hint = false} : vector<1024x16xf32>, vector<1024x1xf32>, vector<16x1xf32> -> vector<16x1xf32>
    %add3A_57 = arith.addf %get3A_53, %dot_general3A_56 : vector<16x1xf32>
    %swap3A_58 = arith.constant 0 : index
    %swap3A_59 = arith.constant 0 : index
    %swap3A_60 = vector.load %arg11[%swap3A_58, %swap3A_59] : memref<16x1xf32, #tpu.memory_space<vmem>>, vector<16x1xf32>
    tpu.vector_store %arg11[%swap3A_58, %swap3A_59], %add3A_57 {strides = array<i32>} : memref<16x1xf32, #tpu.memory_space<vmem>>, vector<16x1xf32>,
    %eq3A_61 = arith.constant 9 : i32
    %eq3A_62 = arith.cmpi eq, %arg0, %eq3A_61 : i32
    %convert_element_type3A_63 = arith.extui %eq3A_62 : i1 to i32
    %cond3A_64 = arith.constant 0 : i32
    %cond3A_65 = arith.cmpi ne, %convert_element_type3A_63, %cond3A_64 : i32
    scf.if %cond3A_65 {
      %get3A_66 = arith.constant 0 : index
      %get3A_67 = arith.constant 0 : index
      %get3A_68 = vector.load %arg10[%get3A_66, %get3A_67] : memref<16x128xf32, #tpu.memory_space<vmem>>, vector<16x128xf32>
      %get3A_69 = arith.constant 0 : index
      %get3A_70 = arith.constant 0 : index
      %get3A_71 = vector.load %arg11[%get3A_69, %get3A_70] : memref<16x1xf32, #tpu.memory_space<vmem>>, vector<16x1xf32>
      %max3A_72 = arith.constant 1.000000e+00 : f32
      %max3A_73 = vector.broadcast %max3A_72 : f32 to vector<16x1xf32>
      %max3A_74 = arith.maximumf %get3A_71, %max3A_73 : vector<16x1xf32>
      %div3A = vector.broadcast %max3A_74 : vector<16x1xf32> to vector<16x128xf32>
      %div3A_75 = arith.divf %get3A_68, %div3A : vector<16x128xf32>
      %get3A_76 = arith.constant 0 : index
      %get3A_77 = arith.constant 0 : index
      %get3A_78 = vector.load %arg6[%get3A_76, %get3A_77] : memref<128x64xf32, #tpu.memory_space<vmem>>, vector<128x64xf32>
      %dot_general3A_79 = arith.constant dense<0.000000e+00> : vector<16x64xf32>
      %dot_general3A_80 = tpu.matmul %div3A_75, %get3A_78, %dot_general3A_79 {dimension_numbers = #tpu.dot_dimension_numbers<[1], [0], [0], [1], [0, 0, 1, 1], [], []>, transpose_lhs_hint = false} : vector<16x128xf32>, vector<128x64xf32>, vector<16x64xf32> -> vector<16x64xf32>
      %get3A_81 = arith.constant 0 : index
      %get3A_82 = arith.constant 0 : index
      %get3A_83 = vector.load %arg7[%get3A_81, %get3A_82] : memref<1x64xf32, #tpu.memory_space<vmem>>, vector<1x64xf32>
      %add3A_84 = vector.broadcast %get3A_83 : vector<1x64xf32> to vector<16x64xf32>
      %add3A_85 = arith.addf %dot_general3A_80, %add3A_84 : vector<16x64xf32>
      %swap3A_86 = arith.constant 0 : index
      %swap3A_87 = arith.constant 0 : index
      %swap3A_88 = vector.load %arg12[%swap3A_86, %swap3A_87] : memref<16x64xf32, #tpu.memory_space<vmem>>, vector<16x64xf32>
      tpu.vector_store %arg12[%swap3A_86, %swap3A_87], %add3A_85 {strides = array<i32>} : memref<16x64xf32, #tpu.memory_space<vmem>>, vector<16x64xf32>,
      %get3A_89 = arith.constant 0 : index
      %get3A_90 = arith.constant 0 : index
      %get3A_91 = vector.load %arg8[%get3A_89, %get3A_90] : memref<128x64xf32, #tpu.memory_space<vmem>>, vector<128x64xf32>
      %dot_general3A_92 = arith.constant dense<0.000000e+00> : vector<16x64xf32>
      %dot_general3A_93 = tpu.matmul %div3A_75, %get3A_91, %dot_general3A_92 {dimension_numbers = #tpu.dot_dimension_numbers<[1], [0], [0], [1], [0, 0, 1, 1], [], []>, transpose_lhs_hint = false} : vector<16x128xf32>, vector<128x64xf32>, vector<16x64xf32> -> vector<16x64xf32>
      %get3A_94 = arith.constant 0 : index
      %get3A_95 = arith.constant 0 : index
      %get3A_96 = vector.load %arg9[%get3A_94, %get3A_95] : memref<1x64xf32, #tpu.memory_space<vmem>>, vector<1x64xf32>
      %add3A_97 = vector.broadcast %get3A_96 : vector<1x64xf32> to vector<16x64xf32>
      %add3A_98 = arith.addf %dot_general3A_93, %add3A_97 : vector<16x64xf32>
      %swap3A_99 = arith.constant 0 : index
      %swap3A_100 = arith.constant 0 : index
      %swap3A_101 = vector.load %arg13[%swap3A_99, %swap3A_100] : memref<16x64xf32, #tpu.memory_space<vmem>>, vector<16x64xf32>
      tpu.vector_store %arg13[%swap3A_99, %swap3A_100], %add3A_98 {strides = array<i32>} : memref<16x64xf32, #tpu.memory_space<vmem>>, vector<16x64xf32>,
    } else {
    }
    return
  }
  func.func @transform_0(%arg0: i32) -> (i32, i32, i32) {
    %c0_i32 = arith.constant 0 : i32
    %c0_i32_0 = arith.constant 0 : i32
    %c0_i32_1 = arith.constant 0 : i32
    return %c0_i32, %arg0, %c0_i32_0 : i32, i32, i32
  }
  func.func @transform_1(%arg0: i32) -> (i32, i32) {
    %c0_i32 = arith.constant 0 : i32
    %c0_i32_0 = arith.constant 0 : i32
    return %arg0, %c0_i32 : i32, i32
  }
  func.func @transform_2(%arg0: i32) -> (i32, i32, i32) {
    %c0_i32 = arith.constant 0 : i32
    %c0_i32_0 = arith.constant 0 : i32
    %c0_i32_1 = arith.constant 0 : i32
    return %c0_i32, %arg0, %c0_i32_0 : i32, i32, i32
  }
  func.func @transform_3(%arg0: i32) -> (i32, i32) {
    %c0_i32 = arith.constant 0 : i32
    %c0_i32_0 = arith.constant 0 : i32
    %c0_i32_1 = arith.constant 0 : i32
    return %c0_i32, %c0_i32_0 : i32, i32
  }
  func.func @transform_4(%arg0: i32) -> (i32, i32) {
    %c0_i32 = arith.constant 0 : i32
    %c0_i32_0 = arith.constant 0 : i32
    return %arg0, %c0_i32 : i32, i32
  }
  func.func @transform_5(%arg0: i32) -> (i32, i32) {
    %c0_i32 = arith.constant 0 : i32
    %c0_i32_0 = arith.constant 0 : i32
    %c0_i32_1 = arith.constant 0 : i32
    return %c0_i32, %c0_i32_0 : i32, i32
  }
  func.func @transform_6(%arg0: i32) -> (i32, i32) {
    %c0_i32 = arith.constant 0 : i32
    %c0_i32_0 = arith.constant 0 : i32
    %c0_i32_1 = arith.constant 0 : i32
    return %c0_i32, %c0_i32_0 : i32, i32
  }
  func.func @transform_7(%arg0: i32) -> (i32, i32) {
    %c0_i32 = arith.constant 0 : i32
    %c0_i32_0 = arith.constant 0 : i32
    %c0_i32_1 = arith.constant 0 : i32
    return %c0_i32, %c0_i32_0 : i32, i32
  }
  func.func @transform_8(%arg0: i32) -> (i32, i32) {
    %c0_i32 = arith.constant 0 : i32
    %c0_i32_0 = arith.constant 0 : i32
    %c0_i32_1 = arith.constant 0 : i32
    return %c0_i32, %c0_i32_0 : i32, i32
  }
  func.func @transform_9(%arg0: i32) -> (i32, i32) {
    %c0_i32 = arith.constant 0 : i32
    %c0_i32_0 = arith.constant 0 : i32
    %c0_i32_1 = arith.constant 0 : i32
    return %c0_i32, %c0_i32_0 : i32, i32
  }
  func.func @transform_10(%arg0: i32) -> (i32, i32) {
    %c0_i32 = arith.constant 0 : i32
    %c0_i32_0 = arith.constant 0 : i32
    %c0_i32_1 = arith.constant 0 : i32
    return %c0_i32, %c0_i32_0 : i32, i32
  }
  func.func @transform_11(%arg0: i32) -> (i32, i32) {
    %c0_i32 = arith.constant 0 : i32
    %c0_i32_0 = arith.constant 0 : i32
    %c0_i32_1 = arith.constant 0 : i32
    return %c0_i32, %c0_i32_0 : i32, i32
  }
  func.func @transform_12(%arg0: i32) -> (i32, i32) {
    %c0_i32 = arith.constant 0 : i32
    %c0_i32_0 = arith.constant 0 : i32
    %c0_i32_1 = arith.constant 0 : i32
    return %c0_i32, %c0_i32_0 : i32, i32
  }
}

</mosaic_0001>

<sc_bundles>
// kernel: _run.11.cloned.1.call-start
scs
__scs_entry_jumppad:
0x0: {  	(pc) =	sbr.rel $0x88, $3  }
0x1: {  	(tag) =	ssettag $0x0;
	lr =	simm.s32 $0x1  }
0x2: {  	[smem:$0x3F96] =	sst lr;
	_ =	strace $0xD0000000  }
0x3: {  	_ = 	snop  }
0x4: {  	_ = 	snop  }
0x5: {  	_ = 	snop  }
0x6: {  	_ = 	snop  }
0x7: {  	_ = 	snop  }
__scs_overlays_trampoline_lowered:
0x8: {  	[smem:$0x3FA5] =	sst s0  }
0x9: {  	[smem:$0x3FA6] =	sst s1  }
0xa: {  	[smem:$0x3FA7] =	sst s2  }
0xb: {  	[smem:$0x3FA8] =	sst s3  }
0xc: {  	[smem:$0x3FA9] =	sst s4  }
0xd: {  	[smem:$0x3FAA] =	sst s5  }
0xe: {  	[smem:$0x3FAB] =	sst s6  }
0xf: {  	[smem:$0x3FAC] =	sst s7  }
0x10: {  	[smem:$0x3FAD] =	sst s8  }
0x11: {  	[smem:$0x3FAE] =	sst s9;
	s0 =	simm.s32 @!p0 $0x0  }
0x12: {  	s1 =	sld [smem:$0x3F94];
	s0 =	simm.s32 @p0 $0x1  }
0x13: {  	[smem:$0x3FAF] =	sst s0;
	s0 =	simm.s32 @!p1 $0x0  }
0x14: {  	s2 =	sld [smem:$0x3F93];
	s0 =	simm.s32 @p1 $0x1  }
0x15: {  	[smem:$0x3FB0] =	sst s0;
	s0 =	simm.s32 @!p2 $0x0  }
0x16: {  	s3 =	sld [smem:$0x3FDB];
	s0 =	simm.s32 @p2 $0x1  }
0x17: {  	s4 =	simm.s32 $0x1BF5;
	[smem:$0x3FB2] =	sst s0  }
0x18: {  	s0 =	sld [smem:$0x3F95];
	_ =	swait.ge [sflag:s4], $0x0  }
0x19: {  	s7 =	sld [smem:$0x3F96]  }
0x1a: {  	s8 =	sadd.s32 $0xFFFFE003, lr  }
0x1b: {  	s9 =	sadd.s32 $0xFFFFFEF7, lr;
	s5 =	simm.s32 $0xFFFFFFFF;
	p2 =	slt.u32 s8, $0xFFFFF086  }
0x1c: {  	p1 =	slt.u32 s9, $0xF7A;
	s5 =	simm.s32 @!p2 $0x0  }
0x1d: {  	s5 =	simm.s32 @p1 $0x1;
	p0 =	seq.s32 s7, s2  }
0x1e: {  	s7 =	smul.u32 @!p0 $0xF7A, s2;
	p2 =	seq.s32 @!p0 s5, $0x0  }
0x1f: {  	s9 =	smul.u32 $0xF7A, s1;
	s8 =	simm.s32 @!p0 $0x1BF5;
	p2 =	por !p2, p0  }
0x20: {  	[sflag:s8] =	ssyncset.s32 @!p0 $0xFFFFF086;
	s6 =	sadd.s32 @!p0 s3, s7;
	s7 =	simm.s32 @!p0 $0x108  }
0x21: {  	s3 =	sadd.s32 s3, s9;
	s6 =	sadd.s32 @!p0 $0x88, s6;
	s7 =	simm.s32 @p2 $0x1082  }
0x22: {  	[simem:s7], [sflag:s8] =	dma.local @!p0 [hbm:s6], $0xF7A  }
0x23: {  	s9 =	sor.u32 $0xD0000000, s2;
	s6 =	simm.s32 $0x108;
	_ =	swait.ge @!p0 [sflag:s8], $0x0  }
0x24: {  	s3 =	sadd.s32 $0x88, s3;
	s6 =	simm.s32 @!p1 $0x1082;
	[sflag:s4] =	ssyncset.s32 $0xFFFFF086  }
0x25: {  	[simem:s6], [sflag:s4] =	dma.local [hbm:s3], $0xF7A  }
0x26: {  	[smem:$0x3F96] =	sst s1;
	(tag) =	ssettag s2;
	_ =	strace s9  }
0x27: {  	s1 =	sld [smem:$0x3FA6]  }
0x28: {  	s2 =	sld [smem:$0x3FA7]  }
0x29: {  	s4 =	sld [smem:$0x3FA9]  }
0x2a: {  	p0 =	seq.s32 s5, $0x0;
	s5 =	sld [smem:$0x3FAA]  }
0x2b: {  	s6 =	sld [smem:$0x3FAB]  }
0x2c: {  	s7 =	sld [smem:$0x3FAC]  }
0x2d: {  	s3 =	simm.s32 $0x108;
	s8 =	sld [smem:$0x3FAD]  }
0x2e: {  	s3 =	simm.s32 @!p0 $0x1082;
	s9 =	sld [smem:$0x3FAE]  }
0x2f: {  	lr =	sadd.s32 s0, s3;
	s0 =	sld [smem:$0x3FA5]  }
0x30: {  	s3 =	sld [smem:$0x3FA8]  }
0x31: {  	[smem:$0x3FB1] =	sst s10  }
0x32: {  	s10 =	sld [smem:$0x3FAF];
	_ =	sdelay $0x3  }
0x33: {  	p0 =	seq.s32 s10, $0x1;
	s10 =	sld [smem:$0x3FB1];
	_ =	sdelay $0x3  }
0x34: {  	[smem:$0x3FB1] =	sst s10  }
0x35: {  	s10 =	sld [smem:$0x3FB0];
	_ =	sdelay $0x3  }
0x36: {  	p1 =	seq.s32 s10, $0x1;
	s10 =	sld [smem:$0x3FB1];
	_ =	sdelay $0x3  }
0x37: {  	[smem:$0x3FB1] =	sst s10  }
0x38: {  	s10 =	sld [smem:$0x3FB2]  }
0x39: {  	_ = 	snop;
	(pc) =	sbr.ind lr, $3  }
0x3a: {  	_ = 	snop  }
0x3b: {  	_ = 	snop  }
0x3c: {  	p2 =	seq.s32 s10, $0x1;
	s10 =	sld [smem:$0x3FB1]  }
0x3d: {  	_ =	shalt  }
0x3e: {  	_ =	shalt  }
0x3f: {  	_ =	shalt  }
0x40: {  	_ =	shalt  }
0x41: {  	_ =	shalt  }
0x42: {  	_ =	shalt  }
0x43: {  	_ =	shalt  }
0x44: {  	_ =	shalt  }
0x45: {  	_ =	shalt  }
0x46: {  	_ =	shalt  }
0x47: {  	_ =	shalt  }
0x48: {  	_ =	shalt  }
0x49: {  	_ =	shalt  }
0x4a: {  	_ =	shalt  }
0x4b: {  	_ =	shalt  }
0x4c: {  	_ =	shalt  }
0x4d: {  	_ =	shalt  }
0x4e: {  	_ =	shalt  }
0x4f: {  	_ =	shalt  }
0x50: {  	_ =	shalt  }
0x51: {  	_ =	shalt  }
0x52: {  	_ =	shalt  }
0x53: {  	_ =	shalt  }
0x54: {  	_ =	shalt  }
0x55: {  	_ =	shalt  }
0x56: {  	_ =	shalt  }
0x57: {  	_ =	shalt  }
0x58: {  	_ =	shalt  }
0x59: {  	_ =	shalt  }
0x5a: {  	_ =	shalt  }
0x5b: {  	_ =	shalt  }
0x5c: {  	_ =	shalt  }
0x5d: {  	_ =	shalt  }
0x5e: {  	_ =	shalt  }
0x5f: {  	_ =	shalt  }
0x60: {  	_ =	shalt  }
0x61: {  	_ =	shalt  }
0x62: {  	_ =	shalt  }
0x63: {  	_ =	shalt  }
0x64: {  	_ =	shalt  }
0x65: {  	_ =	shalt  }
0x66: {  	_ =	shalt  }
0x67: {  	_ =	shalt  }
0x68: {  	_ =	shalt  }
0x69: {  	_ =	shalt  }
0x6a: {  	_ =	shalt  }
0x6b: {  	_ =	shalt  }
0x6c: {  	_ =	shalt  }
0x6d: {  	_ =	shalt  }
0x6e: {  	_ =	shalt  }
0x6f: {  	_ =	shalt  }
0x70: {  	_ =	shalt  }
0x71: {  	_ =	shalt  }
0x72: {  	_ =	shalt  }
0x73: {  	_ =	shalt  }
0x74: {  	_ =	shalt  }
0x75: {  	_ =	shalt  }
0x76: {  	_ =	shalt  }
0x77: {  	_ =	shalt  }
0x78: {  	_ =	shalt  }
0x79: {  	_ =	shalt  }
0x7a: {  	_ =	shalt  }
0x7b: {  	_ =	shalt  }
0x7c: {  	_ =	shalt  }
0x7d: {  	_ =	shalt  }
0x7e: {  	_ =	shalt  }
0x7f: {  	_ =	shalt  }
0x80: {  	_ =	shalt  }
0x81: {  	_ =	shalt  }
0x82: {  	_ =	shalt  }
0x83: {  	_ =	shalt  }
0x84: {  	_ =	shalt  }
0x85: {  	_ =	shalt  }
0x86: {  	_ =	shalt  }
0x87: {  	_ =	shalt  }
.Lfunc_end0:
.L_simem_size_0:
called_computation.1_lowered:
.L_overlay_start_0:
0x88: {  	s2 =	sld [smem:$0x3FD9]  }
0x89: {  	s3 =	sld [smem:$0x3FFE];
	_ =	sdelay $0x1  }
0x8a: {  	s1 =	srdreg.scid  }
0x8b: {  	s0 =	sand.u32 $0x1, s1  }
0x8c: {  	s16 =	sshll.u32 s0, $0xA;
	s2 =	sadd.s32 s3, s2  }
0x8d: {  	s2 =	sadd.s32 s2, s16  }
0x8e: {  	[smem:$0x3FBD] =	sst s2  }
0x8f: {  	_ = 	snop  }
0x90: {  	(tm) =	ssettm $0x1  }
0x91: {  	s17 =	sld [smem:$0x3FFB];
	_ =	sdelay $0x3  }
0x92: {  	_ =	strace s17  }
0x93: {  	s2 =	sld [smem:$0x3FFC];
	_ =	sdelay $0x3  }
0x94: {  	_ =	strace s2  }
0x95: {  	s2 =	sld [smem:$0x3FFD];
	_ =	sdelay $0x3  }
0x96: {  	_ =	strace s2  }
0x97: {  	_ =	strace $0x8FFFFFFF  }
0x98: {  	s18 =	sld [smem:$0x3FDB];
	_ =	sdelay $0x1  }
0x99: {  	s19 =	simm.s32 $_scs_section_size  }
0x9a: {  	s4 =	simm.s32 $_size__tile_overlayer_lowered;
	s5 =	simm.s32 $_tile_overlayer_lowered  }
0x9b: {  	s22 =	simm.s32 $0x1BFF;
	s21 =	sshll.u32 s5, $0x1;
	s2 =	sadd.s32 s19, s18  }
0x9c: {  	s6 =	simm.s32 $0x0;
	s20 =	sshll.u32 s4, $0x1;
	s4 =	sadd.s32 s21, s2  }
0x9d: {  	[timem:s6], [sflag:s22] =	dma.local [hbm:s4], s20  }
0x9e: {  	_ =	swait.ge [sflag:s22], s20  }
0x9f: {  	s3 =	ssub.s32 $0x0, s20;
	[sflag:s22] =	ssyncset.done $0x0  }
0xa0: {  	[sflag:s22] =	ssyncadd.s32 s3;
	_ =	sdelay $0x1  }
0xa1: {  	s23 =	simm.s32 $0x1B8B  }
0xa2: {  	_ =	swait.ge [sflag:s23], $0x1  }
0xa3: {  	[sflag:s23] =	ssyncset.done $0x0  }
0xa4: {  	s25 =	simm.s32 $0x1B8E;
	s24 =	sld [smem:$0x3FFE];
	[sflag:s23] =	ssyncadd.s32 $0xFFFFFFFF  }
0xa5: {  	s26 =	simm.s32 $execute0_lowered;
	[smem:$0x3FD2] =	sst s25  }
0xa6: {  	s4 =	sshll.u32 s26, $0x1;
	_ =	strace $0x80000049;
	[dreg:$0x1] =	wrdreg $0xFFFFFFFF  }
0xa7: {  	s28 =	simm.s32 $_size_execute0_lowered;
	s2 =	sadd.s32 s2, s4;
	[dreg:$0x0] =	wrdreg $0x0  }
0xa8: {  	s4 =	sshll.u32 s28, $0x1;
	[dreg:$0x2] =	wrdreg s2  }
0xa9: {  	[dreg:$0x3] =	wrdreg s4  }
0xaa: {  	[dreg:$0x4] =	wrdreg $0xC0  }
0xab: {  	_ =	task [dreg:s6], $0x5FFFF  }
0xac: {  	[dreg:$0x1] =	wrdreg $0xFFFFFFFF  }
0xad: {  	[dreg:$0x0] =	wrdreg $0x60  }
0xae: {  	[dreg:$0x2] =	wrdreg s24  }
0xaf: {  	[dreg:$0x3] =	wrdreg $0xE0000  }
0xb0: {  	[dreg:$0x4] =	wrdreg $0x9  }
0xb1: {  	_ =	task.clear_ibuf [dreg:s6], $0x5FFFF;
	_ =	strace $0x90000049  }
0xb2: {  	s29 =	simm.s32 $0x9;
	_ =	strace $0x8000004B  }
0xb3: {  	_ =	swait.ge [sflag:s29], $0x1  }
0xb4: {  	[sflag:s29] =	ssyncadd.s32 $0xFFFFFFFF  }
0xb5: {  	_ =	strace $0x9000004B  }
0xb6: {  	_ =	sfence  }
0xb7: {  	s30 =	sld [smem:$0x0];
	_ =	sdelay $0x2  }
0xb8: {  	s31 =	sshll.u32 s1, $0xD;
	s1 =	sshrl.u32 s1, $0x2  }
0xb9: {  	s3 =	sand.u32 $0x4000, s31;
	s1 =	sadd.s32 s1, s30  }
0xba: {  	s0 =	sor.u32 s3, s0;
	s1 =	sshll.u32 s1, $0x11  }
0xbb: {  	s0 =	sor.u32 s1, s0  }
0xbc: {  	s0 =	sadd.s32 $0x8F2B, s0  }
0xbd: {  	[sflag:s0] =	ssyncadd.remote.s32 $0x1  }
0xbe: {  	_ =	sfence.sel $0xFFFF  }
0xbf: {  	[dreg:$0x0] =	wrdreg $0xFFFFFFFF;
	(pc) =	sbr.abs _section_cstart, $3  }
0xc0: {  	[dreg:$0x1] =	wrdreg $0xFFFFFFFF  }
0xc1: {  	_ =	task.clear_ibuf [dreg:s6], $0x2FFFF;
	_ =	strace $0x9FFFFFFF  }
0xc2: {  	(tm) =	ssettm $0x7FFFFFFF  }
0xc3: {  	_ =	shalt  }
tec
execute0_lowered:
.L_overlay_start_1:
0x0: {  	(tag) =	ssettag $0x1  }
0x1: {  	s0 =	rddreg [dreg:$0x0]  }
0x2: {  	s2 =	rddreg [dreg:$0x1];
	s1 =	srdreg.scid  }
0x3: {  	s8 =	stileid.u32;
	s3 =	simm.s32 $0x0;
	s29 =	simm.s32 $0x9000  }
0x4: {  	s30 =	simm.s32 $0x2;
	s28 =	simm.s32 $0x3;
	s31 =	simm.s32 $0x4  }
0x5: {  	s1 =	sand.u32 $0x1, s1;
	s5 =	smul.u32 $0x14000, s8;
	[smem:$0x7FF] =	sst s3  }
0x6: {  	s9 =	sadd.s32 $0x1FC00, s0;
	s4 =	sshll.u32 s1, $0x4;
	s6 =	smul.u32 $0x140000, s1  }
0x7: {  	_ =	strace $0x8000004A;
	[dreg:$0x3] =	wrdreg s9;
	s1 =	ssub.s32 $0x2, s1  }
0x8: {  	s9 =	simm.s32 $0x0;
	s4 =	sor.u32 s8, s4;
	s8 =	smul.u32 $0x28000, s8  }
0x9: {  	s18 =	sshrl.u32 s1, $0x1;
	s7 =	smul.u32 $0x500, s4;
	s4 =	sadd.s32 $0x6FE00, s0  }
0xa: {  	s6 =	sadd.s32 s5, s6;
	s5 =	sshrl.u32 s5, $0x1;
	s1 =	ssub.s32 s1, s18  }
0xb: {  	s6 =	sshrl.u32 s6, $0x4;
	s17 =	sshrl.u32 s8, $0x2;
	s8 =	simm.s32 $0x8  }
0xc: {  	s7 =	sadd.s32 s7, s0;
	s0 =	sadd.s32 s6, s0;
	s19 =	sadd.s32 s17, s2  }
0xd: {  	s6 =	sadd.s32 s5, s2;
	s5 =	simm.s32 $0x6;
	s20 =	sadd.s32 $0x1000, s19  }
0xe: {  	s21 =	sadd.s32 $0x2000, s19;
	s22 =	sadd.s32 $0x3000, s19;
	s23 =	sadd.s32 $0x4000, s19  }
0xf: {  	s24 =	sadd.s32 $0x5000, s19;
	s25 =	sadd.s32 $0x6000, s19;
	[dreg:$0x4] =	wrdreg s20  }
0x10: {  	s26 =	sadd.s32 $0x7000, s19;
	s14 =	sadd.s32 $0x8000, s19;
	[dreg:$0x5] =	wrdreg s21  }
0x11: {  	s15 =	sadd.s32 $0x9000, s19;
	s16 =	sadd.s32 $0x15C00, s7;
	[dreg:$0x6] =	wrdreg s22  }
0x12: {  	s17 =	sadd.s32 $0x1C00, s7;
	s18 =	sadd.s32 $0x83E00, s0;
	[dreg:$0x7] =	wrdreg s23  }
.Ltmp0:
0x13: {  	s19 =	smax.u32 s1, $0x1;
	[dreg:$0x8] =	wrdreg s24;
	(pc) =	sbr.rel .LBB2_1-.Ltmp0, $4  }
0x14: {  	s1 =	simm.s32 $0xB000;
	s0 =	simm.s32 $0x5;
	[dreg:$0x9] =	wrdreg s25  }
0x15: {  	s7 =	simm.s32 $0x7;
	[dreg:$0xa] =	wrdreg s26;
	s20 =	simm.s32 $0xD000  }
0x16: {  	s21 =	simm.s32 $0x9;
	s22 =	simm.s32 $0x2800;
	s23 =	simm.s32 $0x80  }
0x17: {  	s24 =	simm.s32 $0x5000;
	s25 =	simm.s32 $0x7000;
	s26 =	simm.s32 $0x1  }
.LBB2_4:
0x18: {  	_ =	swait.ge [sflag:s31], $0x2000  }
0x19: {  	[sflag:s31] =	ssyncset.done $0x0  }
0x1a: {  	[sflag:s31] =	ssyncadd.s32 $0xFFFFE000  }
0x1b: {  	[spmem:s2] =	stream.indirect.scatter.add.bf16 [tilespmem:s1], [sflag:$0x8], $0x40, s12, s23, $0xb8;
	[tilespmem:$0x18000] =	vst v63  }
0x1c: {  	_ =	swait.ge [sflag:s0], $0x2000  }
0x1d: {  	[sflag:s0] =	ssyncset.done $0x0  }
0x1e: {  	[sflag:s0] =	ssyncadd.s32 $0xFFFFE000  }
0x1f: {  	_ =	swait.ge [sflag:s5], $0x2000  }
0x20: {  	[sflag:s5] =	ssyncset.done $0x0  }
0x21: {  	[sflag:s5] =	ssyncadd.s32 $0xFFFFE000  }
0x22: {  	_ =	swait.ge [sflag:s7], $0x2000  }
0x23: {  	[sflag:s7] =	ssyncset.done $0x0  }
0x24: {  	[sflag:s7] =	ssyncadd.s32 $0xFFFFE000  }
0x25: {  	s10 =	stileid.u32;
	_ =	swait.ge [sflag:s8], $0x2000  }
0x26: {  	s11 =	sshrl.u32 s6, $0x3;
	s9 =	sadd.s32 $0x1, s9;
	[sflag:s8] =	ssyncset.done $0x0  }
0x27: {  	s10 =	sshll.u32 s10, $0x6;
	p0 =	sne.s32 s9, s19;
	[sflag:s8] =	ssyncadd.s32 $0xFFFFE000  }
.Ltmp1:
0x28: {  	s10 =	sor.u32 $0x1C09, s10;
	[bflag:$0x0] =	sbarrier.arrive $0xFFFF;
	(pc) =	sbr.rel @!p0 .LBB2_5-.Ltmp1, $4  }
0x29: {  	[hbm:s18], [sflag:s10] =	dma.local [spmem:s11], $0x1400  }
0x2a: {  	_ =	swait.ge [sflag:s21], $0x1400  }
0x2b: {  	[sflag:s21] =	ssyncset.done $0x0  }
0x2c: {  	[sflag:s21] =	ssyncadd.s32 $0xFFFFEC00  }
.LBB2_1:
0x2d: {  	s10 =	rddreg [dreg:$0x3]  }
0x2e: {  	[tilespmem:s20], [sflag:$0x9] =	stream.linear.gather [hbm4b:s10+s3], $0x1000, $0x38;
	[tilespmem:$0x18000] =	vst v63  }
0x2f: {  	_ =	swait.ge [sflag:s21], $0x1000  }
0x30: {  	[sflag:s21] =	ssyncset.done $0x0  }
0x31: {  	[sflag:s21] =	ssyncadd.s32 $0xFFFFF000  }
0x32: {  	[spmem:s6] =	stream.linear.scatter [tilespmem:s20], [sflag:$0x9], $0x1000, $0x38;
	[tilespmem:$0x18000] =	vst v63  }
0x33: {  	_ =	swait.ge [sflag:s21], $0x1000  }
0x34: {  	[sflag:s21] =	ssyncset.done $0x0  }
0x35: {  	s12 =	rddreg [dreg:$0x4];
	[sflag:s21] =	ssyncadd.s32 $0xFFFFF000  }
0x36: {  	[spmem:s12] =	stream.linear.scatter [tilespmem:s20], [sflag:$0x9], $0x1000, $0x38;
	[tilespmem:$0x18000] =	vst v63  }
0x37: {  	_ =	swait.ge [sflag:s21], $0x1000  }
0x38: {  	[sflag:s21] =	ssyncset.done $0x0  }
0x39: {  	s13 =	rddreg [dreg:$0x5];
	[sflag:s21] =	ssyncadd.s32 $0xFFFFF000  }
0x3a: {  	[spmem:s13] =	stream.linear.scatter [tilespmem:s20], [sflag:$0x9], $0x1000, $0x38;
	[tilespmem:$0x18000] =	vst v63  }
0x3b: {  	_ =	swait.ge [sflag:s21], $0x1000  }
0x3c: {  	[sflag:s21] =	ssyncset.done $0x0  }
0x3d: {  	s11 =	rddreg [dreg:$0x6];
	[sflag:s21] =	ssyncadd.s32 $0xFFFFF000  }
0x3e: {  	[spmem:s11] =	stream.linear.scatter [tilespmem:s20], [sflag:$0x9], $0x1000, $0x38;
	[tilespmem:$0x18000] =	vst v63  }
0x3f: {  	_ =	swait.ge [sflag:s21], $0x1000  }
0x40: {  	[sflag:s21] =	ssyncset.done $0x0  }
0x41: {  	s12 =	rddreg [dreg:$0x7];
	[sflag:s21] =	ssyncadd.s32 $0xFFFFF000  }
0x42: {  	[spmem:s12] =	stream.linear.scatter [tilespmem:s20], [sflag:$0x9], $0x1000, $0x38;
	[tilespmem:$0x18000] =	vst v63  }
0x43: {  	_ =	swait.ge [sflag:s21], $0x1000  }
0x44: {  	[sflag:s21] =	ssyncset.done $0x0  }
0x45: {  	s13 =	rddreg [dreg:$0x8];
	[sflag:s21] =	ssyncadd.s32 $0xFFFFF000  }
0x46: {  	[spmem:s13] =	stream.linear.scatter [tilespmem:s20], [sflag:$0x9], $0x1000, $0x38;
	[tilespmem:$0x18000] =	vst v63  }
0x47: {  	_ =	swait.ge [sflag:s21], $0x1000  }
0x48: {  	[sflag:s21] =	ssyncset.done $0x0  }
0x49: {  	s11 =	rddreg [dreg:$0x9];
	[sflag:s21] =	ssyncadd.s32 $0xFFFFF000  }
0x4a: {  	[spmem:s11] =	stream.linear.scatter [tilespmem:s20], [sflag:$0x9], $0x1000, $0x38;
	[tilespmem:$0x18000] =	vst v63  }
0x4b: {  	_ =	swait.ge [sflag:s21], $0x1000  }
0x4c: {  	[sflag:s21] =	ssyncset.done $0x0  }
0x4d: {  	s12 =	rddreg [dreg:$0xa];
	[sflag:s21] =	ssyncadd.s32 $0xFFFFF000  }
0x4e: {  	[spmem:s12] =	stream.linear.scatter [tilespmem:s20], [sflag:$0x9], $0x1000, $0x38;
	[tilespmem:$0x18000] =	vst v63  }
0x4f: {  	_ =	swait.ge [sflag:s21], $0x1000  }
0x50: {  	[sflag:s21] =	ssyncset.done $0x0  }
0x51: {  	[sflag:s21] =	ssyncadd.s32 $0xFFFFF000  }
0x52: {  	[spmem:s14] =	stream.linear.scatter [tilespmem:s20], [sflag:$0x9], $0x1000, $0x38;
	[tilespmem:$0x18000] =	vst v63  }
0x53: {  	_ =	swait.ge [sflag:s21], $0x1000  }
0x54: {  	[sflag:s21] =	ssyncset.done $0x0  }
0x55: {  	[sflag:s21] =	ssyncadd.s32 $0xFFFFF000  }
0x56: {  	[spmem:s15] =	stream.linear.scatter [tilespmem:s20], [sflag:$0x9], $0x1000, $0x38;
	[tilespmem:$0x18000] =	vst v63  }
0x57: {  	_ =	swait.ge [sflag:s21], $0x1000  }
0x58: {  	[sflag:s21] =	ssyncset.done $0x0  }
0x59: {  	[sflag:s21] =	ssyncadd.s32 $0xFFFFF000  }
0x5a: {  	[tilespmem:s3], [sflag:$0x9] =	stream.linear.gather [hbm4b:s16+s3], $0x2800, $0x38;
	[tilespmem:$0x18000] =	vst v63  }
0x5b: {  	_ =	swait.ge [sflag:s21], $0x2800  }
0x5c: {  	[sflag:s21] =	ssyncset.done $0x0  }
0x5d: {  	[sflag:s21] =	ssyncadd.s32 $0xFFFFD800  }
0x5e: {  	[tilespmem:s22], [sflag:$0x9] =	stream.linear.gather [hbm4b:s17+s3], $0x2800, $0x38;
	[tilespmem:$0x18000] =	vst v63  }
0x5f: {  	_ =	swait.ge [sflag:s21], $0x2800  }
0x60: {  	[sflag:s21] =	ssyncset.done $0x0  }
0x61: {  	[sflag:s21] =	ssyncadd.s32 $0xFFFFD800  }
0x62: {  	[bflag:$0x0] =	sbarrier.arrive $0xFFFF  }
0x63: {  	[tilespmem:s24], [sflag:$0x1] =	stream.indirect.gather [hbm4b:s4+s23], $0x40, s3, s23, $0xb8;
	[tilespmem:$0x18000] =	vst v63  }
0x64: {  	_ = 	snop  }
0x65: {  	[tilespmem:s25], [sflag:$0x2] =	stream.indirect.gather [hbm4b:s4+s23], $0x40, s23, s23, $0xb8;
	[tilespmem:$0x18000] =	vst v63  }
0x66: {  	_ =	swait.ge [sflag:s26], $0x2000  }
0x67: {  	[sflag:s26] =	ssyncset.done $0x0  }
0x68: {  	[sflag:s26] =	ssyncadd.s32 $0xFFFFE000  }
0x69: {  	[spmem:s2] =	stream.indirect.scatter.add.bf16 [tilespmem:s24], [sflag:$0x5], $0x40, s22, s23, $0xb8;
	[tilespmem:$0x18000] =	vst v63  }
0x6a: {  	s13 =	simm.s32 $0x100  }
0x6b: {  	[tilespmem:s29], [sflag:$0x3] =	stream.indirect.gather [hbm4b:s4+s23], $0x40, s13, s23, $0xb8;
	[tilespmem:$0x18000] =	vst v63  }
0x6c: {  	_ =	swait.ge [sflag:s30], $0x2000  }
0x6d: {  	[sflag:s30] =	ssyncset.done $0x0  }
0x6e: {  	s11 =	simm.s32 $0x2880;
	[sflag:s30] =	ssyncadd.s32 $0xFFFFE000  }
0x6f: {  	[spmem:s2] =	stream.indirect.scatter.add.bf16 [tilespmem:s25], [sflag:$0x6], $0x40, s11, s23, $0xb8;
	[tilespmem:$0x18000] =	vst v63  }
0x70: {  	s12 =	simm.s32 $0x180  }
0x71: {  	[tilespmem:s1], [sflag:$0x4] =	stream.indirect.gather [hbm4b:s4+s23], $0x40, s12, s23, $0xb8;
	[tilespmem:$0x18000] =	vst v63  }
0x72: {  	_ =	swait.ge [sflag:s28], $0x2000  }
0x73: {  	[sflag:s28] =	ssyncset.done $0x0  }
0x74: {  	s13 =	simm.s32 $0x2900;
	[sflag:s28] =	ssyncadd.s32 $0xFFFFE000  }
0x75: {  	[spmem:s2] =	stream.indirect.scatter.add.bf16 [tilespmem:s29], [sflag:$0x7], $0x40, s13, s23, $0xb8;
	[tilespmem:$0x18000] =	vst v63  }
0x76: {  	_ =	swait.ge [sflag:s0], $0x2000  }
0x77: {  	[sflag:s0] =	ssyncset.done $0x0  }
0x78: {  	s11 =	simm.s32 $0x200;
	[sflag:s0] =	ssyncadd.s32 $0xFFFFE000  }
0x79: {  	[tilespmem:s24], [sflag:$0x1] =	stream.indirect.gather [hbm4b:s4+s23], $0x40, s11, s23, $0xb8;
	[tilespmem:$0x18000] =	vst v63  }
0x7a: {  	_ =	swait.ge [sflag:s31], $0x2000  }
0x7b: {  	[sflag:s31] =	ssyncset.done $0x0  }
0x7c: {  	s12 =	simm.s32 $0x2980;
	[sflag:s31] =	ssyncadd.s32 $0xFFFFE000  }
0x7d: {  	[spmem:s2] =	stream.indirect.scatter.add.bf16 [tilespmem:s1], [sflag:$0x8], $0x40, s12, s23, $0xb8;
	[tilespmem:$0x18000] =	vst v63  }
0x7e: {  	_ =	swait.ge [sflag:s5], $0x2000  }
0x7f: {  	[sflag:s5] =	ssyncset.done $0x0  }
0x80: {  	s10 =	simm.s32 $0x0;
	s13 =	simm.s32 $0x280;
	[sflag:s5] =	ssyncadd.s32 $0xFFFFE000  }
0x81: {  	[tilespmem:s25], [sflag:$0x2] =	stream.indirect.gather [hbm4b:s4+s23], $0x40, s13, s23, $0xb8;
	[tilespmem:$0x18000] =	vst v63  }
.LBB2_2:
0x82: {  	_ =	swait.ge [sflag:s26], $0x2000  }
0x83: {  	s11 =	sshra.s32 s10, $0x2;
	[sflag:s26] =	ssyncset.done $0x0  }
0x84: {  	s12 =	sadd.s32 $0x2A00, s11;
	[sflag:s26] =	ssyncadd.s32 $0xFFFFE000  }
0x85: {  	[spmem:s2] =	stream.indirect.scatter.add.bf16 [tilespmem:s24], [sflag:$0x5], $0x40, s12, s23, $0xb8;
	[tilespmem:$0x18000] =	vst v63  }
0x86: {  	_ =	swait.ge [sflag:s7], $0x2000  }
0x87: {  	[sflag:s7] =	ssyncset.done $0x0  }
0x88: {  	s13 =	sadd.s32 $0x300, s11;
	[sflag:s7] =	ssyncadd.s32 $0xFFFFE000  }
0x89: {  	[tilespmem:s29], [sflag:$0x3] =	stream.indirect.gather [hbm4b:s4+s23], $0x40, s13, s23, $0xb8;
	[tilespmem:$0x18000] =	vst v63  }
0x8a: {  	_ =	swait.ge [sflag:s30], $0x2000  }
0x8b: {  	[sflag:s30] =	ssyncset.done $0x0  }
0x8c: {  	s13 =	sadd.s32 $0x2A80, s11;
	[sflag:s30] =	ssyncadd.s32 $0xFFFFE000  }
0x8d: {  	[spmem:s2] =	stream.indirect.scatter.add.bf16 [tilespmem:s25], [sflag:$0x6], $0x40, s13, s23, $0xb8;
	[tilespmem:$0x18000] =	vst v63  }
0x8e: {  	_ =	swait.ge [sflag:s8], $0x2000  }
0x8f: {  	[sflag:s8] =	ssyncset.done $0x0  }
0x90: {  	p0 =	seq.s32 s10, $0x9000;
	s13 =	sadd.s32 $0x380, s11;
	[sflag:s8] =	ssyncadd.s32 $0xFFFFE000  }
0x91: {  	[tilespmem:s1], [sflag:$0x4] =	stream.indirect.gather [hbm4b:s4+s23], $0x40, s13, s23, $0xb8;
	[tilespmem:$0x18000] =	vst v63  }
.Ltmp2:
0x92: {  	_ = 	snop;
	(pc) =	sbr.rel @p0 .LBB2_4-.Ltmp2, $4  }
0x93: {  	_ =	swait.ge [sflag:s28], $0x2000  }
0x94: {  	[sflag:s28] =	ssyncset.done $0x0  }
0x95: {  	s12 =	sadd.s32 $0x2B80, s11;
	s13 =	sadd.s32 $0x2B00, s11;
	[sflag:s28] =	ssyncadd.s32 $0xFFFFE000  }
0x96: {  	[spmem:s2] =	stream.indirect.scatter.add.bf16 [tilespmem:s29], [sflag:$0x7], $0x40, s13, s23, $0xb8;
	[tilespmem:$0x18000] =	vst v63  }
0x97: {  	_ =	swait.ge [sflag:s0], $0x2000  }
0x98: {  	[sflag:s0] =	ssyncset.done $0x0  }
0x99: {  	s13 =	sadd.s32 $0x400, s11;
	[sflag:s0] =	ssyncadd.s32 $0xFFFFE000  }
0x9a: {  	[tilespmem:s24], [sflag:$0x1] =	stream.indirect.gather [hbm4b:s4+s23], $0x40, s13, s23, $0xb8;
	[tilespmem:$0x18000] =	vst v63  }
0x9b: {  	_ =	swait.ge [sflag:s31], $0x2000  }
0x9c: {  	[sflag:s31] =	ssyncset.done $0x0  }
0x9d: {  	[sflag:s31] =	ssyncadd.s32 $0xFFFFE000  }
0x9e: {  	[spmem:s2] =	stream.indirect.scatter.add.bf16 [tilespmem:s1], [sflag:$0x8], $0x40, s12, s23, $0xb8;
	[tilespmem:$0x18000] =	vst v63  }
.Ltmp3:
0x9f: {  	_ = 	snop;
	(pc) =	sbr.rel .LBB2_2-.Ltmp3, $4  }
0xa0: {  	_ =	swait.ge [sflag:s5], $0x2000  }
0xa1: {  	[sflag:s5] =	ssyncset.done $0x0  }
0xa2: {  	s10 =	sadd.s32 $0x800, s10;
	s13 =	sadd.s32 $0x480, s11;
	[sflag:s5] =	ssyncadd.s32 $0xFFFFE000  }
0xa3: {  	[tilespmem:s25], [sflag:$0x2] =	stream.indirect.gather [hbm4b:s4+s23], $0x40, s13, s23, $0xb8;
	[tilespmem:$0x18000] =	vst v63  }
.LBB2_5:
0xa4: {  	_ =	sfence.sel $0x180000  }
0xa5: {  	[bflag:$0x0] =	sbarrier.arrive $0xFFFF  }
0xa6: {  	_ =	strace $0x9000004A  }
0xa7: {  	s0 =	stileid.u32;
	[bflag:$0x2] =	sbarrier.arrive $0xFFFF  }
0xa8: {  	p0 =	sne.s32 s0, $0x0;
	s0 =	rddreg [dreg:$0x2]  }
0xa9: {  	s0 =	sadd.s32 @!p0 $0x100000, s0  }
0xaa: {  	[sflag:s0] =	ssyncadd.tile.s32 @!p0 $0x1;
	_ =	shalt  }
.Lfunc_end2:
_tile_overlayer_lowered:
.L_overlay_start_2:
0xab: {  	(tag) =	ssettag $0x2  }
0xac: {  	s0 =	rddreg [dreg:$0x0];
	s2 =	stileid.u32  }
0xad: {  	s1 =	rddreg [dreg:$0x1];
	p0 =	sne.s32 s2, $0x0  }
0xae: {  	s3 =	rddreg [dreg:$0x2];
	[bflag:$0x3] =	sbarrier.arrive $0xFFFF;
	s2 =	simm.s32 @!p0 $0x1C09  }
0xaf: {  	[timem:s3], [sflag:s2] =	dma.local @!p0 [hbm:s0], s1  }
0xb0: {  	s0 =	simm.s32 @!p0 $0x9  }
0xb1: {  	_ =	swait.ge @!p0 [sflag:s0], s1  }
0xb2: {  	s1 =	ssub.s32 @!p0 $0x0, s1;
	[sflag:s0] =	ssyncset.done @!p0 $0x0  }
0xb3: {  	[sflag:s0] =	ssyncadd.s32 @!p0 s1  }
0xb4: {  	[bflag:$0x3] =	sbarrier.arrive $0xFFFF  }
0xb5: {  	_ =	shalt  }

// kernel: _run.14.cloned.1.call-start
scs
__scs_entry_jumppad:
0x0: {  	(pc) =	sbr.rel $0x88, $3  }
0x1: {  	(tag) =	ssettag $0x0;
	lr =	simm.s32 $0x1  }
0x2: {  	[smem:$0x3F96] =	sst lr;
	_ =	strace $0xD0000000  }
0x3: {  	_ = 	snop  }
0x4: {  	_ = 	snop  }
0x5: {  	_ = 	snop  }
0x6: {  	_ = 	snop  }
0x7: {  	_ = 	snop  }
__scs_overlays_trampoline_lowered:
0x8: {  	[smem:$0x3FA5] =	sst s0  }
0x9: {  	[smem:$0x3FA6] =	sst s1  }
0xa: {  	[smem:$0x3FA7] =	sst s2  }
0xb: {  	[smem:$0x3FA8] =	sst s3  }
0xc: {  	[smem:$0x3FA9] =	sst s4  }
0xd: {  	[smem:$0x3FAA] =	sst s5  }
0xe: {  	[smem:$0x3FAB] =	sst s6  }
0xf: {  	[smem:$0x3FAC] =	sst s7  }
0x10: {  	[smem:$0x3FAD] =	sst s8  }
0x11: {  	[smem:$0x3FAE] =	sst s9;
	s0 =	simm.s32 @!p0 $0x0  }
0x12: {  	s1 =	sld [smem:$0x3F94];
	s0 =	simm.s32 @p0 $0x1  }
0x13: {  	[smem:$0x3FAF] =	sst s0;
	s0 =	simm.s32 @!p1 $0x0  }
0x14: {  	s2 =	sld [smem:$0x3F93];
	s0 =	simm.s32 @p1 $0x1  }
0x15: {  	[smem:$0x3FB0] =	sst s0;
	s0 =	simm.s32 @!p2 $0x0  }
0x16: {  	s3 =	sld [smem:$0x3FDB];
	s0 =	simm.s32 @p2 $0x1  }
0x17: {  	s4 =	simm.s32 $0x1BF5;
	[smem:$0x3FB2] =	sst s0  }
0x18: {  	s0 =	sld [smem:$0x3F95];
	_ =	swait.ge [sflag:s4], $0x0  }
0x19: {  	s7 =	sld [smem:$0x3F96]  }
0x1a: {  	s8 =	sadd.s32 $0xFFFFE003, lr  }
0x1b: {  	s9 =	sadd.s32 $0xFFFFFEF7, lr;
	s5 =	simm.s32 $0xFFFFFFFF;
	p2 =	slt.u32 s8, $0xFFFFF086  }
0x1c: {  	p1 =	slt.u32 s9, $0xF7A;
	s5 =	simm.s32 @!p2 $0x0  }
0x1d: {  	s5 =	simm.s32 @p1 $0x1;
	p0 =	seq.s32 s7, s2  }
0x1e: {  	s7 =	smul.u32 @!p0 $0xF7A, s2;
	p2 =	seq.s32 @!p0 s5, $0x0  }
0x1f: {  	s9 =	smul.u32 $0xF7A, s1;
	s8 =	simm.s32 @!p0 $0x1BF5;
	p2 =	por !p2, p0  }
0x20: {  	[sflag:s8] =	ssyncset.s32 @!p0 $0xFFFFF086;
	s6 =	sadd.s32 @!p0 s3, s7;
	s7 =	simm.s32 @!p0 $0x108  }
0x21: {  	s3 =	sadd.s32 s3, s9;
	s6 =	sadd.s32 @!p0 $0x88, s6;
	s7 =	simm.s32 @p2 $0x1082  }
0x22: {  	[simem:s7], [sflag:s8] =	dma.local @!p0 [hbm:s6], $0xF7A  }
0x23: {  	s9 =	sor.u32 $0xD0000000, s2;
	s6 =	simm.s32 $0x108;
	_ =	swait.ge @!p0 [sflag:s8], $0x0  }
0x24: {  	s3 =	sadd.s32 $0x88, s3;
	s6 =	simm.s32 @!p1 $0x1082;
	[sflag:s4] =	ssyncset.s32 $0xFFFFF086  }
0x25: {  	[simem:s6], [sflag:s4] =	dma.local [hbm:s3], $0xF7A  }
0x26: {  	[smem:$0x3F96] =	sst s1;
	(tag) =	ssettag s2;
	_ =	strace s9  }
0x27: {  	s1 =	sld [smem:$0x3FA6]  }
0x28: {  	s2 =	sld [smem:$0x3FA7]  }
0x29: {  	s4 =	sld [smem:$0x3FA9]  }
0x2a: {  	p0 =	seq.s32 s5, $0x0;
	s5 =	sld [smem:$0x3FAA]  }
0x2b: {  	s6 =	sld [smem:$0x3FAB]  }
0x2c: {  	s7 =	sld [smem:$0x3FAC]  }
0x2d: {  	s3 =	simm.s32 $0x108;
	s8 =	sld [smem:$0x3FAD]  }
0x2e: {  	s3 =	simm.s32 @!p0 $0x1082;
	s9 =	sld [smem:$0x3FAE]  }
0x2f: {  	lr =	sadd.s32 s0, s3;
	s0 =	sld [smem:$0x3FA5]  }
0x30: {  	s3 =	sld [smem:$0x3FA8]  }
0x31: {  	[smem:$0x3FB1] =	sst s10  }
0x32: {  	s10 =	sld [smem:$0x3FAF];
	_ =	sdelay $0x3  }
0x33: {  	p0 =	seq.s32 s10, $0x1;
	s10 =	sld [smem:$0x3FB1];
	_ =	sdelay $0x3  }
0x34: {  	[smem:$0x3FB1] =	sst s10  }
0x35: {  	s10 =	sld [smem:$0x3FB0];
	_ =	sdelay $0x3  }
0x36: {  	p1 =	seq.s32 s10, $0x1;
	s10 =	sld [smem:$0x3FB1];
	_ =	sdelay $0x3  }
0x37: {  	[smem:$0x3FB1] =	sst s10  }
0x38: {  	s10 =	sld [smem:$0x3FB2]  }
0x39: {  	_ = 	snop;
	(pc) =	sbr.ind lr, $3  }
0x3a: {  	_ = 	snop  }
0x3b: {  	_ = 	snop  }
0x3c: {  	p2 =	seq.s32 s10, $0x1;
	s10 =	sld [smem:$0x3FB1]  }
0x3d: {  	_ =	shalt  }
0x3e: {  	_ =	shalt  }
0x3f: {  	_ =	shalt  }
0x40: {  	_ =	shalt  }
0x41: {  	_ =	shalt  }
0x42: {  	_ =	shalt  }
0x43: {  	_ =	shalt  }
0x44: {  	_ =	shalt  }
0x45: {  	_ =	shalt  }
0x46: {  	_ =	shalt  }
0x47: {  	_ =	shalt  }
0x48: {  	_ =	shalt  }
0x49: {  	_ =	shalt  }
0x4a: {  	_ =	shalt  }
0x4b: {  	_ =	shalt  }
0x4c: {  	_ =	shalt  }
0x4d: {  	_ =	shalt  }
0x4e: {  	_ =	shalt  }
0x4f: {  	_ =	shalt  }
0x50: {  	_ =	shalt  }
0x51: {  	_ =	shalt  }
0x52: {  	_ =	shalt  }
0x53: {  	_ =	shalt  }
0x54: {  	_ =	shalt  }
0x55: {  	_ =	shalt  }
0x56: {  	_ =	shalt  }
0x57: {  	_ =	shalt  }
0x58: {  	_ =	shalt  }
0x59: {  	_ =	shalt  }
0x5a: {  	_ =	shalt  }
0x5b: {  	_ =	shalt  }
0x5c: {  	_ =	shalt  }
0x5d: {  	_ =	shalt  }
0x5e: {  	_ =	shalt  }
0x5f: {  	_ =	shalt  }
0x60: {  	_ =	shalt  }
0x61: {  	_ =	shalt  }
0x62: {  	_ =	shalt  }
0x63: {  	_ =	shalt  }
0x64: {  	_ =	shalt  }
0x65: {  	_ =	shalt  }
0x66: {  	_ =	shalt  }
0x67: {  	_ =	shalt  }
0x68: {  	_ =	shalt  }
0x69: {  	_ =	shalt  }
0x6a: {  	_ =	shalt  }
0x6b: {  	_ =	shalt  }
0x6c: {  	_ =	shalt  }
0x6d: {  	_ =	shalt  }
0x6e: {  	_ =	shalt  }
0x6f: {  	_ =	shalt  }
0x70: {  	_ =	shalt  }
0x71: {  	_ =	shalt  }
0x72: {  	_ =	shalt  }
0x73: {  	_ =	shalt  }
0x74: {  	_ =	shalt  }
0x75: {  	_ =	shalt  }
0x76: {  	_ =	shalt  }
0x77: {  	_ =	shalt  }
0x78: {  	_ =	shalt  }
0x79: {  	_ =	shalt  }
0x7a: {  	_ =	shalt  }
0x7b: {  	_ =	shalt  }
0x7c: {  	_ =	shalt  }
0x7d: {  	_ =	shalt  }
0x7e: {  	_ =	shalt  }
0x7f: {  	_ =	shalt  }
0x80: {  	_ =	shalt  }
0x81: {  	_ =	shalt  }
0x82: {  	_ =	shalt  }
0x83: {  	_ =	shalt  }
0x84: {  	_ =	shalt  }
0x85: {  	_ =	shalt  }
0x86: {  	_ =	shalt  }
0x87: {  	_ =	shalt  }
.Lfunc_end0:
.L_simem_size_0:
called_computation.2_lowered:
.L_overlay_start_0:
0x88: {  	s2 =	sld [smem:$0x3FD9]  }
0x89: {  	s3 =	sld [smem:$0x3FFE];
	_ =	sdelay $0x1  }
0x8a: {  	s1 =	srdreg.scid  }
0x8b: {  	s0 =	sand.u32 $0x1, s1  }
0x8c: {  	s16 =	sshll.u32 s0, $0xA;
	s2 =	sadd.s32 s3, s2  }
0x8d: {  	s2 =	sadd.s32 s2, s16  }
0x8e: {  	[smem:$0x3FBD] =	sst s2  }
0x8f: {  	_ = 	snop  }
0x90: {  	(tm) =	ssettm $0x1  }
0x91: {  	s17 =	sld [smem:$0x3FFB];
	_ =	sdelay $0x3  }
0x92: {  	_ =	strace s17  }
0x93: {  	s2 =	sld [smem:$0x3FFC];
	_ =	sdelay $0x3  }
0x94: {  	_ =	strace s2  }
0x95: {  	s2 =	sld [smem:$0x3FFD];
	_ =	sdelay $0x3  }
0x96: {  	_ =	strace s2  }
0x97: {  	_ =	strace $0x8FFFFFFF  }
0x98: {  	s18 =	sld [smem:$0x3FDB];
	_ =	sdelay $0x1  }
0x99: {  	s19 =	simm.s32 $_scs_section_size  }
0x9a: {  	s4 =	simm.s32 $_size__tile_overlayer_lowered;
	s5 =	simm.s32 $_tile_overlayer_lowered  }
0x9b: {  	s22 =	simm.s32 $0x1BFF;
	s21 =	sshll.u32 s5, $0x1;
	s2 =	sadd.s32 s19, s18  }
0x9c: {  	s6 =	simm.s32 $0x0;
	s20 =	sshll.u32 s4, $0x1;
	s4 =	sadd.s32 s21, s2  }
0x9d: {  	[timem:s6], [sflag:s22] =	dma.local [hbm:s4], s20  }
0x9e: {  	_ =	swait.ge [sflag:s22], s20  }
0x9f: {  	s3 =	ssub.s32 $0x0, s20;
	[sflag:s22] =	ssyncset.done $0x0  }
0xa0: {  	[sflag:s22] =	ssyncadd.s32 s3;
	_ =	sdelay $0x1  }
0xa1: {  	s23 =	simm.s32 $0x1B8B  }
0xa2: {  	_ =	swait.ge [sflag:s23], $0x1  }
0xa3: {  	[sflag:s23] =	ssyncset.done $0x0  }
0xa4: {  	s25 =	simm.s32 $0x1B8E;
	s24 =	sld [smem:$0x3FFE];
	[sflag:s23] =	ssyncadd.s32 $0xFFFFFFFF  }
0xa5: {  	s26 =	simm.s32 $execute0_lowered;
	[smem:$0x3FD2] =	sst s25  }
0xa6: {  	s4 =	sshll.u32 s26, $0x1;
	_ =	strace $0x8000004C;
	[dreg:$0x1] =	wrdreg $0xFFFFFFFF  }
0xa7: {  	s28 =	simm.s32 $_size_execute0_lowered;
	s2 =	sadd.s32 s2, s4;
	[dreg:$0x0] =	wrdreg $0x0  }
0xa8: {  	s4 =	sshll.u32 s28, $0x1;
	[dreg:$0x2] =	wrdreg s2  }
0xa9: {  	[dreg:$0x3] =	wrdreg s4  }
0xaa: {  	[dreg:$0x4] =	wrdreg $0xC0  }
0xab: {  	_ =	task [dreg:s6], $0x5FFFF  }
0xac: {  	[dreg:$0x1] =	wrdreg $0xFFFFFFFF  }
0xad: {  	[dreg:$0x0] =	wrdreg $0x60  }
0xae: {  	[dreg:$0x2] =	wrdreg s24  }
0xaf: {  	[dreg:$0x3] =	wrdreg $0xE0000  }
0xb0: {  	[dreg:$0x4] =	wrdreg $0x9  }
0xb1: {  	_ =	task.clear_ibuf [dreg:s6], $0x5FFFF;
	_ =	strace $0x9000004C  }
0xb2: {  	s29 =	simm.s32 $0x9;
	_ =	strace $0x8000004E  }
0xb3: {  	_ =	swait.ge [sflag:s29], $0x1  }
0xb4: {  	[sflag:s29] =	ssyncadd.s32 $0xFFFFFFFF  }
0xb5: {  	_ =	strace $0x9000004E  }
0xb6: {  	_ =	sfence  }
0xb7: {  	s30 =	sld [smem:$0x0];
	_ =	sdelay $0x2  }
0xb8: {  	s31 =	sshll.u32 s1, $0xD;
	s1 =	sshrl.u32 s1, $0x2  }
0xb9: {  	s3 =	sand.u32 $0x4000, s31;
	s1 =	sadd.s32 s1, s30  }
0xba: {  	s0 =	sor.u32 s3, s0;
	s1 =	sshll.u32 s1, $0x11  }
0xbb: {  	s0 =	sor.u32 s1, s0  }
0xbc: {  	s0 =	sadd.s32 $0x8F2B, s0  }
0xbd: {  	[sflag:s0] =	ssyncadd.remote.s32 $0x1  }
0xbe: {  	_ =	sfence.sel $0xFFFF  }
0xbf: {  	[dreg:$0x0] =	wrdreg $0xFFFFFFFF;
	(pc) =	sbr.abs _section_cstart, $3  }
0xc0: {  	[dreg:$0x1] =	wrdreg $0xFFFFFFFF  }
0xc1: {  	_ =	task.clear_ibuf [dreg:s6], $0x2FFFF;
	_ =	strace $0x9FFFFFFF  }
0xc2: {  	(tm) =	ssettm $0x7FFFFFFF  }
0xc3: {  	_ =	shalt  }
tec
execute0_lowered:
.L_overlay_start_1:
0x0: {  	(tag) =	ssettag $0x1  }
0x1: {  	s0 =	rddreg [dreg:$0x0]  }
0x2: {  	s2 =	rddreg [dreg:$0x1];
	s1 =	srdreg.scid  }
0x3: {  	s8 =	stileid.u32;
	s3 =	simm.s32 $0x0;
	s29 =	simm.s32 $0x9000  }
0x4: {  	s30 =	simm.s32 $0x2;
	s28 =	simm.s32 $0x3;
	s31 =	simm.s32 $0x4  }
0x5: {  	s1 =	sand.u32 $0x1, s1;
	s5 =	smul.u32 $0x14000, s8;
	[smem:$0x7FF] =	sst s3  }
0x6: {  	s9 =	sadd.s32 $0x1FC00, s0;
	s4 =	sshll.u32 s1, $0x4;
	s6 =	smul.u32 $0x140000, s1  }
0x7: {  	_ =	strace $0x8000004D;
	[dreg:$0x3] =	wrdreg s9;
	s1 =	ssub.s32 $0x2, s1  }
0x8: {  	s9 =	simm.s32 $0x0;
	s4 =	sor.u32 s8, s4;
	s8 =	smul.u32 $0x28000, s8  }
0x9: {  	s18 =	sshrl.u32 s1, $0x1;
	s7 =	smul.u32 $0x500, s4;
	s4 =	sadd.s32 $0x6FE00, s0  }
0xa: {  	s6 =	sadd.s32 s5, s6;
	s5 =	sshrl.u32 s5, $0x1;
	s1 =	ssub.s32 s1, s18  }
0xb: {  	s6 =	sshrl.u32 s6, $0x4;
	s17 =	sshrl.u32 s8, $0x2;
	s8 =	simm.s32 $0x8  }
0xc: {  	s7 =	sadd.s32 s7, s0;
	s0 =	sadd.s32 s6, s0;
	s19 =	sadd.s32 s17, s2  }
0xd: {  	s6 =	sadd.s32 s5, s2;
	s5 =	simm.s32 $0x6;
	s20 =	sadd.s32 $0x1000, s19  }
0xe: {  	s21 =	sadd.s32 $0x2000, s19;
	s22 =	sadd.s32 $0x3000, s19;
	s23 =	sadd.s32 $0x4000, s19  }
0xf: {  	s24 =	sadd.s32 $0x5000, s19;
	s25 =	sadd.s32 $0x6000, s19;
	[dreg:$0x4] =	wrdreg s20  }
0x10: {  	s26 =	sadd.s32 $0x7000, s19;
	s14 =	sadd.s32 $0x8000, s19;
	[dreg:$0x5] =	wrdreg s21  }
0x11: {  	s15 =	sadd.s32 $0x9000, s19;
	s16 =	sadd.s32 $0x15C00, s7;
	[dreg:$0x6] =	wrdreg s22  }
0x12: {  	s17 =	sadd.s32 $0x1C00, s7;
	s18 =	sadd.s32 $0x83E00, s0;
	[dreg:$0x7] =	wrdreg s23  }
.Ltmp0:
0x13: {  	s19 =	smax.u32 s1, $0x1;
	[dreg:$0x8] =	wrdreg s24;
	(pc) =	sbr.rel .LBB2_1-.Ltmp0, $4  }
0x14: {  	s1 =	simm.s32 $0xB000;
	s0 =	simm.s32 $0x5;
	[dreg:$0x9] =	wrdreg s25  }
0x15: {  	s7 =	simm.s32 $0x7;
	[dreg:$0xa] =	wrdreg s26;
	s20 =	simm.s32 $0xD000  }
0x16: {  	s21 =	simm.s32 $0x9;
	s22 =	simm.s32 $0x2800;
	s23 =	simm.s32 $0x80  }
0x17: {  	s24 =	simm.s32 $0x5000;
	s25 =	simm.s32 $0x7000;
	s26 =	simm.s32 $0x1  }
.LBB2_4:
0x18: {  	_ =	swait.ge [sflag:s31], $0x2000  }
0x19: {  	[sflag:s31] =	ssyncset.done $0x0  }
0x1a: {  	[sflag:s31] =	ssyncadd.s32 $0xFFFFE000  }
0x1b: {  	[spmem:s2] =	stream.indirect.scatter.add.bf16 [tilespmem:s1], [sflag:$0x8], $0x40, s12, s23, $0xb8;
	[tilespmem:$0x18000] =	vst v63  }
0x1c: {  	_ =	swait.ge [sflag:s0], $0x2000  }
0x1d: {  	[sflag:s0] =	ssyncset.done $0x0  }
0x1e: {  	[sflag:s0] =	ssyncadd.s32 $0xFFFFE000  }
0x1f: {  	_ =	swait.ge [sflag:s5], $0x2000  }
0x20: {  	[sflag:s5] =	ssyncset.done $0x0  }
0x21: {  	[sflag:s5] =	ssyncadd.s32 $0xFFFFE000  }
0x22: {  	_ =	swait.ge [sflag:s7], $0x2000  }
0x23: {  	[sflag:s7] =	ssyncset.done $0x0  }
0x24: {  	[sflag:s7] =	ssyncadd.s32 $0xFFFFE000  }
0x25: {  	s10 =	stileid.u32;
	_ =	swait.ge [sflag:s8], $0x2000  }
0x26: {  	s11 =	sshrl.u32 s6, $0x3;
	s9 =	sadd.s32 $0x1, s9;
	[sflag:s8] =	ssyncset.done $0x0  }
0x27: {  	s10 =	sshll.u32 s10, $0x6;
	p0 =	sne.s32 s9, s19;
	[sflag:s8] =	ssyncadd.s32 $0xFFFFE000  }
.Ltmp1:
0x28: {  	s10 =	sor.u32 $0x1C09, s10;
	[bflag:$0x0] =	sbarrier.arrive $0xFFFF;
	(pc) =	sbr.rel @!p0 .LBB2_5-.Ltmp1, $4  }
0x29: {  	[hbm:s18], [sflag:s10] =	dma.local [spmem:s11], $0x1400  }
0x2a: {  	_ =	swait.ge [sflag:s21], $0x1400  }
0x2b: {  	[sflag:s21] =	ssyncset.done $0x0  }
0x2c: {  	[sflag:s21] =	ssyncadd.s32 $0xFFFFEC00  }
.LBB2_1:
0x2d: {  	s10 =	rddreg [dreg:$0x3]  }
0x2e: {  	[tilespmem:s20], [sflag:$0x9] =	stream.linear.gather [hbm4b:s10+s3], $0x1000, $0x38;
	[tilespmem:$0x18000] =	vst v63  }
0x2f: {  	_ =	swait.ge [sflag:s21], $0x1000  }
0x30: {  	[sflag:s21] =	ssyncset.done $0x0  }
0x31: {  	[sflag:s21] =	ssyncadd.s32 $0xFFFFF000  }
0x32: {  	[spmem:s6] =	stream.linear.scatter [tilespmem:s20], [sflag:$0x9], $0x1000, $0x38;
	[tilespmem:$0x18000] =	vst v63  }
0x33: {  	_ =	swait.ge [sflag:s21], $0x1000  }
0x34: {  	[sflag:s21] =	ssyncset.done $0x0  }
0x35: {  	s12 =	rddreg [dreg:$0x4];
	[sflag:s21] =	ssyncadd.s32 $0xFFFFF000  }
0x36: {  	[spmem:s12] =	stream.linear.scatter [tilespmem:s20], [sflag:$0x9], $0x1000, $0x38;
	[tilespmem:$0x18000] =	vst v63  }
0x37: {  	_ =	swait.ge [sflag:s21], $0x1000  }
0x38: {  	[sflag:s21] =	ssyncset.done $0x0  }
0x39: {  	s13 =	rddreg [dreg:$0x5];
	[sflag:s21] =	ssyncadd.s32 $0xFFFFF000  }
0x3a: {  	[spmem:s13] =	stream.linear.scatter [tilespmem:s20], [sflag:$0x9], $0x1000, $0x38;
	[tilespmem:$0x18000] =	vst v63  }
0x3b: {  	_ =	swait.ge [sflag:s21], $0x1000  }
0x3c: {  	[sflag:s21] =	ssyncset.done $0x0  }
0x3d: {  	s11 =	rddreg [dreg:$0x6];
	[sflag:s21] =	ssyncadd.s32 $0xFFFFF000  }
0x3e: {  	[spmem:s11] =	stream.linear.scatter [tilespmem:s20], [sflag:$0x9], $0x1000, $0x38;
	[tilespmem:$0x18000] =	vst v63  }
0x3f: {  	_ =	swait.ge [sflag:s21], $0x1000  }
0x40: {  	[sflag:s21] =	ssyncset.done $0x0  }
0x41: {  	s12 =	rddreg [dreg:$0x7];
	[sflag:s21] =	ssyncadd.s32 $0xFFFFF000  }
0x42: {  	[spmem:s12] =	stream.linear.scatter [tilespmem:s20], [sflag:$0x9], $0x1000, $0x38;
	[tilespmem:$0x18000] =	vst v63  }
0x43: {  	_ =	swait.ge [sflag:s21], $0x1000  }
0x44: {  	[sflag:s21] =	ssyncset.done $0x0  }
0x45: {  	s13 =	rddreg [dreg:$0x8];
	[sflag:s21] =	ssyncadd.s32 $0xFFFFF000  }
0x46: {  	[spmem:s13] =	stream.linear.scatter [tilespmem:s20], [sflag:$0x9], $0x1000, $0x38;
	[tilespmem:$0x18000] =	vst v63  }
0x47: {  	_ =	swait.ge [sflag:s21], $0x1000  }
0x48: {  	[sflag:s21] =	ssyncset.done $0x0  }
0x49: {  	s11 =	rddreg [dreg:$0x9];
	[sflag:s21] =	ssyncadd.s32 $0xFFFFF000  }
0x4a: {  	[spmem:s11] =	stream.linear.scatter [tilespmem:s20], [sflag:$0x9], $0x1000, $0x38;
	[tilespmem:$0x18000] =	vst v63  }
0x4b: {  	_ =	swait.ge [sflag:s21], $0x1000  }
0x4c: {  	[sflag:s21] =	ssyncset.done $0x0  }
0x4d: {  	s12 =	rddreg [dreg:$0xa];
	[sflag:s21] =	ssyncadd.s32 $0xFFFFF000  }
0x4e: {  	[spmem:s12] =	stream.linear.scatter [tilespmem:s20], [sflag:$0x9], $0x1000, $0x38;
	[tilespmem:$0x18000] =	vst v63  }
0x4f: {  	_ =	swait.ge [sflag:s21], $0x1000  }
0x50: {  	[sflag:s21] =	ssyncset.done $0x0  }
0x51: {  	[sflag:s21] =	ssyncadd.s32 $0xFFFFF000  }
0x52: {  	[spmem:s14] =	stream.linear.scatter [tilespmem:s20], [sflag:$0x9], $0x1000, $0x38;
	[tilespmem:$0x18000] =	vst v63  }
0x53: {  	_ =	swait.ge [sflag:s21], $0x1000  }
0x54: {  	[sflag:s21] =	ssyncset.done $0x0  }
0x55: {  	[sflag:s21] =	ssyncadd.s32 $0xFFFFF000  }
0x56: {  	[spmem:s15] =	stream.linear.scatter [tilespmem:s20], [sflag:$0x9], $0x1000, $0x38;
	[tilespmem:$0x18000] =	vst v63  }
0x57: {  	_ =	swait.ge [sflag:s21], $0x1000  }
0x58: {  	[sflag:s21] =	ssyncset.done $0x0  }
0x59: {  	[sflag:s21] =	ssyncadd.s32 $0xFFFFF000  }
0x5a: {  	[tilespmem:s3], [sflag:$0x9] =	stream.linear.gather [hbm4b:s16+s3], $0x2800, $0x38;
	[tilespmem:$0x18000] =	vst v63  }
0x5b: {  	_ =	swait.ge [sflag:s21], $0x2800  }
0x5c: {  	[sflag:s21] =	ssyncset.done $0x0  }
0x5d: {  	[sflag:s21] =	ssyncadd.s32 $0xFFFFD800  }
0x5e: {  	[tilespmem:s22], [sflag:$0x9] =	stream.linear.gather [hbm4b:s17+s3], $0x2800, $0x38;
	[tilespmem:$0x18000] =	vst v63  }
0x5f: {  	_ =	swait.ge [sflag:s21], $0x2800  }
0x60: {  	[sflag:s21] =	ssyncset.done $0x0  }
0x61: {  	[sflag:s21] =	ssyncadd.s32 $0xFFFFD800  }
0x62: {  	[bflag:$0x0] =	sbarrier.arrive $0xFFFF  }
0x63: {  	[tilespmem:s24], [sflag:$0x1] =	stream.indirect.gather [hbm4b:s4+s23], $0x40, s3, s23, $0xb8;
	[tilespmem:$0x18000] =	vst v63  }
0x64: {  	_ = 	snop  }
0x65: {  	[tilespmem:s25], [sflag:$0x2] =	stream.indirect.gather [hbm4b:s4+s23], $0x40, s23, s23, $0xb8;
	[tilespmem:$0x18000] =	vst v63  }
0x66: {  	_ =	swait.ge [sflag:s26], $0x2000  }
0x67: {  	[sflag:s26] =	ssyncset.done $0x0  }
0x68: {  	[sflag:s26] =	ssyncadd.s32 $0xFFFFE000  }
0x69: {  	[spmem:s2] =	stream.indirect.scatter.add.bf16 [tilespmem:s24], [sflag:$0x5], $0x40, s22, s23, $0xb8;
	[tilespmem:$0x18000] =	vst v63  }
0x6a: {  	s13 =	simm.s32 $0x100  }
0x6b: {  	[tilespmem:s29], [sflag:$0x3] =	stream.indirect.gather [hbm4b:s4+s23], $0x40, s13, s23, $0xb8;
	[tilespmem:$0x18000] =	vst v63  }
0x6c: {  	_ =	swait.ge [sflag:s30], $0x2000  }
0x6d: {  	[sflag:s30] =	ssyncset.done $0x0  }
0x6e: {  	s11 =	simm.s32 $0x2880;
	[sflag:s30] =	ssyncadd.s32 $0xFFFFE000  }
0x6f: {  	[spmem:s2] =	stream.indirect.scatter.add.bf16 [tilespmem:s25], [sflag:$0x6], $0x40, s11, s23, $0xb8;
	[tilespmem:$0x18000] =	vst v63  }
0x70: {  	s12 =	simm.s32 $0x180  }
0x71: {  	[tilespmem:s1], [sflag:$0x4] =	stream.indirect.gather [hbm4b:s4+s23], $0x40, s12, s23, $0xb8;
	[tilespmem:$0x18000] =	vst v63  }
0x72: {  	_ =	swait.ge [sflag:s28], $0x2000  }
0x73: {  	[sflag:s28] =	ssyncset.done $0x0  }
0x74: {  	s13 =	simm.s32 $0x2900;
	[sflag:s28] =	ssyncadd.s32 $0xFFFFE000  }
0x75: {  	[spmem:s2] =	stream.indirect.scatter.add.bf16 [tilespmem:s29], [sflag:$0x7], $0x40, s13, s23, $0xb8;
	[tilespmem:$0x18000] =	vst v63  }
0x76: {  	_ =	swait.ge [sflag:s0], $0x2000  }
0x77: {  	[sflag:s0] =	ssyncset.done $0x0  }
0x78: {  	s11 =	simm.s32 $0x200;
	[sflag:s0] =	ssyncadd.s32 $0xFFFFE000  }
0x79: {  	[tilespmem:s24], [sflag:$0x1] =	stream.indirect.gather [hbm4b:s4+s23], $0x40, s11, s23, $0xb8;
	[tilespmem:$0x18000] =	vst v63  }
0x7a: {  	_ =	swait.ge [sflag:s31], $0x2000  }
0x7b: {  	[sflag:s31] =	ssyncset.done $0x0  }
0x7c: {  	s12 =	simm.s32 $0x2980;
	[sflag:s31] =	ssyncadd.s32 $0xFFFFE000  }
0x7d: {  	[spmem:s2] =	stream.indirect.scatter.add.bf16 [tilespmem:s1], [sflag:$0x8], $0x40, s12, s23, $0xb8;
	[tilespmem:$0x18000] =	vst v63  }
0x7e: {  	_ =	swait.ge [sflag:s5], $0x2000  }
0x7f: {  	[sflag:s5] =	ssyncset.done $0x0  }
0x80: {  	s10 =	simm.s32 $0x0;
	s13 =	simm.s32 $0x280;
	[sflag:s5] =	ssyncadd.s32 $0xFFFFE000  }
0x81: {  	[tilespmem:s25], [sflag:$0x2] =	stream.indirect.gather [hbm4b:s4+s23], $0x40, s13, s23, $0xb8;
	[tilespmem:$0x18000] =	vst v63  }
.LBB2_2:
0x82: {  	_ =	swait.ge [sflag:s26], $0x2000  }
0x83: {  	s11 =	sshra.s32 s10, $0x2;
	[sflag:s26] =	ssyncset.done $0x0  }
0x84: {  	s12 =	sadd.s32 $0x2A00, s11;
	[sflag:s26] =	ssyncadd.s32 $0xFFFFE000  }
0x85: {  	[spmem:s2] =	stream.indirect.scatter.add.bf16 [tilespmem:s24], [sflag:$0x5], $0x40, s12, s23, $0xb8;
	[tilespmem:$0x18000] =	vst v63  }
0x86: {  	_ =	swait.ge [sflag:s7], $0x2000  }
0x87: {  	[sflag:s7] =	ssyncset.done $0x0  }
0x88: {  	s13 =	sadd.s32 $0x300, s11;
	[sflag:s7] =	ssyncadd.s32 $0xFFFFE000  }
0x89: {  	[tilespmem:s29], [sflag:$0x3] =	stream.indirect.gather [hbm4b:s4+s23], $0x40, s13, s23, $0xb8;
	[tilespmem:$0x18000] =	vst v63  }
0x8a: {  	_ =	swait.ge [sflag:s30], $0x2000  }
0x8b: {  	[sflag:s30] =	ssyncset.done $0x0  }
0x8c: {  	s13 =	sadd.s32 $0x2A80, s11;
	[sflag:s30] =	ssyncadd.s32 $0xFFFFE000  }
0x8d: {  	[spmem:s2] =	stream.indirect.scatter.add.bf16 [tilespmem:s25], [sflag:$0x6], $0x40, s13, s23, $0xb8;
	[tilespmem:$0x18000] =	vst v63  }
0x8e: {  	_ =	swait.ge [sflag:s8], $0x2000  }
0x8f: {  	[sflag:s8] =	ssyncset.done $0x0  }
0x90: {  	p0 =	seq.s32 s10, $0x9000;
	s13 =	sadd.s32 $0x380, s11;
	[sflag:s8] =	ssyncadd.s32 $0xFFFFE000  }
0x91: {  	[tilespmem:s1], [sflag:$0x4] =	stream.indirect.gather [hbm4b:s4+s23], $0x40, s13, s23, $0xb8;
	[tilespmem:$0x18000] =	vst v63  }
.Ltmp2:
0x92: {  	_ = 	snop;
	(pc) =	sbr.rel @p0 .LBB2_4-.Ltmp2, $4  }
0x93: {  	_ =	swait.ge [sflag:s28], $0x2000  }
0x94: {  	[sflag:s28] =	ssyncset.done $0x0  }
0x95: {  	s12 =	sadd.s32 $0x2B80, s11;
	s13 =	sadd.s32 $0x2B00, s11;
	[sflag:s28] =	ssyncadd.s32 $0xFFFFE000  }
0x96: {  	[spmem:s2] =	stream.indirect.scatter.add.bf16 [tilespmem:s29], [sflag:$0x7], $0x40, s13, s23, $0xb8;
	[tilespmem:$0x18000] =	vst v63  }
0x97: {  	_ =	swait.ge [sflag:s0], $0x2000  }
0x98: {  	[sflag:s0] =	ssyncset.done $0x0  }
0x99: {  	s13 =	sadd.s32 $0x400, s11;
	[sflag:s0] =	ssyncadd.s32 $0xFFFFE000  }
0x9a: {  	[tilespmem:s24], [sflag:$0x1] =	stream.indirect.gather [hbm4b:s4+s23], $0x40, s13, s23, $0xb8;
	[tilespmem:$0x18000] =	vst v63  }
0x9b: {  	_ =	swait.ge [sflag:s31], $0x2000  }
0x9c: {  	[sflag:s31] =	ssyncset.done $0x0  }
0x9d: {  	[sflag:s31] =	ssyncadd.s32 $0xFFFFE000  }
0x9e: {  	[spmem:s2] =	stream.indirect.scatter.add.bf16 [tilespmem:s1], [sflag:$0x8], $0x40, s12, s23, $0xb8;
	[tilespmem:$0x18000] =	vst v63  }
.Ltmp3:
0x9f: {  	_ = 	snop;
	(pc) =	sbr.rel .LBB2_2-.Ltmp3, $4  }
0xa0: {  	_ =	swait.ge [sflag:s5], $0x2000  }
0xa1: {  	[sflag:s5] =	ssyncset.done $0x0  }
0xa2: {  	s10 =	sadd.s32 $0x800, s10;
	s13 =	sadd.s32 $0x480, s11;
	[sflag:s5] =	ssyncadd.s32 $0xFFFFE000  }
0xa3: {  	[tilespmem:s25], [sflag:$0x2] =	stream.indirect.gather [hbm4b:s4+s23], $0x40, s13, s23, $0xb8;
	[tilespmem:$0x18000] =	vst v63  }
.LBB2_5:
0xa4: {  	_ =	sfence.sel $0x180000  }
0xa5: {  	[bflag:$0x0] =	sbarrier.arrive $0xFFFF  }
0xa6: {  	_ =	strace $0x9000004D  }
0xa7: {  	s0 =	stileid.u32;
	[bflag:$0x2] =	sbarrier.arrive $0xFFFF  }
0xa8: {  	p0 =	sne.s32 s0, $0x0;
	s0 =	rddreg [dreg:$0x2]  }
0xa9: {  	s0 =	sadd.s32 @!p0 $0x100000, s0  }
0xaa: {  	[sflag:s0] =	ssyncadd.tile.s32 @!p0 $0x1;
	_ =	shalt  }
.Lfunc_end2:
_tile_overlayer_lowered:
.L_overlay_start_2:
0xab: {  	(tag) =	ssettag $0x2  }
0xac: {  	s0 =	rddreg [dreg:$0x0];
	s2 =	stileid.u32  }
0xad: {  	s1 =	rddreg [dreg:$0x1];
	p0 =	sne.s32 s2, $0x0  }
0xae: {  	s3 =	rddreg [dreg:$0x2];
	[bflag:$0x3] =	sbarrier.arrive $0xFFFF;
	s2 =	simm.s32 @!p0 $0x1C09  }
0xaf: {  	[timem:s3], [sflag:s2] =	dma.local @!p0 [hbm:s0], s1  }
0xb0: {  	s0 =	simm.s32 @!p0 $0x9  }
0xb1: {  	_ =	swait.ge @!p0 [sflag:s0], s1  }
0xb2: {  	s1 =	ssub.s32 @!p0 $0x0, s1;
	[sflag:s0] =	ssyncset.done @!p0 $0x0  }
0xb3: {  	[sflag:s0] =	ssyncadd.s32 @!p0 s1  }
0xb4: {  	[bflag:$0x3] =	sbarrier.arrive $0xFFFF  }
0xb5: {  	_ =	shalt  }

// kernel: _run.8.cloned.1.call-start
scs
__scs_entry_jumppad:
0x0: {  	(pc) =	sbr.rel $0x88, $3  }
0x1: {  	(tag) =	ssettag $0x0;
	lr =	simm.s32 $0x1  }
0x2: {  	[smem:$0x3F96] =	sst lr;
	_ =	strace $0xD0000000  }
0x3: {  	_ = 	snop  }
0x4: {  	_ = 	snop  }
0x5: {  	_ = 	snop  }
0x6: {  	_ = 	snop  }
0x7: {  	_ = 	snop  }
__scs_overlays_trampoline_lowered:
0x8: {  	[smem:$0x3FA5] =	sst s0  }
0x9: {  	[smem:$0x3FA6] =	sst s1  }
0xa: {  	[smem:$0x3FA7] =	sst s2  }
0xb: {  	[smem:$0x3FA8] =	sst s3  }
0xc: {  	[smem:$0x3FA9] =	sst s4  }
0xd: {  	[smem:$0x3FAA] =	sst s5  }
0xe: {  	[smem:$0x3FAB] =	sst s6  }
0xf: {  	[smem:$0x3FAC] =	sst s7  }
0x10: {  	[smem:$0x3FAD] =	sst s8  }
0x11: {  	[smem:$0x3FAE] =	sst s9;
	s0 =	simm.s32 @!p0 $0x0  }
0x12: {  	s1 =	sld [smem:$0x3F94];
	s0 =	simm.s32 @p0 $0x1  }
0x13: {  	[smem:$0x3FAF] =	sst s0;
	s0 =	simm.s32 @!p1 $0x0  }
0x14: {  	s2 =	sld [smem:$0x3F93];
	s0 =	simm.s32 @p1 $0x1  }
0x15: {  	[smem:$0x3FB0] =	sst s0;
	s0 =	simm.s32 @!p2 $0x0  }
0x16: {  	s3 =	sld [smem:$0x3FDB];
	s0 =	simm.s32 @p2 $0x1  }
0x17: {  	s4 =	simm.s32 $0x1BF5;
	[smem:$0x3FB2] =	sst s0  }
0x18: {  	s0 =	sld [smem:$0x3F95];
	_ =	swait.ge [sflag:s4], $0x0  }
0x19: {  	s7 =	sld [smem:$0x3F96]  }
0x1a: {  	s8 =	sadd.s32 $0xFFFFE003, lr  }
0x1b: {  	s9 =	sadd.s32 $0xFFFFFEF7, lr;
	s5 =	simm.s32 $0xFFFFFFFF;
	p2 =	slt.u32 s8, $0xFFFFF086  }
0x1c: {  	p1 =	slt.u32 s9, $0xF7A;
	s5 =	simm.s32 @!p2 $0x0  }
0x1d: {  	s5 =	simm.s32 @p1 $0x1;
	p0 =	seq.s32 s7, s2  }
0x1e: {  	s7 =	smul.u32 @!p0 $0xF7A, s2;
	p2 =	seq.s32 @!p0 s5, $0x0  }
0x1f: {  	s9 =	smul.u32 $0xF7A, s1;
	s8 =	simm.s32 @!p0 $0x1BF5;
	p2 =	por !p2, p0  }
0x20: {  	[sflag:s8] =	ssyncset.s32 @!p0 $0xFFFFF086;
	s6 =	sadd.s32 @!p0 s3, s7;
	s7 =	simm.s32 @!p0 $0x108  }
0x21: {  	s3 =	sadd.s32 s3, s9;
	s6 =	sadd.s32 @!p0 $0x88, s6;
	s7 =	simm.s32 @p2 $0x1082  }
0x22: {  	[simem:s7], [sflag:s8] =	dma.local @!p0 [hbm:s6], $0xF7A  }
0x23: {  	s9 =	sor.u32 $0xD0000000, s2;
	s6 =	simm.s32 $0x108;
	_ =	swait.ge @!p0 [sflag:s8], $0x0  }
0x24: {  	s3 =	sadd.s32 $0x88, s3;
	s6 =	simm.s32 @!p1 $0x1082;
	[sflag:s4] =	ssyncset.s32 $0xFFFFF086  }
0x25: {  	[simem:s6], [sflag:s4] =	dma.local [hbm:s3], $0xF7A  }
0x26: {  	[smem:$0x3F96] =	sst s1;
	(tag) =	ssettag s2;
	_ =	strace s9  }
0x27: {  	s1 =	sld [smem:$0x3FA6]  }
0x28: {  	s2 =	sld [smem:$0x3FA7]  }
0x29: {  	s4 =	sld [smem:$0x3FA9]  }
0x2a: {  	p0 =	seq.s32 s5, $0x0;
	s5 =	sld [smem:$0x3FAA]  }
0x2b: {  	s6 =	sld [smem:$0x3FAB]  }
0x2c: {  	s7 =	sld [smem:$0x3FAC]  }
0x2d: {  	s3 =	simm.s32 $0x108;
	s8 =	sld [smem:$0x3FAD]  }
0x2e: {  	s3 =	simm.s32 @!p0 $0x1082;
	s9 =	sld [smem:$0x3FAE]  }
0x2f: {  	lr =	sadd.s32 s0, s3;
	s0 =	sld [smem:$0x3FA5]  }
0x30: {  	s3 =	sld [smem:$0x3FA8]  }
0x31: {  	[smem:$0x3FB1] =	sst s10  }
0x32: {  	s10 =	sld [smem:$0x3FAF];
	_ =	sdelay $0x3  }
0x33: {  	p0 =	seq.s32 s10, $0x1;
	s10 =	sld [smem:$0x3FB1];
	_ =	sdelay $0x3  }
0x34: {  	[smem:$0x3FB1] =	sst s10  }
0x35: {  	s10 =	sld [smem:$0x3FB0];
	_ =	sdelay $0x3  }
0x36: {  	p1 =	seq.s32 s10, $0x1;
	s10 =	sld [smem:$0x3FB1];
	_ =	sdelay $0x3  }
0x37: {  	[smem:$0x3FB1] =	sst s10  }
0x38: {  	s10 =	sld [smem:$0x3FB2]  }
0x39: {  	_ = 	snop;
	(pc) =	sbr.ind lr, $3  }
0x3a: {  	_ = 	snop  }
0x3b: {  	_ = 	snop  }
0x3c: {  	p2 =	seq.s32 s10, $0x1;
	s10 =	sld [smem:$0x3FB1]  }
0x3d: {  	_ =	shalt  }
0x3e: {  	_ =	shalt  }
0x3f: {  	_ =	shalt  }
0x40: {  	_ =	shalt  }
0x41: {  	_ =	shalt  }
0x42: {  	_ =	shalt  }
0x43: {  	_ =	shalt  }
0x44: {  	_ =	shalt  }
0x45: {  	_ =	shalt  }
0x46: {  	_ =	shalt  }
0x47: {  	_ =	shalt  }
0x48: {  	_ =	shalt  }
0x49: {  	_ =	shalt  }
0x4a: {  	_ =	shalt  }
0x4b: {  	_ =	shalt  }
0x4c: {  	_ =	shalt  }
0x4d: {  	_ =	shalt  }
0x4e: {  	_ =	shalt  }
0x4f: {  	_ =	shalt  }
0x50: {  	_ =	shalt  }
0x51: {  	_ =	shalt  }
0x52: {  	_ =	shalt  }
0x53: {  	_ =	shalt  }
0x54: {  	_ =	shalt  }
0x55: {  	_ =	shalt  }
0x56: {  	_ =	shalt  }
0x57: {  	_ =	shalt  }
0x58: {  	_ =	shalt  }
0x59: {  	_ =	shalt  }
0x5a: {  	_ =	shalt  }
0x5b: {  	_ =	shalt  }
0x5c: {  	_ =	shalt  }
0x5d: {  	_ =	shalt  }
0x5e: {  	_ =	shalt  }
0x5f: {  	_ =	shalt  }
0x60: {  	_ =	shalt  }
0x61: {  	_ =	shalt  }
0x62: {  	_ =	shalt  }
0x63: {  	_ =	shalt  }
0x64: {  	_ =	shalt  }
0x65: {  	_ =	shalt  }
0x66: {  	_ =	shalt  }
0x67: {  	_ =	shalt  }
0x68: {  	_ =	shalt  }
0x69: {  	_ =	shalt  }
0x6a: {  	_ =	shalt  }
0x6b: {  	_ =	shalt  }
0x6c: {  	_ =	shalt  }
0x6d: {  	_ =	shalt  }
0x6e: {  	_ =	shalt  }
0x6f: {  	_ =	shalt  }
0x70: {  	_ =	shalt  }
0x71: {  	_ =	shalt  }
0x72: {  	_ =	shalt  }
0x73: {  	_ =	shalt  }
0x74: {  	_ =	shalt  }
0x75: {  	_ =	shalt  }
0x76: {  	_ =	shalt  }
0x77: {  	_ =	shalt  }
0x78: {  	_ =	shalt  }
0x79: {  	_ =	shalt  }
0x7a: {  	_ =	shalt  }
0x7b: {  	_ =	shalt  }
0x7c: {  	_ =	shalt  }
0x7d: {  	_ =	shalt  }
0x7e: {  	_ =	shalt  }
0x7f: {  	_ =	shalt  }
0x80: {  	_ =	shalt  }
0x81: {  	_ =	shalt  }
0x82: {  	_ =	shalt  }
0x83: {  	_ =	shalt  }
0x84: {  	_ =	shalt  }
0x85: {  	_ =	shalt  }
0x86: {  	_ =	shalt  }
0x87: {  	_ =	shalt  }
.Lfunc_end0:
.L_simem_size_0:
called_computation_lowered:
.L_overlay_start_0:
0x88: {  	s2 =	sld [smem:$0x3FD9]  }
0x89: {  	s3 =	sld [smem:$0x3FFE];
	_ =	sdelay $0x1  }
0x8a: {  	s1 =	srdreg.scid  }
0x8b: {  	s0 =	sand.u32 $0x1, s1  }
0x8c: {  	s14 =	sshll.u32 s0, $0xA;
	s2 =	sadd.s32 s3, s2  }
0x8d: {  	s2 =	sadd.s32 s2, s14  }
0x8e: {  	[smem:$0x3FBD] =	sst s2  }
0x8f: {  	_ = 	snop  }
0x90: {  	s2 =	sld [smem:$0x3FD0];
	_ =	sdelay $0x2  }
0x91: {  	s15 =	simm.s32 $0xA;
	s4 =	simm.s32 $0x10  }
0x92: {  	[smem:s4], [sflag:s15] =	dma.local [hbm:s2], $0x1  }
0x93: {  	_ =	swait.eq [sflag:s15], $0x1  }
0x94: {  	[sflag:s15] =	ssyncset.done $0x0  }
0x95: {  	s16 =	sld [smem:$0x10];
	[sflag:s15] =	ssyncadd.s32 $0xFFFFFFFF  }
0x96: {  	s17 =	sld [smem:$0x11];
	(tm) =	ssettm $0x1  }
0x97: {  	s18 =	sld [smem:$0x3FFB];
	_ =	sdelay $0x3  }
0x98: {  	_ =	strace s18  }
0x99: {  	s4 =	sld [smem:$0x3FFC];
	_ =	sdelay $0x3  }
0x9a: {  	_ =	strace s4  }
0x9b: {  	s4 =	sld [smem:$0x3FFD];
	_ =	sdelay $0x3  }
0x9c: {  	_ =	strace s4  }
0x9d: {  	_ =	strace $0x8FFFFFFF  }
0x9e: {  	s19 =	sld [smem:$0x3FDB];
	_ =	sdelay $0x1  }
0x9f: {  	s5 =	simm.s32 $_scs_section_size  }
0xa0: {  	s6 =	simm.s32 $_size__tile_overlayer_lowered;
	s7 =	simm.s32 $_tile_overlayer_lowered  }
0xa1: {  	s22 =	simm.s32 $0x1BFF;
	s21 =	sshll.u32 s7, $0x1;
	s4 =	sadd.s32 s5, s19  }
0xa2: {  	s8 =	simm.s32 $0x0;
	s20 =	sshll.u32 s6, $0x1;
	s6 =	sadd.s32 s21, s4  }
0xa3: {  	[timem:s8], [sflag:s22] =	dma.local [hbm:s6], s20  }
0xa4: {  	_ =	swait.ge [sflag:s22], s20  }
0xa5: {  	s5 =	ssub.s32 $0x0, s20;
	[sflag:s22] =	ssyncset.done $0x0  }
0xa6: {  	[sflag:s22] =	ssyncadd.s32 s5;
	_ =	sdelay $0x1  }
0xa7: {  	s23 =	simm.s32 $0x1B8B  }
0xa8: {  	_ =	swait.ge [sflag:s23], $0x1  }
0xa9: {  	[sflag:s23] =	ssyncset.done $0x0  }
0xaa: {  	s25 =	simm.s32 $0x1B8E;
	s24 =	sld [smem:$0x3FFE];
	[sflag:s23] =	ssyncadd.s32 $0xFFFFFFFF  }
0xab: {  	s26 =	simm.s32 $execute0_lowered;
	[smem:$0x3FD2] =	sst s25  }
0xac: {  	s6 =	sshll.u32 s26, $0x1;
	_ =	strace $0x80000046;
	[dreg:$0x1] =	wrdreg $0xFFFFFFFF  }
0xad: {  	s28 =	simm.s32 $_size_execute0_lowered;
	s4 =	sadd.s32 s4, s6;
	[dreg:$0x0] =	wrdreg $0x0  }
0xae: {  	s6 =	sshll.u32 s28, $0x1;
	[dreg:$0x2] =	wrdreg s4  }
0xaf: {  	[dreg:$0x3] =	wrdreg s6  }
0xb0: {  	[dreg:$0x4] =	wrdreg $0xC0  }
0xb1: {  	_ =	task [dreg:s8], $0x5FFFF  }
0xb2: {  	[dreg:$0x1] =	wrdreg $0xFFFFFFFF  }
0xb3: {  	[dreg:$0x0] =	wrdreg $0x60  }
0xb4: {  	[dreg:$0x2] =	wrdreg s24  }
0xb5: {  	[dreg:$0x3] =	wrdreg s17  }
0xb6: {  	[dreg:$0x4] =	wrdreg s16  }
0xb7: {  	[dreg:$0x5] =	wrdreg $0x34000  }
0xb8: {  	[dreg:$0x6] =	wrdreg $0x9  }
0xb9: {  	_ =	task.clear_ibuf [dreg:s8], $0x7FFFF;
	_ =	strace $0x90000046  }
0xba: {  	s29 =	simm.s32 $0x9;
	_ =	strace $0x80000048  }
0xbb: {  	_ =	swait.ge [sflag:s29], $0x1  }
0xbc: {  	[sflag:s29] =	ssyncadd.s32 $0xFFFFFFFF  }
0xbd: {  	_ =	strace $0x90000048  }
0xbe: {  	_ =	sfence  }
0xbf: {  	s30 =	sld [smem:$0x0];
	_ =	sdelay $0x2  }
0xc0: {  	s31 =	sshll.u32 s1, $0xD;
	s1 =	sshrl.u32 s1, $0x2  }
0xc1: {  	s3 =	sand.u32 $0x4000, s31;
	s1 =	sadd.s32 s1, s30  }
0xc2: {  	s0 =	sor.u32 s3, s0;
	s1 =	sshll.u32 s1, $0x11  }
0xc3: {  	s0 =	sor.u32 s1, s0  }
0xc4: {  	s0 =	sadd.s32 $0x8F2B, s0  }
0xc5: {  	[sflag:s0] =	ssyncadd.remote.s32 $0x1  }
0xc6: {  	_ =	sfence.sel $0xFFFF  }
0xc7: {  	[dreg:$0x0] =	wrdreg $0xFFFFFFFF;
	(pc) =	sbr.abs _section_cstart, $3  }
0xc8: {  	[dreg:$0x1] =	wrdreg $0xFFFFFFFF  }
0xc9: {  	_ =	task.clear_ibuf [dreg:s8], $0x2FFFF;
	_ =	strace $0x9FFFFFFF  }
0xca: {  	(tm) =	ssettm $0x7FFFFFFF  }
0xcb: {  	_ =	shalt  }
tec
execute0_lowered:
.L_overlay_start_1:
0x0: {  	(tag) =	ssettag $0x1  }
0x1: {  	s6 =	rddreg [dreg:$0x0]  }
0x2: {  	s1 =	rddreg [dreg:$0x1]  }
0x3: {  	s3 =	rddreg [dreg:$0x2]  }
0x4: {  	s0 =	srdreg.scid;
	s4 =	rddreg [dreg:$0x3]  }
0x5: {  	s5 =	simm.s32 $0x0;
	s19 =	simm.s32 $0x3000;
	s20 =	simm.s32 $0x1  }
0x6: {  	s21 =	simm.s32 $0x2800;
	s7 =	sand.u32 $0x1, s0;
	s0 =	stileid.u32  }
0x7: {  	s22 =	simm.s32 $0x80;
	s25 =	simm.s32 $0x0;
	s9 =	smul.u32 $0x2800, s0  }
0x8: {  	[smem:$0x7FF] =	sst s5;
	s2 =	sshll.u32 s7, $0x4;
	s10 =	smul.u32 $0x28000, s7  }
0x9: {  	s11 =	smul.u32 $0xA000, s0;
	s7 =	ssub.s32 $0x2, s7;
	s23 =	sshll.u32 s0, $0x6  }
0xa: {  	s2 =	sor.u32 s0, s2;
	s31 =	sshrl.u32 s7, $0x1;
	s23 =	sor.u32 $0x1C01, s23  }
0xb: {  	s8 =	smul.u32 $0x500, s2;
	s2 =	rddreg [dreg:$0x4];
	_ =	strace $0x80000047  }
0xc: {  	s30 =	sadd.s32 s9, s10;
	s11 =	sshrl.u32 s11, $0x2;
	s18 =	ssub.s32 s7, s31  }
0xd: {  	s15 =	sadd.s32 s11, s4;
	s18 =	smax.u32 s18, $0x1;
	s16 =	sadd.s32 s8, s6  }
0xe: {  	s8 =	sshrl.u32 s30, $0x3;
	s7 =	sadd.s32 $0x400, s15;
	s10 =	sadd.s32 $0x1000, s15  }
0xf: {  	s11 =	sadd.s32 $0x1400, s15;
	s12 =	sadd.s32 $0x1800, s15;
	s13 =	sadd.s32 $0x1C00, s15  }
0x10: {  	s14 =	sadd.s32 $0x2000, s15;
	s17 =	sadd.s32 s8, s6;
	s6 =	sadd.s32 s9, s4  }
0x11: {  	s8 =	sadd.s32 $0x800, s15;
	s9 =	sadd.s32 $0xC00, s15;
	s15 =	sadd.s32 $0x2400, s15  }
0x12: {  	s16 =	sadd.s32 $0x1C00, s16;
	s17 =	sadd.s32 $0xBC00, s17;
	s24 =	sshrl.u32 s6, $0x3  }
.LBB2_1:
0x13: {  	[tilespmem:s19], [sflag:$0x1] =	stream.linear.gather [hbm4b:s3+s5], $0x400, $0x38;
	[tilespmem:$0x5C00] =	vst v63  }
0x14: {  	_ =	swait.ge [sflag:s20], $0x400  }
0x15: {  	[sflag:s20] =	ssyncset.done $0x0  }
0x16: {  	[sflag:s20] =	ssyncadd.s32 $0xFFFFFC00  }
0x17: {  	[spmem:s6] =	stream.linear.scatter [tilespmem:s19], [sflag:$0x1], $0x400, $0x38;
	[tilespmem:$0x5C00] =	vst v63  }
0x18: {  	_ =	swait.ge [sflag:s20], $0x400  }
0x19: {  	[sflag:s20] =	ssyncset.done $0x0  }
0x1a: {  	[sflag:s20] =	ssyncadd.s32 $0xFFFFFC00  }
0x1b: {  	[spmem:s7] =	stream.linear.scatter [tilespmem:s19], [sflag:$0x1], $0x400, $0x38;
	[tilespmem:$0x5C00] =	vst v63  }
0x1c: {  	_ =	swait.ge [sflag:s20], $0x400  }
0x1d: {  	[sflag:s20] =	ssyncset.done $0x0  }
0x1e: {  	[sflag:s20] =	ssyncadd.s32 $0xFFFFFC00  }
0x1f: {  	[spmem:s8] =	stream.linear.scatter [tilespmem:s19], [sflag:$0x1], $0x400, $0x38;
	[tilespmem:$0x5C00] =	vst v63  }
0x20: {  	_ =	swait.ge [sflag:s20], $0x400  }
0x21: {  	[sflag:s20] =	ssyncset.done $0x0  }
0x22: {  	[sflag:s20] =	ssyncadd.s32 $0xFFFFFC00  }
0x23: {  	[spmem:s9] =	stream.linear.scatter [tilespmem:s19], [sflag:$0x1], $0x400, $0x38;
	[tilespmem:$0x5C00] =	vst v63  }
0x24: {  	_ =	swait.ge [sflag:s20], $0x400  }
0x25: {  	[sflag:s20] =	ssyncset.done $0x0  }
0x26: {  	[sflag:s20] =	ssyncadd.s32 $0xFFFFFC00  }
0x27: {  	[spmem:s10] =	stream.linear.scatter [tilespmem:s19], [sflag:$0x1], $0x400, $0x38;
	[tilespmem:$0x5C00] =	vst v63  }
0x28: {  	_ =	swait.ge [sflag:s20], $0x400  }
0x29: {  	[sflag:s20] =	ssyncset.done $0x0  }
0x2a: {  	[sflag:s20] =	ssyncadd.s32 $0xFFFFFC00  }
0x2b: {  	[spmem:s11] =	stream.linear.scatter [tilespmem:s19], [sflag:$0x1], $0x400, $0x38;
	[tilespmem:$0x5C00] =	vst v63  }
0x2c: {  	_ =	swait.ge [sflag:s20], $0x400  }
0x2d: {  	[sflag:s20] =	ssyncset.done $0x0  }
0x2e: {  	[sflag:s20] =	ssyncadd.s32 $0xFFFFFC00  }
0x2f: {  	[spmem:s12] =	stream.linear.scatter [tilespmem:s19], [sflag:$0x1], $0x400, $0x38;
	[tilespmem:$0x5C00] =	vst v63  }
0x30: {  	_ =	swait.ge [sflag:s20], $0x400  }
0x31: {  	[sflag:s20] =	ssyncset.done $0x0  }
0x32: {  	[sflag:s20] =	ssyncadd.s32 $0xFFFFFC00  }
0x33: {  	[spmem:s13] =	stream.linear.scatter [tilespmem:s19], [sflag:$0x1], $0x400, $0x38;
	[tilespmem:$0x5C00] =	vst v63  }
0x34: {  	_ =	swait.ge [sflag:s20], $0x400  }
0x35: {  	[sflag:s20] =	ssyncset.done $0x0  }
0x36: {  	[sflag:s20] =	ssyncadd.s32 $0xFFFFFC00  }
0x37: {  	[spmem:s14] =	stream.linear.scatter [tilespmem:s19], [sflag:$0x1], $0x400, $0x38;
	[tilespmem:$0x5C00] =	vst v63  }
0x38: {  	_ =	swait.ge [sflag:s20], $0x400  }
0x39: {  	[sflag:s20] =	ssyncset.done $0x0  }
0x3a: {  	[sflag:s20] =	ssyncadd.s32 $0xFFFFFC00  }
0x3b: {  	[spmem:s15] =	stream.linear.scatter [tilespmem:s19], [sflag:$0x1], $0x400, $0x38;
	[tilespmem:$0x5C00] =	vst v63  }
0x3c: {  	_ =	swait.ge [sflag:s20], $0x400  }
0x3d: {  	[sflag:s20] =	ssyncset.done $0x0  }
0x3e: {  	[sflag:s20] =	ssyncadd.s32 $0xFFFFFC00  }
0x3f: {  	[bflag:$0x0] =	sbarrier.arrive $0xFFFF  }
0x40: {  	[tilespmem:s5], [sflag:$0x1] =	stream.linear.gather [hbm4b:s16+s5], $0x2800, $0x38;
	[tilespmem:$0x5C00] =	vst v63  }
0x41: {  	_ =	swait.ge [sflag:s20], $0x2800  }
0x42: {  	[sflag:s20] =	ssyncset.done $0x0  }
0x43: {  	[sflag:s20] =	ssyncadd.s32 $0xFFFFD800  }
0x44: {  	[tilespmem:s21], [sflag:$0x1] =	stream.linear.gather [hbm4b:s1+s5], $0x800, $0x38;
	[tilespmem:$0x5C00] =	vst v63  }
0x45: {  	_ =	swait.ge [sflag:s20], $0x800  }
0x46: {  	[sflag:s20] =	ssyncset.done $0x0  }
0x47: {  	s26 =	simm.s32 $0x0;
	[sflag:s20] =	ssyncadd.s32 $0xFFFFF800  }
0x48: {  	[spmem:s4] =	stream.indirect.scatter.add.f32 [tilespmem:s21], [sflag:$0x1], $0x10, s26, s22, $0xb8;
	[tilespmem:$0x5C00] =	vst v63  }
0x49: {  	_ =	swait.ge [sflag:s20], $0x800  }
0x4a: {  	s26 =	simm.s32 $0x200;
	[sflag:s20] =	ssyncset.done $0x0  }
.LBB2_2:
0x4b: {  	s28 =	sshra.s32 s26, $0x2;
	[sflag:s20] =	ssyncadd.s32 $0xFFFFF800;
	p0 =	sne.s32 s26, $0x9E00  }
0x4c: {  	[spmem:s4] =	stream.indirect.scatter.add.f32 [tilespmem:s21], [sflag:$0x1], $0x10, s28, s22, $0xb8;
	[tilespmem:$0x5C00] =	vst v63  }
.Ltmp0:
0x4d: {  	_ = 	snop;
	(pc) =	sbr.rel @p0 .LBB2_2-.Ltmp0, $4  }
0x4e: {  	_ = 	snop  }
0x4f: {  	s26 =	sadd.s32 $0x200, s26  }
0x50: {  	_ =	swait.ge [sflag:s20], $0x800  }
0x51: {  	[sflag:s20] =	ssyncset.done $0x0  }
0x52: {  	s25 =	sadd.s32 $0x1, s25  }
0x53: {  	[sflag:s20] =	ssyncadd.s32 $0xFFFFF800;
	p0 =	sne.s32 s25, s18  }
.Ltmp1:
0x54: {  	[bflag:$0x0] =	sbarrier.arrive $0xFFFF;
	(pc) =	sbr.rel @p0 .LBB2_1-.Ltmp1, $4  }
0x55: {  	[hbm:s17], [sflag:s23] =	dma.local [spmem:s24], $0x500  }
0x56: {  	_ =	swait.ge [sflag:s20], $0x500  }
0x57: {  	[sflag:s20] =	ssyncset.done $0x0  }
0x58: {  	[sflag:s20] =	ssyncadd.s32 $0xFFFFFB00  }
0x59: {  	_ =	sfence.sel $0x180000  }
0x5a: {  	[bflag:$0x0] =	sbarrier.arrive $0xFFFF  }
0x5b: {  	p0 =	sne.s32 s0, $0x0;
	_ =	strace $0x90000047  }
0x5c: {  	s0 =	sadd.s32 @!p0 $0x100000, s2;
	[bflag:$0x2] =	sbarrier.arrive $0xFFFF  }
0x5d: {  	[sflag:s0] =	ssyncadd.tile.s32 @!p0 $0x1;
	_ =	shalt  }
.Lfunc_end2:
_tile_overlayer_lowered:
.L_overlay_start_2:
0x5e: {  	(tag) =	ssettag $0x2  }
0x5f: {  	s0 =	rddreg [dreg:$0x0];
	s2 =	stileid.u32  }
0x60: {  	s1 =	rddreg [dreg:$0x1];
	p0 =	sne.s32 s2, $0x0  }
0x61: {  	s3 =	rddreg [dreg:$0x2];
	[bflag:$0x3] =	sbarrier.arrive $0xFFFF;
	s2 =	simm.s32 @!p0 $0x1C01  }
0x62: {  	[timem:s3], [sflag:s2] =	dma.local @!p0 [hbm:s0], s1  }
0x63: {  	s0 =	simm.s32 @!p0 $0x1  }
0x64: {  	_ =	swait.ge @!p0 [sflag:s0], s1  }
0x65: {  	s1 =	ssub.s32 @!p0 $0x0, s1;
	[sflag:s0] =	ssyncset.done @!p0 $0x0  }
0x66: {  	[sflag:s0] =	ssyncadd.s32 @!p0 s1  }
0x67: {  	[bflag:$0x3] =	sbarrier.arrive $0xFFFF  }
0x68: {  	_ =	shalt  }

</sc_bundles>
